<compile_context>
chip_gen: v7x
topology: tpu7x:2x2x1
jax: 0.10.2.dev20260603
libtpu: 0.0.44.dev20260713+nightly
codegen_flags: <defaults>
</compile_context>

<pallas_src>
import functools

import jax
import jax.numpy as jnp
from jax import lax
from jax.experimental import pallas as pl
from jax.experimental.pallas import tpu as pltpu
from jax.experimental.pallas import tpu_sc as plsc

NUM_FRAMES = 64
TOKENS_PER_FRAME = 256
D_MODEL = 128
SPATIAL_DIM = 16
TOTAL_TOKENS = 16447

_FRAME_STRIDE = TOKENS_PER_FRAME + 1
_FP = 264
_FPB = 8
_TBL_ROWS = NUM_FRAMES * _FP

_NC, _NS = 2, 16
_NW = _NC * _NS
_B = 1024 * 512
_BPW = _B // _NW
_CH = 64
_NBUF = 8
_LOOK = 4
_NCH = _BPW // _CH


def _table_body(tw_ref, rw_ref, cw_ref, se_ref, out_ref):
    ii = lax.broadcasted_iota(jnp.int32, (TOKENS_PER_FRAME, 1), 0)
    lane = lax.broadcasted_iota(jnp.int32, (TOKENS_PER_FRAME, SPATIAL_DIM), 1)
    r_oh = ((ii >> 4) == lane).astype(jnp.float32)
    c_oh = ((ii & (SPATIAL_DIM - 1)) == lane).astype(jnp.float32)
    spatial = (jnp.dot(r_oh, rw_ref[...], preferred_element_type=jnp.float32)
               + jnp.dot(c_oh, cw_ref[...], preferred_element_type=jnp.float32))
    se = se_ref[...]
    f0 = pl.program_id(0) * _FPB
    for k in range(_FPB):
        tw_row = tw_ref[pl.ds(f0 + k, 1), :]
        base = k * _FP
        out_ref[pl.ds(base, 8), :] = jnp.broadcast_to(se + tw_row, (8, D_MODEL))
        out_ref[pl.ds(base + 8, TOKENS_PER_FRAME), :] = spatial + tw_row


def _build_table(temporal_w, row_w, col_w, start_emb):
    grid = (NUM_FRAMES // _FPB,)
    const = lambda shape: pl.BlockSpec(shape, lambda i: (0, 0))
    return pl.pallas_call(
        _table_body,
        grid=grid,
        in_specs=[const((NUM_FRAMES, D_MODEL)),
                  const((SPATIAL_DIM, D_MODEL)),
                  const((SPATIAL_DIM, D_MODEL)),
                  const((1, D_MODEL))],
        out_specs=pl.BlockSpec((_FPB * _FP, D_MODEL), lambda i: (i, 0)),
        out_shape=jax.ShapeDtypeStruct((_TBL_ROWS, D_MODEL), jnp.float32),
    )(temporal_w, row_w, col_w, start_emb)


def _gather_body(pos_hbm, table_hbm, out_hbm, idx_v, *scr):
    wid = lax.axis_index("s") * _NC + lax.axis_index("c")
    base = wid * _BPW
    pltpu.sync_copy(pos_hbm.at[pl.ds(base, _BPW)], idx_v)
    ridx = scr[:_NBUF]
    bufs = scr[_NBUF:2 * _NBUF]
    gsems = scr[2 * _NBUF:3 * _NBUF]
    wsems = scr[3 * _NBUF:4 * _NBUF]

    def remap(g, b):
        o = g * _CH
        for k in range(_CH // 16):
            t = idx_v[pl.ds(o + k * 16, 16)]
            u = jnp.maximum(t - TOKENS_PER_FRAME, 0)
            q = lax.shift_right_logical(u * 65281, 24)
            j = u - q * _FRAME_STRIDE
            p = jnp.where(t < TOKENS_PER_FRAME, t + 8,
                          (q + 1) * _FP + 7 + j)
            ridx[b][pl.ds(k * 16, 16)] = p

    def gather(b):
        return pltpu.make_async_copy(table_hbm.at[ridx[b]], bufs[b], gsems[b])

    def write(g, b):
        return pltpu.make_async_copy(
            bufs[b], out_hbm.at[pl.ds(base + g * _CH, _CH)], wsems[b])

    for b in range(_LOOK):
        remap(b, b)
        gather(b).start()

    def outer(t, carry):
        for b in range(_NBUF):
            g = t * _NBUF + b
            gather(b).wait()
            write(g, b).start()
            nb = (b + _LOOK) % _NBUF

            @pl.when(g + _LOOK < _NCH)
            def _():
                pl.when(g >= _NBUF - _LOOK)(
                    lambda: write(g + _LOOK - _NBUF, nb).wait())
                remap(g + _LOOK, nb)
                gather(nb).start()
        return carry

    lax.fori_loop(0, _NCH // _NBUF, outer, 0)
    for k in range(_NBUF):
        g = _NCH - _NBUF + k
        write(g, g % _NBUF).wait()


def _run_gather(pos_flat, table):
    mesh = plsc.VectorSubcoreMesh(core_axis_name="c", subcore_axis_name="s")
    k = pl.kernel(
        _gather_body,
        out_type=jax.ShapeDtypeStruct((_B, D_MODEL), jnp.float32),
        mesh=mesh,
        scratch_types=(
            [pltpu.VMEM((_BPW,), jnp.int32)]
            + [pltpu.VMEM((_CH,), jnp.int32)] * _NBUF
            + [pltpu.VMEM((_CH, D_MODEL), jnp.float32)] * _NBUF
            + [pltpu.SemaphoreType.DMA] * (2 * _NBUF)
        ),
    )
    return k(pos_flat, table)


def kernel(pos, temporal_w, row_w, col_w, start_emb,
           frame_indices, row_indices, col_indices, is_start):
    del frame_indices, row_indices, col_indices, is_start
    table = _build_table(temporal_w, row_w, col_w,
                         start_emb.reshape(1, D_MODEL))
    pos_flat = pos.reshape(-1)
    out_flat = _run_gather(pos_flat, table)
    return out_flat.reshape(pos.shape + (D_MODEL,))

# --- scband reference (transcript-rebuilt; emitter-appended) ---
"""Pipeline reference for scband-spatio-temporal-positional-embedding-with-start-88828513616461 (READ-ONLY COPY).

The authoritative reference and input builder live on the scoring server;
editing this copy changes nothing except your own understanding.
"""

import jax, jax.numpy as jnp
import numpy as np

NUM_FRAMES = 64
TOKENS_PER_FRAME = 256
D_MODEL = 128
SPATIAL_DIM = 16


def _build_indices():
    fi, ri, ci, st = [], [], [], []
    for i in range(TOKENS_PER_FRAME):
        fi.append(0); st.append(False)
        ri.append(i // SPATIAL_DIM); ci.append(i % SPATIAL_DIM)
    for f in range(1, NUM_FRAMES):
        fi.append(f); st.append(True); ri.append(0); ci.append(0)
        for i in range(TOKENS_PER_FRAME):
            fi.append(f); st.append(False)
            ri.append(i // SPATIAL_DIM); ci.append(i % SPATIAL_DIM)
    return (np.asarray(fi, np.int32), np.asarray(ri, np.int32),
            np.asarray(ci, np.int32), np.asarray(st, bool))


def setup_inputs(seed: int = 0) -> dict:
    key = jax.random.key(seed)
    k1, k2, k3, k4 = jax.random.split(key, 4)
    fi, ri, ci, st = _build_indices()
    total_tokens = fi.shape[0]  # 16447
    return {
        "pos": jax.random.randint(k4, (1024, 512), 0, total_tokens, dtype=jnp.int32),
        "temporal_w": jax.random.normal(k1, (NUM_FRAMES, D_MODEL), dtype=jnp.float32),
        "row_w": jax.random.normal(k2, (SPATIAL_DIM, D_MODEL), dtype=jnp.float32),
        "col_w": jax.random.normal(k3, (SPATIAL_DIM, D_MODEL), dtype=jnp.float32),
        "start_emb": jnp.zeros((D_MODEL,), dtype=jnp.float32),
        "frame_indices": jnp.asarray(fi),
        "row_indices": jnp.asarray(ri),
        "col_indices": jnp.asarray(ci),
        "is_start": jnp.asarray(st),
    }


def reference(pos, temporal_w, row_w, col_w, start_emb,
              frame_indices, row_indices, col_indices, is_start):
    temp_emb = jnp.take(temporal_w, frame_indices, axis=0)
    normal_spatial = jnp.take(row_w, row_indices, axis=0) + jnp.take(col_w, col_indices, axis=0)
    spatial_emb = jnp.where(is_start[:, None],
                            jnp.broadcast_to(start_emb[None, :], normal_spatial.shape),
                            normal_spatial)
    pos_emb = temp_emb + spatial_emb  # [total_tokens, d_model]
    return jnp.take(pos_emb, pos, axis=0)  # [1024, 512, d_model]

if __name__ == "__main__":
    import jax
    _d = setup_inputs()
    print(jax.jit(kernel)(*tuple(_d.values())))

</pallas_src>

<mosaic_0001>
#map = affine_map<(d0, d1) -> (0)>
#map1 = affine_map<(d0, d1) -> (0, 0)>
module attributes {stable_mosaic.version = 14 : i64} {
  func.func @_gather_body(%arg0: i32, %arg1: i32, %arg2: memref<524288xi32, #tpu.memory_space<hbm>>, %arg3: memref<16896x128xf32, #tpu.memory_space<hbm>>, %arg4: memref<524288x128xf32, #tpu.memory_space<hbm>>, %arg5: memref<16384xi32, #tpu.memory_space<vmem>>, %arg6: memref<64xi32, #tpu.memory_space<vmem>>, %arg7: memref<64xi32, #tpu.memory_space<vmem>>, %arg8: memref<64xi32, #tpu.memory_space<vmem>>, %arg9: memref<64xi32, #tpu.memory_space<vmem>>, %arg10: memref<64xi32, #tpu.memory_space<vmem>>, %arg11: memref<64xi32, #tpu.memory_space<vmem>>, %arg12: memref<64xi32, #tpu.memory_space<vmem>>, %arg13: memref<64xi32, #tpu.memory_space<vmem>>, %arg14: memref<64x128xf32, #tpu.memory_space<vmem>>, %arg15: memref<64x128xf32, #tpu.memory_space<vmem>>, %arg16: memref<64x128xf32, #tpu.memory_space<vmem>>, %arg17: memref<64x128xf32, #tpu.memory_space<vmem>>, %arg18: memref<64x128xf32, #tpu.memory_space<vmem>>, %arg19: memref<64x128xf32, #tpu.memory_space<vmem>>, %arg20: memref<64x128xf32, #tpu.memory_space<vmem>>, %arg21: memref<64x128xf32, #tpu.memory_space<vmem>>, %arg22: memref<!tpu.dma_semaphore, #tpu.memory_space<semaphore_mem>>, %arg23: memref<!tpu.dma_semaphore, #tpu.memory_space<semaphore_mem>>, %arg24: memref<!tpu.dma_semaphore, #tpu.memory_space<semaphore_mem>>, %arg25: memref<!tpu.dma_semaphore, #tpu.memory_space<semaphore_mem>>, %arg26: memref<!tpu.dma_semaphore, #tpu.memory_space<semaphore_mem>>, %arg27: memref<!tpu.dma_semaphore, #tpu.memory_space<semaphore_mem>>, %arg28: memref<!tpu.dma_semaphore, #tpu.memory_space<semaphore_mem>>, %arg29: memref<!tpu.dma_semaphore, #tpu.memory_space<semaphore_mem>>, %arg30: memref<!tpu.dma_semaphore, #tpu.memory_space<semaphore_mem>>, %arg31: memref<!tpu.dma_semaphore, #tpu.memory_space<semaphore_mem>>, %arg32: memref<!tpu.dma_semaphore, #tpu.memory_space<semaphore_mem>>, %arg33: memref<!tpu.dma_semaphore, #tpu.memory_space<semaphore_mem>>, %arg34: memref<!tpu.dma_semaphore, #tpu.memory_space<semaphore_mem>>, %arg35: memref<!tpu.dma_semaphore, #tpu.memory_space<semaphore_mem>>, %arg36: memref<!tpu.dma_semaphore, #tpu.memory_space<semaphore_mem>>, %arg37: memref<!tpu.dma_semaphore, #tpu.memory_space<semaphore_mem>>) attributes {dimension_semantics = [#tpu.dimension_semantics<core_parallel>, #tpu.dimension_semantics<subcore_parallel>], iteration_bounds = array<i64: 2, 16>, scalar_prefetch = 0 : i64, scratch_operands = 33 : i64, tpu.core_type = #tpu.core_type<sc_vector_subcore>, window_params = [{transform_indices = #map}, {transform_indices = #map1}, {transform_indices = #map1}]} {
    %mul3A = arith.constant 2 : i32
    %mul3A_0 = arith.muli %arg1, %mul3A : i32
    %add3A = arith.addi %mul3A_0, %arg0 : i32
    %mul3A_1 = arith.constant 16384 : i32
    %mul3A_2 = arith.muli %add3A, %mul3A_1 : i32
    "tpu.region"() ({
      %run_scoped3A = tpu.sem_alloc : memref<!tpu.dma_semaphore, #tpu.memory_space<semaphore_mem>>
      %dma_start3A_699 = tpu.memref_slice %arg2[%mul3A_2] : memref<524288xi32, #tpu.memory_space<hbm>> -> memref<16384xi32, #tpu.memory_space<hbm>>
      %dma_start3A_700 = tpu.memref_slice %arg2[%mul3A_2] : memref<524288xi32, #tpu.memory_space<hbm>> -> memref<16384xi32, #tpu.memory_space<hbm>>
      tpu.enqueue_dma source(%dma_start3A_700 : memref<16384xi32, #tpu.memory_space<hbm>>) target(%arg5 : memref<16384xi32, #tpu.memory_space<vmem>>) target_semaphore(%run_scoped3A : memref<!tpu.dma_semaphore, #tpu.memory_space<semaphore_mem>>)
      %dma_wait3A_701 = tpu.memref_slice %arg2[%mul3A_2] : memref<524288xi32, #tpu.memory_space<hbm>> -> memref<16384xi32, #tpu.memory_space<hbm>>
      %dma_wait3A_702 = tpu.memref_slice %arg2[%mul3A_2] : memref<524288xi32, #tpu.memory_space<hbm>> -> memref<16384xi32, #tpu.memory_space<hbm>>
      tpu.wait_dma2 semaphore(%run_scoped3A : memref<!tpu.dma_semaphore, #tpu.memory_space<semaphore_mem>>) src(%dma_wait3A_702 : memref<16384xi32, #tpu.memory_space<hbm>>) dst(%arg5 : memref<16384xi32, #tpu.memory_space<vmem>>)
      tpu.yield
    }) : () -> ()
    %get3A = arith.constant 0 : index
    %get3A_3 = tpu.vector_load %arg5[%get3A] {strides = array<i32>} : memref<16384xi32, #tpu.memory_space<vmem>>, vector<16xi32>,
    %get3A_4 = vector.shape_cast %get3A_3 : vector<16xi32> to vector<16xi32>
    %sub3A = arith.constant 256 : i32
    %sub3A_5 = vector.broadcast %sub3A : i32 to vector<16xi32>
    %sub3A_6 = arith.subi %get3A_4, %sub3A_5 : vector<16xi32>
    %max3A = arith.constant 0 : i32
    %max3A_7 = vector.broadcast %max3A : i32 to vector<16xi32>
    %max3A_8 = arith.maxsi %sub3A_6, %max3A_7 : vector<16xi32>
    %mul3A_9 = arith.constant 65281 : i32
    %mul3A_10 = vector.broadcast %mul3A_9 : i32 to vector<16xi32>
    %mul3A_11 = arith.muli %max3A_8, %mul3A_10 : vector<16xi32>
    %shift_right_logical3A = arith.constant 24 : i32
    %shift_right_logical3A_12 = vector.broadcast %shift_right_logical3A : i32 to vector<16xi32>
    %shift_right_logical3A_13 = arith.shrui %mul3A_11, %shift_right_logical3A_12 : vector<16xi32>
    %mul3A_14 = arith.constant 257 : i32
    %mul3A_15 = vector.broadcast %mul3A_14 : i32 to vector<16xi32>
    %mul3A_16 = arith.muli %shift_right_logical3A_13, %mul3A_15 : vector<16xi32>
    %sub3A_17 = arith.subi %max3A_8, %mul3A_16 : vector<16xi32>
    %lt3A = arith.constant 256 : i32
    %lt3A_18 = vector.broadcast %lt3A : i32 to vector<16xi32>
    %lt3A_19 = arith.cmpi slt, %get3A_4, %lt3A_18 : vector<16xi32>
    %add3A_20 = arith.constant 8 : i32
    %add3A_21 = vector.broadcast %add3A_20 : i32 to vector<16xi32>
    %add3A_22 = arith.addi %get3A_4, %add3A_21 : vector<16xi32>
    %add3A_23 = arith.constant 1 : i32
    %add3A_24 = vector.broadcast %add3A_23 : i32 to vector<16xi32>
    %add3A_25 = arith.addi %shift_right_logical3A_13, %add3A_24 : vector<16xi32>
    %mul3A_26 = arith.constant 264 : i32
    %mul3A_27 = vector.broadcast %mul3A_26 : i32 to vector<16xi32>
    %mul3A_28 = arith.muli %add3A_25, %mul3A_27 : vector<16xi32>
    %add3A_29 = arith.constant 7 : i32
    %add3A_30 = vector.broadcast %add3A_29 : i32 to vector<16xi32>
    %add3A_31 = arith.addi %mul3A_28, %add3A_30 : vector<16xi32>
    %add3A_32 = arith.addi %add3A_31, %sub3A_17 : vector<16xi32>
    %select_n3A = arith.select %lt3A_19, %add3A_22, %add3A_32 : vector<16xi1>, vector<16xi32>
    %swap3A = arith.constant 0 : index
    %swap3A_33 = tpu.vector_load %arg6[%swap3A] {strides = array<i32>} : memref<64xi32, #tpu.memory_space<vmem>>, vector<16xi32>,
    %swap3A_34 = vector.shape_cast %swap3A_33 : vector<16xi32> to vector<16xi32>
    %swap3A_35 = vector.shape_cast %select_n3A : vector<16xi32> to vector<16xi32>
    tpu.vector_store %arg6[%swap3A], %swap3A_35 {strides = array<i32>} : memref<64xi32, #tpu.memory_space<vmem>>, vector<16xi32>,
    %get3A_36 = arith.constant 16 : index
    %get3A_37 = tpu.vector_load %arg5[%get3A_36] {strides = array<i32>} : memref<16384xi32, #tpu.memory_space<vmem>>, vector<16xi32>,
    %get3A_38 = vector.shape_cast %get3A_37 : vector<16xi32> to vector<16xi32>
    %sub3A_39 = arith.constant 256 : i32
    %sub3A_40 = vector.broadcast %sub3A_39 : i32 to vector<16xi32>
    %sub3A_41 = arith.subi %get3A_38, %sub3A_40 : vector<16xi32>
    %max3A_42 = arith.constant 0 : i32
    %max3A_43 = vector.broadcast %max3A_42 : i32 to vector<16xi32>
    %max3A_44 = arith.maxsi %sub3A_41, %max3A_43 : vector<16xi32>
    %mul3A_45 = arith.constant 65281 : i32
    %mul3A_46 = vector.broadcast %mul3A_45 : i32 to vector<16xi32>
    %mul3A_47 = arith.muli %max3A_44, %mul3A_46 : vector<16xi32>
    %shift_right_logical3A_48 = arith.constant 24 : i32
    %shift_right_logical3A_49 = vector.broadcast %shift_right_logical3A_48 : i32 to vector<16xi32>
    %shift_right_logical3A_50 = arith.shrui %mul3A_47, %shift_right_logical3A_49 : vector<16xi32>
    %mul3A_51 = arith.constant 257 : i32
    %mul3A_52 = vector.broadcast %mul3A_51 : i32 to vector<16xi32>
    %mul3A_53 = arith.muli %shift_right_logical3A_50, %mul3A_52 : vector<16xi32>
    %sub3A_54 = arith.subi %max3A_44, %mul3A_53 : vector<16xi32>
    %lt3A_55 = arith.constant 256 : i32
    %lt3A_56 = vector.broadcast %lt3A_55 : i32 to vector<16xi32>
    %lt3A_57 = arith.cmpi slt, %get3A_38, %lt3A_56 : vector<16xi32>
    %add3A_58 = arith.constant 8 : i32
    %add3A_59 = vector.broadcast %add3A_58 : i32 to vector<16xi32>
    %add3A_60 = arith.addi %get3A_38, %add3A_59 : vector<16xi32>
    %add3A_61 = arith.constant 1 : i32
    %add3A_62 = vector.broadcast %add3A_61 : i32 to vector<16xi32>
    %add3A_63 = arith.addi %shift_right_logical3A_50, %add3A_62 : vector<16xi32>
    %mul3A_64 = arith.constant 264 : i32
    %mul3A_65 = vector.broadcast %mul3A_64 : i32 to vector<16xi32>
    %mul3A_66 = arith.muli %add3A_63, %mul3A_65 : vector<16xi32>
    %add3A_67 = arith.constant 7 : i32
    %add3A_68 = vector.broadcast %add3A_67 : i32 to vector<16xi32>
    %add3A_69 = arith.addi %mul3A_66, %add3A_68 : vector<16xi32>
    %add3A_70 = arith.addi %add3A_69, %sub3A_54 : vector<16xi32>
    %select_n3A_71 = arith.select %lt3A_57, %add3A_60, %add3A_70 : vector<16xi1>, vector<16xi32>
    %swap3A_72 = arith.constant 16 : index
    %swap3A_73 = tpu.vector_load %arg6[%swap3A_72] {strides = array<i32>} : memref<64xi32, #tpu.memory_space<vmem>>, vector<16xi32>,
    %swap3A_74 = vector.shape_cast %swap3A_73 : vector<16xi32> to vector<16xi32>
    %swap3A_75 = vector.shape_cast %select_n3A_71 : vector<16xi32> to vector<16xi32>
    tpu.vector_store %arg6[%swap3A_72], %swap3A_75 {strides = array<i32>} : memref<64xi32, #tpu.memory_space<vmem>>, vector<16xi32>,
    %get3A_76 = arith.constant 32 : index
    %get3A_77 = tpu.vector_load %arg5[%get3A_76] {strides = array<i32>} : memref<16384xi32, #tpu.memory_space<vmem>>, vector<16xi32>,
    %get3A_78 = vector.shape_cast %get3A_77 : vector<16xi32> to vector<16xi32>
    %sub3A_79 = arith.constant 256 : i32
    %sub3A_80 = vector.broadcast %sub3A_79 : i32 to vector<16xi32>
    %sub3A_81 = arith.subi %get3A_78, %sub3A_80 : vector<16xi32>
    %max3A_82 = arith.constant 0 : i32
    %max3A_83 = vector.broadcast %max3A_82 : i32 to vector<16xi32>
    %max3A_84 = arith.maxsi %sub3A_81, %max3A_83 : vector<16xi32>
    %mul3A_85 = arith.constant 65281 : i32
    %mul3A_86 = vector.broadcast %mul3A_85 : i32 to vector<16xi32>
    %mul3A_87 = arith.muli %max3A_84, %mul3A_86 : vector<16xi32>
    %shift_right_logical3A_88 = arith.constant 24 : i32
    %shift_right_logical3A_89 = vector.broadcast %shift_right_logical3A_88 : i32 to vector<16xi32>
    %shift_right_logical3A_90 = arith.shrui %mul3A_87, %shift_right_logical3A_89 : vector<16xi32>
    %mul3A_91 = arith.constant 257 : i32
    %mul3A_92 = vector.broadcast %mul3A_91 : i32 to vector<16xi32>
    %mul3A_93 = arith.muli %shift_right_logical3A_90, %mul3A_92 : vector<16xi32>
    %sub3A_94 = arith.subi %max3A_84, %mul3A_93 : vector<16xi32>
    %lt3A_95 = arith.constant 256 : i32
    %lt3A_96 = vector.broadcast %lt3A_95 : i32 to vector<16xi32>
    %lt3A_97 = arith.cmpi slt, %get3A_78, %lt3A_96 : vector<16xi32>
    %add3A_98 = arith.constant 8 : i32
    %add3A_99 = vector.broadcast %add3A_98 : i32 to vector<16xi32>
    %add3A_100 = arith.addi %get3A_78, %add3A_99 : vector<16xi32>
    %add3A_101 = arith.constant 1 : i32
    %add3A_102 = vector.broadcast %add3A_101 : i32 to vector<16xi32>
    %add3A_103 = arith.addi %shift_right_logical3A_90, %add3A_102 : vector<16xi32>
    %mul3A_104 = arith.constant 264 : i32
    %mul3A_105 = vector.broadcast %mul3A_104 : i32 to vector<16xi32>
    %mul3A_106 = arith.muli %add3A_103, %mul3A_105 : vector<16xi32>
    %add3A_107 = arith.constant 7 : i32
    %add3A_108 = vector.broadcast %add3A_107 : i32 to vector<16xi32>
    %add3A_109 = arith.addi %mul3A_106, %add3A_108 : vector<16xi32>
    %add3A_110 = arith.addi %add3A_109, %sub3A_94 : vector<16xi32>
    %select_n3A_111 = arith.select %lt3A_97, %add3A_100, %add3A_110 : vector<16xi1>, vector<16xi32>
    %swap3A_112 = arith.constant 32 : index
    %swap3A_113 = tpu.vector_load %arg6[%swap3A_112] {strides = array<i32>} : memref<64xi32, #tpu.memory_space<vmem>>, vector<16xi32>,
    %swap3A_114 = vector.shape_cast %swap3A_113 : vector<16xi32> to vector<16xi32>
    %swap3A_115 = vector.shape_cast %select_n3A_111 : vector<16xi32> to vector<16xi32>
    tpu.vector_store %arg6[%swap3A_112], %swap3A_115 {strides = array<i32>} : memref<64xi32, #tpu.memory_space<vmem>>, vector<16xi32>,
    %get3A_116 = arith.constant 48 : index
    %get3A_117 = tpu.vector_load %arg5[%get3A_116] {strides = array<i32>} : memref<16384xi32, #tpu.memory_space<vmem>>, vector<16xi32>,
    %get3A_118 = vector.shape_cast %get3A_117 : vector<16xi32> to vector<16xi32>
    %sub3A_119 = arith.constant 256 : i32
    %sub3A_120 = vector.broadcast %sub3A_119 : i32 to vector<16xi32>
    %sub3A_121 = arith.subi %get3A_118, %sub3A_120 : vector<16xi32>
    %max3A_122 = arith.constant 0 : i32
    %max3A_123 = vector.broadcast %max3A_122 : i32 to vector<16xi32>
    %max3A_124 = arith.maxsi %sub3A_121, %max3A_123 : vector<16xi32>
    %mul3A_125 = arith.constant 65281 : i32
    %mul3A_126 = vector.broadcast %mul3A_125 : i32 to vector<16xi32>
    %mul3A_127 = arith.muli %max3A_124, %mul3A_126 : vector<16xi32>
    %shift_right_logical3A_128 = arith.constant 24 : i32
    %shift_right_logical3A_129 = vector.broadcast %shift_right_logical3A_128 : i32 to vector<16xi32>
    %shift_right_logical3A_130 = arith.shrui %mul3A_127, %shift_right_logical3A_129 : vector<16xi32>
    %mul3A_131 = arith.constant 257 : i32
    %mul3A_132 = vector.broadcast %mul3A_131 : i32 to vector<16xi32>
    %mul3A_133 = arith.muli %shift_right_logical3A_130, %mul3A_132 : vector<16xi32>
    %sub3A_134 = arith.subi %max3A_124, %mul3A_133 : vector<16xi32>
    %lt3A_135 = arith.constant 256 : i32
    %lt3A_136 = vector.broadcast %lt3A_135 : i32 to vector<16xi32>
    %lt3A_137 = arith.cmpi slt, %get3A_118, %lt3A_136 : vector<16xi32>
    %add3A_138 = arith.constant 8 : i32
    %add3A_139 = vector.broadcast %add3A_138 : i32 to vector<16xi32>
    %add3A_140 = arith.addi %get3A_118, %add3A_139 : vector<16xi32>
    %add3A_141 = arith.constant 1 : i32
    %add3A_142 = vector.broadcast %add3A_141 : i32 to vector<16xi32>
    %add3A_143 = arith.addi %shift_right_logical3A_130, %add3A_142 : vector<16xi32>
    %mul3A_144 = arith.constant 264 : i32
    %mul3A_145 = vector.broadcast %mul3A_144 : i32 to vector<16xi32>
    %mul3A_146 = arith.muli %add3A_143, %mul3A_145 : vector<16xi32>
    %add3A_147 = arith.constant 7 : i32
    %add3A_148 = vector.broadcast %add3A_147 : i32 to vector<16xi32>
    %add3A_149 = arith.addi %mul3A_146, %add3A_148 : vector<16xi32>
    %add3A_150 = arith.addi %add3A_149, %sub3A_134 : vector<16xi32>
    %select_n3A_151 = arith.select %lt3A_137, %add3A_140, %add3A_150 : vector<16xi1>, vector<16xi32>
    %swap3A_152 = arith.constant 48 : index
    %swap3A_153 = tpu.vector_load %arg6[%swap3A_152] {strides = array<i32>} : memref<64xi32, #tpu.memory_space<vmem>>, vector<16xi32>,
    %swap3A_154 = vector.shape_cast %swap3A_153 : vector<16xi32> to vector<16xi32>
    %swap3A_155 = vector.shape_cast %select_n3A_151 : vector<16xi32> to vector<16xi32>
    tpu.vector_store %arg6[%swap3A_152], %swap3A_155 {strides = array<i32>} : memref<64xi32, #tpu.memory_space<vmem>>, vector<16xi32>,
    %dma_start3A = arith.constant 0 : i32
    %dma_start3A_156 = arith.constant 0 : i32
    %dma_start3A_157 = tpu.memref_slice %arg3[%dma_start3A, %dma_start3A_156] : memref<16896x128xf32, #tpu.memory_space<hbm>> -> memref<16896x128xf32, #tpu.memory_space<hbm>>
    tpu.enqueue_indirect_dma source(%dma_start3A_157 : memref<16896x128xf32, #tpu.memory_space<hbm>>) target(%arg14 : memref<64x128xf32, #tpu.memory_space<vmem>>) offsets(%arg6 : memref<64xi32, #tpu.memory_space<vmem>>) semaphore(%arg22 : memref<!tpu.dma_semaphore, #tpu.memory_space<semaphore_mem>>)
    %get3A_158 = arith.constant 64 : index
    %get3A_159 = tpu.vector_load %arg5[%get3A_158] {strides = array<i32>} : memref<16384xi32, #tpu.memory_space<vmem>>, vector<16xi32>,
    %get3A_160 = vector.shape_cast %get3A_159 : vector<16xi32> to vector<16xi32>
    %sub3A_161 = arith.constant 256 : i32
    %sub3A_162 = vector.broadcast %sub3A_161 : i32 to vector<16xi32>
    %sub3A_163 = arith.subi %get3A_160, %sub3A_162 : vector<16xi32>
    %max3A_164 = arith.constant 0 : i32
    %max3A_165 = vector.broadcast %max3A_164 : i32 to vector<16xi32>
    %max3A_166 = arith.maxsi %sub3A_163, %max3A_165 : vector<16xi32>
    %mul3A_167 = arith.constant 65281 : i32
    %mul3A_168 = vector.broadcast %mul3A_167 : i32 to vector<16xi32>
    %mul3A_169 = arith.muli %max3A_166, %mul3A_168 : vector<16xi32>
    %shift_right_logical3A_170 = arith.constant 24 : i32
    %shift_right_logical3A_171 = vector.broadcast %shift_right_logical3A_170 : i32 to vector<16xi32>
    %shift_right_logical3A_172 = arith.shrui %mul3A_169, %shift_right_logical3A_171 : vector<16xi32>
    %mul3A_173 = arith.constant 257 : i32
    %mul3A_174 = vector.broadcast %mul3A_173 : i32 to vector<16xi32>
    %mul3A_175 = arith.muli %shift_right_logical3A_172, %mul3A_174 : vector<16xi32>
    %sub3A_176 = arith.subi %max3A_166, %mul3A_175 : vector<16xi32>
    %lt3A_177 = arith.constant 256 : i32
    %lt3A_178 = vector.broadcast %lt3A_177 : i32 to vector<16xi32>
    %lt3A_179 = arith.cmpi slt, %get3A_160, %lt3A_178 : vector<16xi32>
    %add3A_180 = arith.constant 8 : i32
    %add3A_181 = vector.broadcast %add3A_180 : i32 to vector<16xi32>
    %add3A_182 = arith.addi %get3A_160, %add3A_181 : vector<16xi32>
    %add3A_183 = arith.constant 1 : i32
    %add3A_184 = vector.broadcast %add3A_183 : i32 to vector<16xi32>
    %add3A_185 = arith.addi %shift_right_logical3A_172, %add3A_184 : vector<16xi32>
    %mul3A_186 = arith.constant 264 : i32
    %mul3A_187 = vector.broadcast %mul3A_186 : i32 to vector<16xi32>
    %mul3A_188 = arith.muli %add3A_185, %mul3A_187 : vector<16xi32>
    %add3A_189 = arith.constant 7 : i32
    %add3A_190 = vector.broadcast %add3A_189 : i32 to vector<16xi32>
    %add3A_191 = arith.addi %mul3A_188, %add3A_190 : vector<16xi32>
    %add3A_192 = arith.addi %add3A_191, %sub3A_176 : vector<16xi32>
    %select_n3A_193 = arith.select %lt3A_179, %add3A_182, %add3A_192 : vector<16xi1>, vector<16xi32>
    %swap3A_194 = arith.constant 0 : index
    %swap3A_195 = tpu.vector_load %arg7[%swap3A_194] {strides = array<i32>} : memref<64xi32, #tpu.memory_space<vmem>>, vector<16xi32>,
    %swap3A_196 = vector.shape_cast %swap3A_195 : vector<16xi32> to vector<16xi32>
    %swap3A_197 = vector.shape_cast %select_n3A_193 : vector<16xi32> to vector<16xi32>
    tpu.vector_store %arg7[%swap3A_194], %swap3A_197 {strides = array<i32>} : memref<64xi32, #tpu.memory_space<vmem>>, vector<16xi32>,
    %get3A_198 = arith.constant 80 : index
    %get3A_199 = tpu.vector_load %arg5[%get3A_198] {strides = array<i32>} : memref<16384xi32, #tpu.memory_space<vmem>>, vector<16xi32>,
    %get3A_200 = vector.shape_cast %get3A_199 : vector<16xi32> to vector<16xi32>
    %sub3A_201 = arith.constant 256 : i32
    %sub3A_202 = vector.broadcast %sub3A_201 : i32 to vector<16xi32>
    %sub3A_203 = arith.subi %get3A_200, %sub3A_202 : vector<16xi32>
    %max3A_204 = arith.constant 0 : i32
    %max3A_205 = vector.broadcast %max3A_204 : i32 to vector<16xi32>
    %max3A_206 = arith.maxsi %sub3A_203, %max3A_205 : vector<16xi32>
    %mul3A_207 = arith.constant 65281 : i32
    %mul3A_208 = vector.broadcast %mul3A_207 : i32 to vector<16xi32>
    %mul3A_209 = arith.muli %max3A_206, %mul3A_208 : vector<16xi32>
    %shift_right_logical3A_210 = arith.constant 24 : i32
    %shift_right_logical3A_211 = vector.broadcast %shift_right_logical3A_210 : i32 to vector<16xi32>
    %shift_right_logical3A_212 = arith.shrui %mul3A_209, %shift_right_logical3A_211 : vector<16xi32>
    %mul3A_213 = arith.constant 257 : i32
    %mul3A_214 = vector.broadcast %mul3A_213 : i32 to vector<16xi32>
    %mul3A_215 = arith.muli %shift_right_logical3A_212, %mul3A_214 : vector<16xi32>
    %sub3A_216 = arith.subi %max3A_206, %mul3A_215 : vector<16xi32>
    %lt3A_217 = arith.constant 256 : i32
    %lt3A_218 = vector.broadcast %lt3A_217 : i32 to vector<16xi32>
    %lt3A_219 = arith.cmpi slt, %get3A_200, %lt3A_218 : vector<16xi32>
    %add3A_220 = arith.constant 8 : i32
    %add3A_221 = vector.broadcast %add3A_220 : i32 to vector<16xi32>
    %add3A_222 = arith.addi %get3A_200, %add3A_221 : vector<16xi32>
    %add3A_223 = arith.constant 1 : i32
    %add3A_224 = vector.broadcast %add3A_223 : i32 to vector<16xi32>
    %add3A_225 = arith.addi %shift_right_logical3A_212, %add3A_224 : vector<16xi32>
    %mul3A_226 = arith.constant 264 : i32
    %mul3A_227 = vector.broadcast %mul3A_226 : i32 to vector<16xi32>
    %mul3A_228 = arith.muli %add3A_225, %mul3A_227 : vector<16xi32>
    %add3A_229 = arith.constant 7 : i32
    %add3A_230 = vector.broadcast %add3A_229 : i32 to vector<16xi32>
    %add3A_231 = arith.addi %mul3A_228, %add3A_230 : vector<16xi32>
    %add3A_232 = arith.addi %add3A_231, %sub3A_216 : vector<16xi32>
    %select_n3A_233 = arith.select %lt3A_219, %add3A_222, %add3A_232 : vector<16xi1>, vector<16xi32>
    %swap3A_234 = arith.constant 16 : index
    %swap3A_235 = tpu.vector_load %arg7[%swap3A_234] {strides = array<i32>} : memref<64xi32, #tpu.memory_space<vmem>>, vector<16xi32>,
    %swap3A_236 = vector.shape_cast %swap3A_235 : vector<16xi32> to vector<16xi32>
    %swap3A_237 = vector.shape_cast %select_n3A_233 : vector<16xi32> to vector<16xi32>
    tpu.vector_store %arg7[%swap3A_234], %swap3A_237 {strides = array<i32>} : memref<64xi32, #tpu.memory_space<vmem>>, vector<16xi32>,
    %get3A_238 = arith.constant 96 : index
    %get3A_239 = tpu.vector_load %arg5[%get3A_238] {strides = array<i32>} : memref<16384xi32, #tpu.memory_space<vmem>>, vector<16xi32>,
    %get3A_240 = vector.shape_cast %get3A_239 : vector<16xi32> to vector<16xi32>
    %sub3A_241 = arith.constant 256 : i32
    %sub3A_242 = vector.broadcast %sub3A_241 : i32 to vector<16xi32>
    %sub3A_243 = arith.subi %get3A_240, %sub3A_242 : vector<16xi32>
    %max3A_244 = arith.constant 0 : i32
    %max3A_245 = vector.broadcast %max3A_244 : i32 to vector<16xi32>
    %max3A_246 = arith.maxsi %sub3A_243, %max3A_245 : vector<16xi32>
    %mul3A_247 = arith.constant 65281 : i32
    %mul3A_248 = vector.broadcast %mul3A_247 : i32 to vector<16xi32>
    %mul3A_249 = arith.muli %max3A_246, %mul3A_248 : vector<16xi32>
    %shift_right_logical3A_250 = arith.constant 24 : i32
    %shift_right_logical3A_251 = vector.broadcast %shift_right_logical3A_250 : i32 to vector<16xi32>
    %shift_right_logical3A_252 = arith.shrui %mul3A_249, %shift_right_logical3A_251 : vector<16xi32>
    %mul3A_253 = arith.constant 257 : i32
    %mul3A_254 = vector.broadcast %mul3A_253 : i32 to vector<16xi32>
    %mul3A_255 = arith.muli %shift_right_logical3A_252, %mul3A_254 : vector<16xi32>
    %sub3A_256 = arith.subi %max3A_246, %mul3A_255 : vector<16xi32>
    %lt3A_257 = arith.constant 256 : i32
    %lt3A_258 = vector.broadcast %lt3A_257 : i32 to vector<16xi32>
    %lt3A_259 = arith.cmpi slt, %get3A_240, %lt3A_258 : vector<16xi32>
    %add3A_260 = arith.constant 8 : i32
    %add3A_261 = vector.broadcast %add3A_260 : i32 to vector<16xi32>
    %add3A_262 = arith.addi %get3A_240, %add3A_261 : vector<16xi32>
    %add3A_263 = arith.constant 1 : i32
    %add3A_264 = vector.broadcast %add3A_263 : i32 to vector<16xi32>
    %add3A_265 = arith.addi %shift_right_logical3A_252, %add3A_264 : vector<16xi32>
    %mul3A_266 = arith.constant 264 : i32
    %mul3A_267 = vector.broadcast %mul3A_266 : i32 to vector<16xi32>
    %mul3A_268 = arith.muli %add3A_265, %mul3A_267 : vector<16xi32>
    %add3A_269 = arith.constant 7 : i32
    %add3A_270 = vector.broadcast %add3A_269 : i32 to vector<16xi32>
    %add3A_271 = arith.addi %mul3A_268, %add3A_270 : vector<16xi32>
    %add3A_272 = arith.addi %add3A_271, %sub3A_256 : vector<16xi32>
    %select_n3A_273 = arith.select %lt3A_259, %add3A_262, %add3A_272 : vector<16xi1>, vector<16xi32>
    %swap3A_274 = arith.constant 32 : index
    %swap3A_275 = tpu.vector_load %arg7[%swap3A_274] {strides = array<i32>} : memref<64xi32, #tpu.memory_space<vmem>>, vector<16xi32>,
    %swap3A_276 = vector.shape_cast %swap3A_275 : vector<16xi32> to vector<16xi32>
    %swap3A_277 = vector.shape_cast %select_n3A_273 : vector<16xi32> to vector<16xi32>
    tpu.vector_store %arg7[%swap3A_274], %swap3A_277 {strides = array<i32>} : memref<64xi32, #tpu.memory_space<vmem>>, vector<16xi32>,
    %get3A_278 = arith.constant 112 : index
    %get3A_279 = tpu.vector_load %arg5[%get3A_278] {strides = array<i32>} : memref<16384xi32, #tpu.memory_space<vmem>>, vector<16xi32>,
    %get3A_280 = vector.shape_cast %get3A_279 : vector<16xi32> to vector<16xi32>
    %sub3A_281 = arith.constant 256 : i32
    %sub3A_282 = vector.broadcast %sub3A_281 : i32 to vector<16xi32>
    %sub3A_283 = arith.subi %get3A_280, %sub3A_282 : vector<16xi32>
    %max3A_284 = arith.constant 0 : i32
    %max3A_285 = vector.broadcast %max3A_284 : i32 to vector<16xi32>
    %max3A_286 = arith.maxsi %sub3A_283, %max3A_285 : vector<16xi32>
    %mul3A_287 = arith.constant 65281 : i32
    %mul3A_288 = vector.broadcast %mul3A_287 : i32 to vector<16xi32>
    %mul3A_289 = arith.muli %max3A_286, %mul3A_288 : vector<16xi32>
    %shift_right_logical3A_290 = arith.constant 24 : i32
    %shift_right_logical3A_291 = vector.broadcast %shift_right_logical3A_290 : i32 to vector<16xi32>
    %shift_right_logical3A_292 = arith.shrui %mul3A_289, %shift_right_logical3A_291 : vector<16xi32>
    %mul3A_293 = arith.constant 257 : i32
    %mul3A_294 = vector.broadcast %mul3A_293 : i32 to vector<16xi32>
    %mul3A_295 = arith.muli %shift_right_logical3A_292, %mul3A_294 : vector<16xi32>
    %sub3A_296 = arith.subi %max3A_286, %mul3A_295 : vector<16xi32>
    %lt3A_297 = arith.constant 256 : i32
    %lt3A_298 = vector.broadcast %lt3A_297 : i32 to vector<16xi32>
    %lt3A_299 = arith.cmpi slt, %get3A_280, %lt3A_298 : vector<16xi32>
    %add3A_300 = arith.constant 8 : i32
    %add3A_301 = vector.broadcast %add3A_300 : i32 to vector<16xi32>
    %add3A_302 = arith.addi %get3A_280, %add3A_301 : vector<16xi32>
    %add3A_303 = arith.constant 1 : i32
    %add3A_304 = vector.broadcast %add3A_303 : i32 to vector<16xi32>
    %add3A_305 = arith.addi %shift_right_logical3A_292, %add3A_304 : vector<16xi32>
    %mul3A_306 = arith.constant 264 : i32
    %mul3A_307 = vector.broadcast %mul3A_306 : i32 to vector<16xi32>
    %mul3A_308 = arith.muli %add3A_305, %mul3A_307 : vector<16xi32>
    %add3A_309 = arith.constant 7 : i32
    %add3A_310 = vector.broadcast %add3A_309 : i32 to vector<16xi32>
    %add3A_311 = arith.addi %mul3A_308, %add3A_310 : vector<16xi32>
    %add3A_312 = arith.addi %add3A_311, %sub3A_296 : vector<16xi32>
    %select_n3A_313 = arith.select %lt3A_299, %add3A_302, %add3A_312 : vector<16xi1>, vector<16xi32>
    %swap3A_314 = arith.constant 48 : index
    %swap3A_315 = tpu.vector_load %arg7[%swap3A_314] {strides = array<i32>} : memref<64xi32, #tpu.memory_space<vmem>>, vector<16xi32>,
    %swap3A_316 = vector.shape_cast %swap3A_315 : vector<16xi32> to vector<16xi32>
    %swap3A_317 = vector.shape_cast %select_n3A_313 : vector<16xi32> to vector<16xi32>
    tpu.vector_store %arg7[%swap3A_314], %swap3A_317 {strides = array<i32>} : memref<64xi32, #tpu.memory_space<vmem>>, vector<16xi32>,
    %dma_start3A_318 = arith.constant 0 : i32
    %dma_start3A_319 = arith.constant 0 : i32
    %dma_start3A_320 = tpu.memref_slice %arg3[%dma_start3A_318, %dma_start3A_319] : memref<16896x128xf32, #tpu.memory_space<hbm>> -> memref<16896x128xf32, #tpu.memory_space<hbm>>
    tpu.enqueue_indirect_dma source(%dma_start3A_320 : memref<16896x128xf32, #tpu.memory_space<hbm>>) target(%arg15 : memref<64x128xf32, #tpu.memory_space<vmem>>) offsets(%arg7 : memref<64xi32, #tpu.memory_space<vmem>>) semaphore(%arg23 : memref<!tpu.dma_semaphore, #tpu.memory_space<semaphore_mem>>)
    %get3A_321 = arith.constant 128 : index
    %get3A_322 = tpu.vector_load %arg5[%get3A_321] {strides = array<i32>} : memref<16384xi32, #tpu.memory_space<vmem>>, vector<16xi32>,
    %get3A_323 = vector.shape_cast %get3A_322 : vector<16xi32> to vector<16xi32>
    %sub3A_324 = arith.constant 256 : i32
    %sub3A_325 = vector.broadcast %sub3A_324 : i32 to vector<16xi32>
    %sub3A_326 = arith.subi %get3A_323, %sub3A_325 : vector<16xi32>
    %max3A_327 = arith.constant 0 : i32
    %max3A_328 = vector.broadcast %max3A_327 : i32 to vector<16xi32>
    %max3A_329 = arith.maxsi %sub3A_326, %max3A_328 : vector<16xi32>
    %mul3A_330 = arith.constant 65281 : i32
    %mul3A_331 = vector.broadcast %mul3A_330 : i32 to vector<16xi32>
    %mul3A_332 = arith.muli %max3A_329, %mul3A_331 : vector<16xi32>
    %shift_right_logical3A_333 = arith.constant 24 : i32
    %shift_right_logical3A_334 = vector.broadcast %shift_right_logical3A_333 : i32 to vector<16xi32>
    %shift_right_logical3A_335 = arith.shrui %mul3A_332, %shift_right_logical3A_334 : vector<16xi32>
    %mul3A_336 = arith.constant 257 : i32
    %mul3A_337 = vector.broadcast %mul3A_336 : i32 to vector<16xi32>
    %mul3A_338 = arith.muli %shift_right_logical3A_335, %mul3A_337 : vector<16xi32>
    %sub3A_339 = arith.subi %max3A_329, %mul3A_338 : vector<16xi32>
    %lt3A_340 = arith.constant 256 : i32
    %lt3A_341 = vector.broadcast %lt3A_340 : i32 to vector<16xi32>
    %lt3A_342 = arith.cmpi slt, %get3A_323, %lt3A_341 : vector<16xi32>
    %add3A_343 = arith.constant 8 : i32
    %add3A_344 = vector.broadcast %add3A_343 : i32 to vector<16xi32>
    %add3A_345 = arith.addi %get3A_323, %add3A_344 : vector<16xi32>
    %add3A_346 = arith.constant 1 : i32
    %add3A_347 = vector.broadcast %add3A_346 : i32 to vector<16xi32>
    %add3A_348 = arith.addi %shift_right_logical3A_335, %add3A_347 : vector<16xi32>
    %mul3A_349 = arith.constant 264 : i32
    %mul3A_350 = vector.broadcast %mul3A_349 : i32 to vector<16xi32>
    %mul3A_351 = arith.muli %add3A_348, %mul3A_350 : vector<16xi32>
    %add3A_352 = arith.constant 7 : i32
    %add3A_353 = vector.broadcast %add3A_352 : i32 to vector<16xi32>
    %add3A_354 = arith.addi %mul3A_351, %add3A_353 : vector<16xi32>
    %add3A_355 = arith.addi %add3A_354, %sub3A_339 : vector<16xi32>
    %select_n3A_356 = arith.select %lt3A_342, %add3A_345, %add3A_355 : vector<16xi1>, vector<16xi32>
    %swap3A_357 = arith.constant 0 : index
    %swap3A_358 = tpu.vector_load %arg8[%swap3A_357] {strides = array<i32>} : memref<64xi32, #tpu.memory_space<vmem>>, vector<16xi32>,
    %swap3A_359 = vector.shape_cast %swap3A_358 : vector<16xi32> to vector<16xi32>
    %swap3A_360 = vector.shape_cast %select_n3A_356 : vector<16xi32> to vector<16xi32>
    tpu.vector_store %arg8[%swap3A_357], %swap3A_360 {strides = array<i32>} : memref<64xi32, #tpu.memory_space<vmem>>, vector<16xi32>,
    %get3A_361 = arith.constant 144 : index
    %get3A_362 = tpu.vector_load %arg5[%get3A_361] {strides = array<i32>} : memref<16384xi32, #tpu.memory_space<vmem>>, vector<16xi32>,
    %get3A_363 = vector.shape_cast %get3A_362 : vector<16xi32> to vector<16xi32>
    %sub3A_364 = arith.constant 256 : i32
    %sub3A_365 = vector.broadcast %sub3A_364 : i32 to vector<16xi32>
    %sub3A_366 = arith.subi %get3A_363, %sub3A_365 : vector<16xi32>
    %max3A_367 = arith.constant 0 : i32
    %max3A_368 = vector.broadcast %max3A_367 : i32 to vector<16xi32>
    %max3A_369 = arith.maxsi %sub3A_366, %max3A_368 : vector<16xi32>
    %mul3A_370 = arith.constant 65281 : i32
    %mul3A_371 = vector.broadcast %mul3A_370 : i32 to vector<16xi32>
    %mul3A_372 = arith.muli %max3A_369, %mul3A_371 : vector<16xi32>
    %shift_right_logical3A_373 = arith.constant 24 : i32
    %shift_right_logical3A_374 = vector.broadcast %shift_right_logical3A_373 : i32 to vector<16xi32>
    %shift_right_logical3A_375 = arith.shrui %mul3A_372, %shift_right_logical3A_374 : vector<16xi32>
    %mul3A_376 = arith.constant 257 : i32
    %mul3A_377 = vector.broadcast %mul3A_376 : i32 to vector<16xi32>
    %mul3A_378 = arith.muli %shift_right_logical3A_375, %mul3A_377 : vector<16xi32>
    %sub3A_379 = arith.subi %max3A_369, %mul3A_378 : vector<16xi32>
    %lt3A_380 = arith.constant 256 : i32
    %lt3A_381 = vector.broadcast %lt3A_380 : i32 to vector<16xi32>
    %lt3A_382 = arith.cmpi slt, %get3A_363, %lt3A_381 : vector<16xi32>
    %add3A_383 = arith.constant 8 : i32
    %add3A_384 = vector.broadcast %add3A_383 : i32 to vector<16xi32>
    %add3A_385 = arith.addi %get3A_363, %add3A_384 : vector<16xi32>
    %add3A_386 = arith.constant 1 : i32
    %add3A_387 = vector.broadcast %add3A_386 : i32 to vector<16xi32>
    %add3A_388 = arith.addi %shift_right_logical3A_375, %add3A_387 : vector<16xi32>
    %mul3A_389 = arith.constant 264 : i32
    %mul3A_390 = vector.broadcast %mul3A_389 : i32 to vector<16xi32>
    %mul3A_391 = arith.muli %add3A_388, %mul3A_390 : vector<16xi32>
    %add3A_392 = arith.constant 7 : i32
    %add3A_393 = vector.broadcast %add3A_392 : i32 to vector<16xi32>
    %add3A_394 = arith.addi %mul3A_391, %add3A_393 : vector<16xi32>
    %add3A_395 = arith.addi %add3A_394, %sub3A_379 : vector<16xi32>
    %select_n3A_396 = arith.select %lt3A_382, %add3A_385, %add3A_395 : vector<16xi1>, vector<16xi32>
    %swap3A_397 = arith.constant 16 : index
    %swap3A_398 = tpu.vector_load %arg8[%swap3A_397] {strides = array<i32>} : memref<64xi32, #tpu.memory_space<vmem>>, vector<16xi32>,
    %swap3A_399 = vector.shape_cast %swap3A_398 : vector<16xi32> to vector<16xi32>
    %swap3A_400 = vector.shape_cast %select_n3A_396 : vector<16xi32> to vector<16xi32>
    tpu.vector_store %arg8[%swap3A_397], %swap3A_400 {strides = array<i32>} : memref<64xi32, #tpu.memory_space<vmem>>, vector<16xi32>,
    %get3A_401 = arith.constant 160 : index
    %get3A_402 = tpu.vector_load %arg5[%get3A_401] {strides = array<i32>} : memref<16384xi32, #tpu.memory_space<vmem>>, vector<16xi32>,
    %get3A_403 = vector.shape_cast %get3A_402 : vector<16xi32> to vector<16xi32>
    %sub3A_404 = arith.constant 256 : i32
    %sub3A_405 = vector.broadcast %sub3A_404 : i32 to vector<16xi32>
    %sub3A_406 = arith.subi %get3A_403, %sub3A_405 : vector<16xi32>
    %max3A_407 = arith.constant 0 : i32
    %max3A_408 = vector.broadcast %max3A_407 : i32 to vector<16xi32>
    %max3A_409 = arith.maxsi %sub3A_406, %max3A_408 : vector<16xi32>
    %mul3A_410 = arith.constant 65281 : i32
    %mul3A_411 = vector.broadcast %mul3A_410 : i32 to vector<16xi32>
    %mul3A_412 = arith.muli %max3A_409, %mul3A_411 : vector<16xi32>
    %shift_right_logical3A_413 = arith.constant 24 : i32
    %shift_right_logical3A_414 = vector.broadcast %shift_right_logical3A_413 : i32 to vector<16xi32>
    %shift_right_logical3A_415 = arith.shrui %mul3A_412, %shift_right_logical3A_414 : vector<16xi32>
    %mul3A_416 = arith.constant 257 : i32
    %mul3A_417 = vector.broadcast %mul3A_416 : i32 to vector<16xi32>
    %mul3A_418 = arith.muli %shift_right_logical3A_415, %mul3A_417 : vector<16xi32>
    %sub3A_419 = arith.subi %max3A_409, %mul3A_418 : vector<16xi32>
    %lt3A_420 = arith.constant 256 : i32
    %lt3A_421 = vector.broadcast %lt3A_420 : i32 to vector<16xi32>
    %lt3A_422 = arith.cmpi slt, %get3A_403, %lt3A_421 : vector<16xi32>
    %add3A_423 = arith.constant 8 : i32
    %add3A_424 = vector.broadcast %add3A_423 : i32 to vector<16xi32>
    %add3A_425 = arith.addi %get3A_403, %add3A_424 : vector<16xi32>
    %add3A_426 = arith.constant 1 : i32
    %add3A_427 = vector.broadcast %add3A_426 : i32 to vector<16xi32>
    %add3A_428 = arith.addi %shift_right_logical3A_415, %add3A_427 : vector<16xi32>
    %mul3A_429 = arith.constant 264 : i32
    %mul3A_430 = vector.broadcast %mul3A_429 : i32 to vector<16xi32>
    %mul3A_431 = arith.muli %add3A_428, %mul3A_430 : vector<16xi32>
    %add3A_432 = arith.constant 7 : i32
    %add3A_433 = vector.broadcast %add3A_432 : i32 to vector<16xi32>
    %add3A_434 = arith.addi %mul3A_431, %add3A_433 : vector<16xi32>
    %add3A_435 = arith.addi %add3A_434, %sub3A_419 : vector<16xi32>
    %select_n3A_436 = arith.select %lt3A_422, %add3A_425, %add3A_435 : vector<16xi1>, vector<16xi32>
    %swap3A_437 = arith.constant 32 : index
    %swap3A_438 = tpu.vector_load %arg8[%swap3A_437] {strides = array<i32>} : memref<64xi32, #tpu.memory_space<vmem>>, vector<16xi32>,
    %swap3A_439 = vector.shape_cast %swap3A_438 : vector<16xi32> to vector<16xi32>
    %swap3A_440 = vector.shape_cast %select_n3A_436 : vector<16xi32> to vector<16xi32>
    tpu.vector_store %arg8[%swap3A_437], %swap3A_440 {strides = array<i32>} : memref<64xi32, #tpu.memory_space<vmem>>, vector<16xi32>,
    %get3A_441 = arith.constant 176 : index
    %get3A_442 = tpu.vector_load %arg5[%get3A_441] {strides = array<i32>} : memref<16384xi32, #tpu.memory_space<vmem>>, vector<16xi32>,
    %get3A_443 = vector.shape_cast %get3A_442 : vector<16xi32> to vector<16xi32>
    %sub3A_444 = arith.constant 256 : i32
    %sub3A_445 = vector.broadcast %sub3A_444 : i32 to vector<16xi32>
    %sub3A_446 = arith.subi %get3A_443, %sub3A_445 : vector<16xi32>
    %max3A_447 = arith.constant 0 : i32
    %max3A_448 = vector.broadcast %max3A_447 : i32 to vector<16xi32>
    %max3A_449 = arith.maxsi %sub3A_446, %max3A_448 : vector<16xi32>
    %mul3A_450 = arith.constant 65281 : i32
    %mul3A_451 = vector.broadcast %mul3A_450 : i32 to vector<16xi32>
    %mul3A_452 = arith.muli %max3A_449, %mul3A_451 : vector<16xi32>
    %shift_right_logical3A_453 = arith.constant 24 : i32
    %shift_right_logical3A_454 = vector.broadcast %shift_right_logical3A_453 : i32 to vector<16xi32>
    %shift_right_logical3A_455 = arith.shrui %mul3A_452, %shift_right_logical3A_454 : vector<16xi32>
    %mul3A_456 = arith.constant 257 : i32
    %mul3A_457 = vector.broadcast %mul3A_456 : i32 to vector<16xi32>
    %mul3A_458 = arith.muli %shift_right_logical3A_455, %mul3A_457 : vector<16xi32>
    %sub3A_459 = arith.subi %max3A_449, %mul3A_458 : vector<16xi32>
    %lt3A_460 = arith.constant 256 : i32
    %lt3A_461 = vector.broadcast %lt3A_460 : i32 to vector<16xi32>
    %lt3A_462 = arith.cmpi slt, %get3A_443, %lt3A_461 : vector<16xi32>
    %add3A_463 = arith.constant 8 : i32
    %add3A_464 = vector.broadcast %add3A_463 : i32 to vector<16xi32>
    %add3A_465 = arith.addi %get3A_443, %add3A_464 : vector<16xi32>
    %add3A_466 = arith.constant 1 : i32
    %add3A_467 = vector.broadcast %add3A_466 : i32 to vector<16xi32>
    %add3A_468 = arith.addi %shift_right_logical3A_455, %add3A_467 : vector<16xi32>
    %mul3A_469 = arith.constant 264 : i32
    %mul3A_470 = vector.broadcast %mul3A_469 : i32 to vector<16xi32>
    %mul3A_471 = arith.muli %add3A_468, %mul3A_470 : vector<16xi32>
    %add3A_472 = arith.constant 7 : i32
    %add3A_473 = vector.broadcast %add3A_472 : i32 to vector<16xi32>
    %add3A_474 = arith.addi %mul3A_471, %add3A_473 : vector<16xi32>
    %add3A_475 = arith.addi %add3A_474, %sub3A_459 : vector<16xi32>
    %select_n3A_476 = arith.select %lt3A_462, %add3A_465, %add3A_475 : vector<16xi1>, vector<16xi32>
    %swap3A_477 = arith.constant 48 : index
    %swap3A_478 = tpu.vector_load %arg8[%swap3A_477] {strides = array<i32>} : memref<64xi32, #tpu.memory_space<vmem>>, vector<16xi32>,
    %swap3A_479 = vector.shape_cast %swap3A_478 : vector<16xi32> to vector<16xi32>
    %swap3A_480 = vector.shape_cast %select_n3A_476 : vector<16xi32> to vector<16xi32>
    tpu.vector_store %arg8[%swap3A_477], %swap3A_480 {strides = array<i32>} : memref<64xi32, #tpu.memory_space<vmem>>, vector<16xi32>,
    %dma_start3A_481 = arith.constant 0 : i32
    %dma_start3A_482 = arith.constant 0 : i32
    %dma_start3A_483 = tpu.memref_slice %arg3[%dma_start3A_481, %dma_start3A_482] : memref<16896x128xf32, #tpu.memory_space<hbm>> -> memref<16896x128xf32, #tpu.memory_space<hbm>>
    tpu.enqueue_indirect_dma source(%dma_start3A_483 : memref<16896x128xf32, #tpu.memory_space<hbm>>) target(%arg16 : memref<64x128xf32, #tpu.memory_space<vmem>>) offsets(%arg8 : memref<64xi32, #tpu.memory_space<vmem>>) semaphore(%arg24 : memref<!tpu.dma_semaphore, #tpu.memory_space<semaphore_mem>>)
    %get3A_484 = arith.constant 192 : index
    %get3A_485 = tpu.vector_load %arg5[%get3A_484] {strides = array<i32>} : memref<16384xi32, #tpu.memory_space<vmem>>, vector<16xi32>,
    %get3A_486 = vector.shape_cast %get3A_485 : vector<16xi32> to vector<16xi32>
    %sub3A_487 = arith.constant 256 : i32
    %sub3A_488 = vector.broadcast %sub3A_487 : i32 to vector<16xi32>
    %sub3A_489 = arith.subi %get3A_486, %sub3A_488 : vector<16xi32>
    %max3A_490 = arith.constant 0 : i32
    %max3A_491 = vector.broadcast %max3A_490 : i32 to vector<16xi32>
    %max3A_492 = arith.maxsi %sub3A_489, %max3A_491 : vector<16xi32>
    %mul3A_493 = arith.constant 65281 : i32
    %mul3A_494 = vector.broadcast %mul3A_493 : i32 to vector<16xi32>
    %mul3A_495 = arith.muli %max3A_492, %mul3A_494 : vector<16xi32>
    %shift_right_logical3A_496 = arith.constant 24 : i32
    %shift_right_logical3A_497 = vector.broadcast %shift_right_logical3A_496 : i32 to vector<16xi32>
    %shift_right_logical3A_498 = arith.shrui %mul3A_495, %shift_right_logical3A_497 : vector<16xi32>
    %mul3A_499 = arith.constant 257 : i32
    %mul3A_500 = vector.broadcast %mul3A_499 : i32 to vector<16xi32>
    %mul3A_501 = arith.muli %shift_right_logical3A_498, %mul3A_500 : vector<16xi32>
    %sub3A_502 = arith.subi %max3A_492, %mul3A_501 : vector<16xi32>
    %lt3A_503 = arith.constant 256 : i32
    %lt3A_504 = vector.broadcast %lt3A_503 : i32 to vector<16xi32>
    %lt3A_505 = arith.cmpi slt, %get3A_486, %lt3A_504 : vector<16xi32>
    %add3A_506 = arith.constant 8 : i32
    %add3A_507 = vector.broadcast %add3A_506 : i32 to vector<16xi32>
    %add3A_508 = arith.addi %get3A_486, %add3A_507 : vector<16xi32>
    %add3A_509 = arith.constant 1 : i32
    %add3A_510 = vector.broadcast %add3A_509 : i32 to vector<16xi32>
    %add3A_511 = arith.addi %shift_right_logical3A_498, %add3A_510 : vector<16xi32>
    %mul3A_512 = arith.constant 264 : i32
    %mul3A_513 = vector.broadcast %mul3A_512 : i32 to vector<16xi32>
    %mul3A_514 = arith.muli %add3A_511, %mul3A_513 : vector<16xi32>
    %add3A_515 = arith.constant 7 : i32
    %add3A_516 = vector.broadcast %add3A_515 : i32 to vector<16xi32>
    %add3A_517 = arith.addi %mul3A_514, %add3A_516 : vector<16xi32>
    %add3A_518 = arith.addi %add3A_517, %sub3A_502 : vector<16xi32>
    %select_n3A_519 = arith.select %lt3A_505, %add3A_508, %add3A_518 : vector<16xi1>, vector<16xi32>
    %swap3A_520 = arith.constant 0 : index
    %swap3A_521 = tpu.vector_load %arg9[%swap3A_520] {strides = array<i32>} : memref<64xi32, #tpu.memory_space<vmem>>, vector<16xi32>,
    %swap3A_522 = vector.shape_cast %swap3A_521 : vector<16xi32> to vector<16xi32>
    %swap3A_523 = vector.shape_cast %select_n3A_519 : vector<16xi32> to vector<16xi32>
    tpu.vector_store %arg9[%swap3A_520], %swap3A_523 {strides = array<i32>} : memref<64xi32, #tpu.memory_space<vmem>>, vector<16xi32>,
    %get3A_524 = arith.constant 208 : index
    %get3A_525 = tpu.vector_load %arg5[%get3A_524] {strides = array<i32>} : memref<16384xi32, #tpu.memory_space<vmem>>, vector<16xi32>,
    %get3A_526 = vector.shape_cast %get3A_525 : vector<16xi32> to vector<16xi32>
    %sub3A_527 = arith.constant 256 : i32
    %sub3A_528 = vector.broadcast %sub3A_527 : i32 to vector<16xi32>
    %sub3A_529 = arith.subi %get3A_526, %sub3A_528 : vector<16xi32>
    %max3A_530 = arith.constant 0 : i32
    %max3A_531 = vector.broadcast %max3A_530 : i32 to vector<16xi32>
    %max3A_532 = arith.maxsi %sub3A_529, %max3A_531 : vector<16xi32>
    %mul3A_533 = arith.constant 65281 : i32
    %mul3A_534 = vector.broadcast %mul3A_533 : i32 to vector<16xi32>
    %mul3A_535 = arith.muli %max3A_532, %mul3A_534 : vector<16xi32>
    %shift_right_logical3A_536 = arith.constant 24 : i32
    %shift_right_logical3A_537 = vector.broadcast %shift_right_logical3A_536 : i32 to vector<16xi32>
    %shift_right_logical3A_538 = arith.shrui %mul3A_535, %shift_right_logical3A_537 : vector<16xi32>
    %mul3A_539 = arith.constant 257 : i32
    %mul3A_540 = vector.broadcast %mul3A_539 : i32 to vector<16xi32>
    %mul3A_541 = arith.muli %shift_right_logical3A_538, %mul3A_540 : vector<16xi32>
    %sub3A_542 = arith.subi %max3A_532, %mul3A_541 : vector<16xi32>
    %lt3A_543 = arith.constant 256 : i32
    %lt3A_544 = vector.broadcast %lt3A_543 : i32 to vector<16xi32>
    %lt3A_545 = arith.cmpi slt, %get3A_526, %lt3A_544 : vector<16xi32>
    %add3A_546 = arith.constant 8 : i32
    %add3A_547 = vector.broadcast %add3A_546 : i32 to vector<16xi32>
    %add3A_548 = arith.addi %get3A_526, %add3A_547 : vector<16xi32>
    %add3A_549 = arith.constant 1 : i32
    %add3A_550 = vector.broadcast %add3A_549 : i32 to vector<16xi32>
    %add3A_551 = arith.addi %shift_right_logical3A_538, %add3A_550 : vector<16xi32>
    %mul3A_552 = arith.constant 264 : i32
    %mul3A_553 = vector.broadcast %mul3A_552 : i32 to vector<16xi32>
    %mul3A_554 = arith.muli %add3A_551, %mul3A_553 : vector<16xi32>
    %add3A_555 = arith.constant 7 : i32
    %add3A_556 = vector.broadcast %add3A_555 : i32 to vector<16xi32>
    %add3A_557 = arith.addi %mul3A_554, %add3A_556 : vector<16xi32>
    %add3A_558 = arith.addi %add3A_557, %sub3A_542 : vector<16xi32>
    %select_n3A_559 = arith.select %lt3A_545, %add3A_548, %add3A_558 : vector<16xi1>, vector<16xi32>
    %swap3A_560 = arith.constant 16 : index
    %swap3A_561 = tpu.vector_load %arg9[%swap3A_560] {strides = array<i32>} : memref<64xi32, #tpu.memory_space<vmem>>, vector<16xi32>,
    %swap3A_562 = vector.shape_cast %swap3A_561 : vector<16xi32> to vector<16xi32>
    %swap3A_563 = vector.shape_cast %select_n3A_559 : vector<16xi32> to vector<16xi32>
    tpu.vector_store %arg9[%swap3A_560], %swap3A_563 {strides = array<i32>} : memref<64xi32, #tpu.memory_space<vmem>>, vector<16xi32>,
    %get3A_564 = arith.constant 224 : index
    %get3A_565 = tpu.vector_load %arg5[%get3A_564] {strides = array<i32>} : memref<16384xi32, #tpu.memory_space<vmem>>, vector<16xi32>,
    %get3A_566 = vector.shape_cast %get3A_565 : vector<16xi32> to vector<16xi32>
    %sub3A_567 = arith.constant 256 : i32
    %sub3A_568 = vector.broadcast %sub3A_567 : i32 to vector<16xi32>
    %sub3A_569 = arith.subi %get3A_566, %sub3A_568 : vector<16xi32>
    %max3A_570 = arith.constant 0 : i32
    %max3A_571 = vector.broadcast %max3A_570 : i32 to vector<16xi32>
    %max3A_572 = arith.maxsi %sub3A_569, %max3A_571 : vector<16xi32>
    %mul3A_573 = arith.constant 65281 : i32
    %mul3A_574 = vector.broadcast %mul3A_573 : i32 to vector<16xi32>
    %mul3A_575 = arith.muli %max3A_572, %mul3A_574 : vector<16xi32>
    %shift_right_logical3A_576 = arith.constant 24 : i32
    %shift_right_logical3A_577 = vector.broadcast %shift_right_logical3A_576 : i32 to vector<16xi32>
    %shift_right_logical3A_578 = arith.shrui %mul3A_575, %shift_right_logical3A_577 : vector<16xi32>
    %mul3A_579 = arith.constant 257 : i32
    %mul3A_580 = vector.broadcast %mul3A_579 : i32 to vector<16xi32>
    %mul3A_581 = arith.muli %shift_right_logical3A_578, %mul3A_580 : vector<16xi32>
    %sub3A_582 = arith.subi %max3A_572, %mul3A_581 : vector<16xi32>
    %lt3A_583 = arith.constant 256 : i32
    %lt3A_584 = vector.broadcast %lt3A_583 : i32 to vector<16xi32>
    %lt3A_585 = arith.cmpi slt, %get3A_566, %lt3A_584 : vector<16xi32>
    %add3A_586 = arith.constant 8 : i32
    %add3A_587 = vector.broadcast %add3A_586 : i32 to vector<16xi32>
    %add3A_588 = arith.addi %get3A_566, %add3A_587 : vector<16xi32>
    %add3A_589 = arith.constant 1 : i32
    %add3A_590 = vector.broadcast %add3A_589 : i32 to vector<16xi32>
    %add3A_591 = arith.addi %shift_right_logical3A_578, %add3A_590 : vector<16xi32>
    %mul3A_592 = arith.constant 264 : i32
    %mul3A_593 = vector.broadcast %mul3A_592 : i32 to vector<16xi32>
    %mul3A_594 = arith.muli %add3A_591, %mul3A_593 : vector<16xi32>
    %add3A_595 = arith.constant 7 : i32
    %add3A_596 = vector.broadcast %add3A_595 : i32 to vector<16xi32>
    %add3A_597 = arith.addi %mul3A_594, %add3A_596 : vector<16xi32>
    %add3A_598 = arith.addi %add3A_597, %sub3A_582 : vector<16xi32>
    %select_n3A_599 = arith.select %lt3A_585, %add3A_588, %add3A_598 : vector<16xi1>, vector<16xi32>
    %swap3A_600 = arith.constant 32 : index
    %swap3A_601 = tpu.vector_load %arg9[%swap3A_600] {strides = array<i32>} : memref<64xi32, #tpu.memory_space<vmem>>, vector<16xi32>,
    %swap3A_602 = vector.shape_cast %swap3A_601 : vector<16xi32> to vector<16xi32>
    %swap3A_603 = vector.shape_cast %select_n3A_599 : vector<16xi32> to vector<16xi32>
    tpu.vector_store %arg9[%swap3A_600], %swap3A_603 {strides = array<i32>} : memref<64xi32, #tpu.memory_space<vmem>>, vector<16xi32>,
    %get3A_604 = arith.constant 240 : index
    %get3A_605 = tpu.vector_load %arg5[%get3A_604] {strides = array<i32>} : memref<16384xi32, #tpu.memory_space<vmem>>, vector<16xi32>,
    %get3A_606 = vector.shape_cast %get3A_605 : vector<16xi32> to vector<16xi32>
    %sub3A_607 = arith.constant 256 : i32
    %sub3A_608 = vector.broadcast %sub3A_607 : i32 to vector<16xi32>
    %sub3A_609 = arith.subi %get3A_606, %sub3A_608 : vector<16xi32>
    %max3A_610 = arith.constant 0 : i32
    %max3A_611 = vector.broadcast %max3A_610 : i32 to vector<16xi32>
    %max3A_612 = arith.maxsi %sub3A_609, %max3A_611 : vector<16xi32>
    %mul3A_613 = arith.constant 65281 : i32
    %mul3A_614 = vector.broadcast %mul3A_613 : i32 to vector<16xi32>
    %mul3A_615 = arith.muli %max3A_612, %mul3A_614 : vector<16xi32>
    %shift_right_logical3A_616 = arith.constant 24 : i32
    %shift_right_logical3A_617 = vector.broadcast %shift_right_logical3A_616 : i32 to vector<16xi32>
    %shift_right_logical3A_618 = arith.shrui %mul3A_615, %shift_right_logical3A_617 : vector<16xi32>
    %mul3A_619 = arith.constant 257 : i32
    %mul3A_620 = vector.broadcast %mul3A_619 : i32 to vector<16xi32>
    %mul3A_621 = arith.muli %shift_right_logical3A_618, %mul3A_620 : vector<16xi32>
    %sub3A_622 = arith.subi %max3A_612, %mul3A_621 : vector<16xi32>
    %lt3A_623 = arith.constant 256 : i32
    %lt3A_624 = vector.broadcast %lt3A_623 : i32 to vector<16xi32>
    %lt3A_625 = arith.cmpi slt, %get3A_606, %lt3A_624 : vector<16xi32>
    %add3A_626 = arith.constant 8 : i32
    %add3A_627 = vector.broadcast %add3A_626 : i32 to vector<16xi32>
    %add3A_628 = arith.addi %get3A_606, %add3A_627 : vector<16xi32>
    %add3A_629 = arith.constant 1 : i32
    %add3A_630 = vector.broadcast %add3A_629 : i32 to vector<16xi32>
    %add3A_631 = arith.addi %shift_right_logical3A_618, %add3A_630 : vector<16xi32>
    %mul3A_632 = arith.constant 264 : i32
    %mul3A_633 = vector.broadcast %mul3A_632 : i32 to vector<16xi32>
    %mul3A_634 = arith.muli %add3A_631, %mul3A_633 : vector<16xi32>
    %add3A_635 = arith.constant 7 : i32
    %add3A_636 = vector.broadcast %add3A_635 : i32 to vector<16xi32>
    %add3A_637 = arith.addi %mul3A_634, %add3A_636 : vector<16xi32>
    %add3A_638 = arith.addi %add3A_637, %sub3A_622 : vector<16xi32>
    %select_n3A_639 = arith.select %lt3A_625, %add3A_628, %add3A_638 : vector<16xi1>, vector<16xi32>
    %swap3A_640 = arith.constant 48 : index
    %swap3A_641 = tpu.vector_load %arg9[%swap3A_640] {strides = array<i32>} : memref<64xi32, #tpu.memory_space<vmem>>, vector<16xi32>,
    %swap3A_642 = vector.shape_cast %swap3A_641 : vector<16xi32> to vector<16xi32>
    %swap3A_643 = vector.shape_cast %select_n3A_639 : vector<16xi32> to vector<16xi32>
    tpu.vector_store %arg9[%swap3A_640], %swap3A_643 {strides = array<i32>} : memref<64xi32, #tpu.memory_space<vmem>>, vector<16xi32>,
    %dma_start3A_644 = arith.constant 0 : i32
    %dma_start3A_645 = arith.constant 0 : i32
    %dma_start3A_646 = tpu.memref_slice %arg3[%dma_start3A_644, %dma_start3A_645] : memref<16896x128xf32, #tpu.memory_space<hbm>> -> memref<16896x128xf32, #tpu.memory_space<hbm>>
    tpu.enqueue_indirect_dma source(%dma_start3A_646 : memref<16896x128xf32, #tpu.memory_space<hbm>>) target(%arg17 : memref<64x128xf32, #tpu.memory_space<vmem>>) offsets(%arg9 : memref<64xi32, #tpu.memory_space<vmem>>) semaphore(%arg25 : memref<!tpu.dma_semaphore, #tpu.memory_space<semaphore_mem>>)
    %scan3A = arith.constant 0 : i32
    %scan3A_647 = arith.constant 0 : i32
    %scan3A_648 = arith.constant 32 : i32
    %scan3A_649 = arith.addi %scan3A_647, %scan3A_648 : i32
    %scan3A_650 = arith.constant 1 : i32
    scf.for %scan3A_699 = %scan3A_647 to %scan3A_649 step %scan3A_650  : i32 {
      %mul3A_700 = arith.constant 8 : i32
      %mul3A_701 = arith.muli %scan3A_699, %mul3A_700 : i32
      %add3A_702 = arith.constant 0 : i32
      %add3A_703 = arith.addi %mul3A_701, %add3A_702 : i32
      %dma_wait3A_704 = arith.constant 0 : i32
      %dma_wait3A_705 = arith.constant 0 : i32
      %dma_wait3A_706 = tpu.memref_slice %arg3[%dma_wait3A_704, %dma_wait3A_705] : memref<16896x128xf32, #tpu.memory_space<hbm>> -> memref<16896x128xf32, #tpu.memory_space<hbm>>
      tpu.wait_indirect_dma semaphore(%arg22 : memref<!tpu.dma_semaphore, #tpu.memory_space<semaphore_mem>>) src(%dma_wait3A_706 : memref<16896x128xf32, #tpu.memory_space<hbm>>) dst(%arg14 : memref<64x128xf32, #tpu.memory_space<vmem>>)
      %mul3A_707 = arith.constant 64 : i32
      %mul3A_708 = arith.muli %add3A_703, %mul3A_707 : i32
      %add3A_709 = arith.addi %mul3A_2, %mul3A_708 : i32
      %dma_start3A_710 = arith.constant 0 : i32
      %dma_start3A_711 = tpu.memref_slice %arg4[%add3A_709, %dma_start3A_710] : memref<524288x128xf32, #tpu.memory_space<hbm>> -> memref<64x128xf32, #tpu.memory_space<hbm>>
      %dma_start3A_712 = arith.constant 0 : i32
      %dma_start3A_713 = tpu.memref_slice %arg4[%add3A_709, %dma_start3A_712] : memref<524288x128xf32, #tpu.memory_space<hbm>> -> memref<64x128xf32, #tpu.memory_space<hbm>>
      tpu.enqueue_dma source(%arg14 : memref<64x128xf32, #tpu.memory_space<vmem>>) target(%dma_start3A_713 : memref<64x128xf32, #tpu.memory_space<hbm>>) target_semaphore(%arg30 : memref<!tpu.dma_semaphore, #tpu.memory_space<semaphore_mem>>)
      %add3A_714 = arith.constant 4 : i32
      %add3A_715 = arith.addi %add3A_703, %add3A_714 : i32
      %lt3A_716 = arith.constant 256 : i32
      %lt3A_717 = arith.cmpi slt, %add3A_715, %lt3A_716 : i32
      %convert_element_type3A = arith.extui %lt3A_717 : i1 to i32
      %cond3A = arith.constant 0 : i32
      %cond3A_718 = arith.cmpi ne, %convert_element_type3A, %cond3A : i32
      scf.if %cond3A_718 {
        %ge3A = arith.constant 4 : i32
        %ge3A_866 = arith.cmpi sge, %add3A_703, %ge3A : i32
        %convert_element_type3A_867 = arith.extui %ge3A_866 : i1 to i32
        %cond3A_868 = arith.constant 0 : i32
        %cond3A_869 = arith.cmpi ne, %convert_element_type3A_867, %cond3A_868 : i32
        scf.if %cond3A_869 {
          %add3A_1045 = arith.constant 4 : i32
          %add3A_1046 = arith.addi %add3A_703, %add3A_1045 : i32
          %sub3A_1047 = arith.constant 8 : i32
          %sub3A_1048 = arith.subi %add3A_1046, %sub3A_1047 : i32
          %mul3A_1049 = arith.constant 64 : i32
          %mul3A_1050 = arith.muli %sub3A_1048, %mul3A_1049 : i32
          %add3A_1051 = arith.addi %mul3A_2, %mul3A_1050 : i32
          %dma_wait3A_1052 = arith.constant 0 : i32
          %dma_wait3A_1053 = tpu.memref_slice %arg4[%add3A_1051, %dma_wait3A_1052] : memref<524288x128xf32, #tpu.memory_space<hbm>> -> memref<64x128xf32, #tpu.memory_space<hbm>>
          %dma_wait3A_1054 = arith.constant 0 : i32
          %dma_wait3A_1055 = tpu.memref_slice %arg4[%add3A_1051, %dma_wait3A_1054] : memref<524288x128xf32, #tpu.memory_space<hbm>> -> memref<64x128xf32, #tpu.memory_space<hbm>>
          tpu.wait_dma2 semaphore(%arg34 : memref<!tpu.dma_semaphore, #tpu.memory_space<semaphore_mem>>) src(%arg18 : memref<64x128xf32, #tpu.memory_space<vmem>>) dst(%dma_wait3A_1055 : memref<64x128xf32, #tpu.memory_space<hbm>>)
        } else {
        }
        %add3A_870 = arith.constant 4 : i32
        %add3A_871 = arith.addi %add3A_703, %add3A_870 : i32
        %mul3A_872 = arith.constant 64 : i32
        %mul3A_873 = arith.muli %add3A_871, %mul3A_872 : i32
        %add3A_874 = arith.constant 0 : i32
        %add3A_875 = arith.addi %mul3A_873, %add3A_874 : i32
        %get3A_876 = arith.index_cast %add3A_875 : i32 to index
        %get3A_877 = tpu.vector_load %arg5[%get3A_876] {strides = array<i32>} : memref<16384xi32, #tpu.memory_space<vmem>>, vector<16xi32>,
        %get3A_878 = vector.shape_cast %get3A_877 : vector<16xi32> to vector<16xi32>
        %sub3A_879 = arith.constant 256 : i32
        %sub3A_880 = vector.broadcast %sub3A_879 : i32 to vector<16xi32>
        %sub3A_881 = arith.subi %get3A_878, %sub3A_880 : vector<16xi32>
        %max3A_882 = arith.constant 0 : i32
        %max3A_883 = vector.broadcast %max3A_882 : i32 to vector<16xi32>
        %max3A_884 = arith.maxsi %sub3A_881, %max3A_883 : vector<16xi32>
        %mul3A_885 = arith.constant 65281 : i32
        %mul3A_886 = vector.broadcast %mul3A_885 : i32 to vector<16xi32>
        %mul3A_887 = arith.muli %max3A_884, %mul3A_886 : vector<16xi32>
        %shift_right_logical3A_888 = arith.constant 24 : i32
        %shift_right_logical3A_889 = vector.broadcast %shift_right_logical3A_888 : i32 to vector<16xi32>
        %shift_right_logical3A_890 = arith.shrui %mul3A_887, %shift_right_logical3A_889 : vector<16xi32>
        %mul3A_891 = arith.constant 257 : i32
        %mul3A_892 = vector.broadcast %mul3A_891 : i32 to vector<16xi32>
        %mul3A_893 = arith.muli %shift_right_logical3A_890, %mul3A_892 : vector<16xi32>
        %sub3A_894 = arith.subi %max3A_884, %mul3A_893 : vector<16xi32>
        %lt3A_895 = arith.constant 256 : i32
        %lt3A_896 = vector.broadcast %lt3A_895 : i32 to vector<16xi32>
        %lt3A_897 = arith.cmpi slt, %get3A_878, %lt3A_896 : vector<16xi32>
        %add3A_898 = arith.constant 8 : i32
        %add3A_899 = vector.broadcast %add3A_898 : i32 to vector<16xi32>
        %add3A_900 = arith.addi %get3A_878, %add3A_899 : vector<16xi32>
        %add3A_901 = arith.constant 1 : i32
        %add3A_902 = vector.broadcast %add3A_901 : i32 to vector<16xi32>
        %add3A_903 = arith.addi %shift_right_logical3A_890, %add3A_902 : vector<16xi32>
        %mul3A_904 = arith.constant 264 : i32
        %mul3A_905 = vector.broadcast %mul3A_904 : i32 to vector<16xi32>
        %mul3A_906 = arith.muli %add3A_903, %mul3A_905 : vector<16xi32>
        %add3A_907 = arith.constant 7 : i32
        %add3A_908 = vector.broadcast %add3A_907 : i32 to vector<16xi32>
        %add3A_909 = arith.addi %mul3A_906, %add3A_908 : vector<16xi32>
        %add3A_910 = arith.addi %add3A_909, %sub3A_894 : vector<16xi32>
        %select_n3A_911 = arith.select %lt3A_897, %add3A_900, %add3A_910 : vector<16xi1>, vector<16xi32>
        %swap3A_912 = arith.constant 0 : index
        %swap3A_913 = tpu.vector_load %arg10[%swap3A_912] {strides = array<i32>} : memref<64xi32, #tpu.memory_space<vmem>>, vector<16xi32>,
        %swap3A_914 = vector.shape_cast %swap3A_913 : vector<16xi32> to vector<16xi32>
        %swap3A_915 = vector.shape_cast %select_n3A_911 : vector<16xi32> to vector<16xi32>
        tpu.vector_store %arg10[%swap3A_912], %swap3A_915 {strides = array<i32>} : memref<64xi32, #tpu.memory_space<vmem>>, vector<16xi32>,
        %add3A_916 = arith.constant 16 : i32
        %add3A_917 = arith.addi %mul3A_873, %add3A_916 : i32
        %get3A_918 = arith.index_cast %add3A_917 : i32 to index
        %get3A_919 = tpu.vector_load %arg5[%get3A_918] {strides = array<i32>} : memref<16384xi32, #tpu.memory_space<vmem>>, vector<16xi32>,
        %get3A_920 = vector.shape_cast %get3A_919 : vector<16xi32> to vector<16xi32>
        %sub3A_921 = arith.constant 256 : i32
        %sub3A_922 = vector.broadcast %sub3A_921 : i32 to vector<16xi32>
        %sub3A_923 = arith.subi %get3A_920, %sub3A_922 : vector<16xi32>
        %max3A_924 = arith.constant 0 : i32
        %max3A_925 = vector.broadcast %max3A_924 : i32 to vector<16xi32>
        %max3A_926 = arith.maxsi %sub3A_923, %max3A_925 : vector<16xi32>
        %mul3A_927 = arith.constant 65281 : i32
        %mul3A_928 = vector.broadcast %mul3A_927 : i32 to vector<16xi32>
        %mul3A_929 = arith.muli %max3A_926, %mul3A_928 : vector<16xi32>
        %shift_right_logical3A_930 = arith.constant 24 : i32
        %shift_right_logical3A_931 = vector.broadcast %shift_right_logical3A_930 : i32 to vector<16xi32>
        %shift_right_logical3A_932 = arith.shrui %mul3A_929, %shift_right_logical3A_931 : vector<16xi32>
        %mul3A_933 = arith.constant 257 : i32
        %mul3A_934 = vector.broadcast %mul3A_933 : i32 to vector<16xi32>
        %mul3A_935 = arith.muli %shift_right_logical3A_932, %mul3A_934 : vector<16xi32>
        %sub3A_936 = arith.subi %max3A_926, %mul3A_935 : vector<16xi32>
        %lt3A_937 = arith.constant 256 : i32
        %lt3A_938 = vector.broadcast %lt3A_937 : i32 to vector<16xi32>
        %lt3A_939 = arith.cmpi slt, %get3A_920, %lt3A_938 : vector<16xi32>
        %add3A_940 = arith.constant 8 : i32
        %add3A_941 = vector.broadcast %add3A_940 : i32 to vector<16xi32>
        %add3A_942 = arith.addi %get3A_920, %add3A_941 : vector<16xi32>
        %add3A_943 = arith.constant 1 : i32
        %add3A_944 = vector.broadcast %add3A_943 : i32 to vector<16xi32>
        %add3A_945 = arith.addi %shift_right_logical3A_932, %add3A_944 : vector<16xi32>
        %mul3A_946 = arith.constant 264 : i32
        %mul3A_947 = vector.broadcast %mul3A_946 : i32 to vector<16xi32>
        %mul3A_948 = arith.muli %add3A_945, %mul3A_947 : vector<16xi32>
        %add3A_949 = arith.constant 7 : i32
        %add3A_950 = vector.broadcast %add3A_949 : i32 to vector<16xi32>
        %add3A_951 = arith.addi %mul3A_948, %add3A_950 : vector<16xi32>
        %add3A_952 = arith.addi %add3A_951, %sub3A_936 : vector<16xi32>
        %select_n3A_953 = arith.select %lt3A_939, %add3A_942, %add3A_952 : vector<16xi1>, vector<16xi32>
        %swap3A_954 = arith.constant 16 : index
        %swap3A_955 = tpu.vector_load %arg10[%swap3A_954] {strides = array<i32>} : memref<64xi32, #tpu.memory_space<vmem>>, vector<16xi32>,
        %swap3A_956 = vector.shape_cast %swap3A_955 : vector<16xi32> to vector<16xi32>
        %swap3A_957 = vector.shape_cast %select_n3A_953 : vector<16xi32> to vector<16xi32>
        tpu.vector_store %arg10[%swap3A_954], %swap3A_957 {strides = array<i32>} : memref<64xi32, #tpu.memory_space<vmem>>, vector<16xi32>,
        %add3A_958 = arith.constant 32 : i32
        %add3A_959 = arith.addi %mul3A_873, %add3A_958 : i32
        %get3A_960 = arith.index_cast %add3A_959 : i32 to index
        %get3A_961 = tpu.vector_load %arg5[%get3A_960] {strides = array<i32>} : memref<16384xi32, #tpu.memory_space<vmem>>, vector<16xi32>,
        %get3A_962 = vector.shape_cast %get3A_961 : vector<16xi32> to vector<16xi32>
        %sub3A_963 = arith.constant 256 : i32
        %sub3A_964 = vector.broadcast %sub3A_963 : i32 to vector<16xi32>
        %sub3A_965 = arith.subi %get3A_962, %sub3A_964 : vector<16xi32>
        %max3A_966 = arith.constant 0 : i32
        %max3A_967 = vector.broadcast %max3A_966 : i32 to vector<16xi32>
        %max3A_968 = arith.maxsi %sub3A_965, %max3A_967 : vector<16xi32>
        %mul3A_969 = arith.constant 65281 : i32
        %mul3A_970 = vector.broadcast %mul3A_969 : i32 to vector<16xi32>
        %mul3A_971 = arith.muli %max3A_968, %mul3A_970 : vector<16xi32>
        %shift_right_logical3A_972 = arith.constant 24 : i32
        %shift_right_logical3A_973 = vector.broadcast %shift_right_logical3A_972 : i32 to vector<16xi32>
        %shift_right_logical3A_974 = arith.shrui %mul3A_971, %shift_right_logical3A_973 : vector<16xi32>
        %mul3A_975 = arith.constant 257 : i32
        %mul3A_976 = vector.broadcast %mul3A_975 : i32 to vector<16xi32>
        %mul3A_977 = arith.muli %shift_right_logical3A_974, %mul3A_976 : vector<16xi32>
        %sub3A_978 = arith.subi %max3A_968, %mul3A_977 : vector<16xi32>
        %lt3A_979 = arith.constant 256 : i32
        %lt3A_980 = vector.broadcast %lt3A_979 : i32 to vector<16xi32>
        %lt3A_981 = arith.cmpi slt, %get3A_962, %lt3A_980 : vector<16xi32>
        %add3A_982 = arith.constant 8 : i32
        %add3A_983 = vector.broadcast %add3A_982 : i32 to vector<16xi32>
        %add3A_984 = arith.addi %get3A_962, %add3A_983 : vector<16xi32>
        %add3A_985 = arith.constant 1 : i32
        %add3A_986 = vector.broadcast %add3A_985 : i32 to vector<16xi32>
        %add3A_987 = arith.addi %shift_right_logical3A_974, %add3A_986 : vector<16xi32>
        %mul3A_988 = arith.constant 264 : i32
        %mul3A_989 = vector.broadcast %mul3A_988 : i32 to vector<16xi32>
        %mul3A_990 = arith.muli %add3A_987, %mul3A_989 : vector<16xi32>
        %add3A_991 = arith.constant 7 : i32
        %add3A_992 = vector.broadcast %add3A_991 : i32 to vector<16xi32>
        %add3A_993 = arith.addi %mul3A_990, %add3A_992 : vector<16xi32>
        %add3A_994 = arith.addi %add3A_993, %sub3A_978 : vector<16xi32>
        %select_n3A_995 = arith.select %lt3A_981, %add3A_984, %add3A_994 : vector<16xi1>, vector<16xi32>
        %swap3A_996 = arith.constant 32 : index
        %swap3A_997 = tpu.vector_load %arg10[%swap3A_996] {strides = array<i32>} : memref<64xi32, #tpu.memory_space<vmem>>, vector<16xi32>,
        %swap3A_998 = vector.shape_cast %swap3A_997 : vector<16xi32> to vector<16xi32>
        %swap3A_999 = vector.shape_cast %select_n3A_995 : vector<16xi32> to vector<16xi32>
        tpu.vector_store %arg10[%swap3A_996], %swap3A_999 {strides = array<i32>} : memref<64xi32, #tpu.memory_space<vmem>>, vector<16xi32>,
        %add3A_1000 = arith.constant 48 : i32
        %add3A_1001 = arith.addi %mul3A_873, %add3A_1000 : i32
        %get3A_1002 = arith.index_cast %add3A_1001 : i32 to index
        %get3A_1003 = tpu.vector_load %arg5[%get3A_1002] {strides = array<i32>} : memref<16384xi32, #tpu.memory_space<vmem>>, vector<16xi32>,
        %get3A_1004 = vector.shape_cast %get3A_1003 : vector<16xi32> to vector<16xi32>
        %sub3A_1005 = arith.constant 256 : i32
        %sub3A_1006 = vector.broadcast %sub3A_1005 : i32 to vector<16xi32>
        %sub3A_1007 = arith.subi %get3A_1004, %sub3A_1006 : vector<16xi32>
        %max3A_1008 = arith.constant 0 : i32
        %max3A_1009 = vector.broadcast %max3A_1008 : i32 to vector<16xi32>
        %max3A_1010 = arith.maxsi %sub3A_1007, %max3A_1009 : vector<16xi32>
        %mul3A_1011 = arith.constant 65281 : i32
        %mul3A_1012 = vector.broadcast %mul3A_1011 : i32 to vector<16xi32>
        %mul3A_1013 = arith.muli %max3A_1010, %mul3A_1012 : vector<16xi32>
        %shift_right_logical3A_1014 = arith.constant 24 : i32
        %shift_right_logical3A_1015 = vector.broadcast %shift_right_logical3A_1014 : i32 to vector<16xi32>
        %shift_right_logical3A_1016 = arith.shrui %mul3A_1013, %shift_right_logical3A_1015 : vector<16xi32>
        %mul3A_1017 = arith.constant 257 : i32
        %mul3A_1018 = vector.broadcast %mul3A_1017 : i32 to vector<16xi32>
        %mul3A_1019 = arith.muli %shift_right_logical3A_1016, %mul3A_1018 : vector<16xi32>
        %sub3A_1020 = arith.subi %max3A_1010, %mul3A_1019 : vector<16xi32>
        %lt3A_1021 = arith.constant 256 : i32
        %lt3A_1022 = vector.broadcast %lt3A_1021 : i32 to vector<16xi32>
        %lt3A_1023 = arith.cmpi slt, %get3A_1004, %lt3A_1022 : vector<16xi32>
        %add3A_1024 = arith.constant 8 : i32
        %add3A_1025 = vector.broadcast %add3A_1024 : i32 to vector<16xi32>
        %add3A_1026 = arith.addi %get3A_1004, %add3A_1025 : vector<16xi32>
        %add3A_1027 = arith.constant 1 : i32
        %add3A_1028 = vector.broadcast %add3A_1027 : i32 to vector<16xi32>
        %add3A_1029 = arith.addi %shift_right_logical3A_1016, %add3A_1028 : vector<16xi32>
        %mul3A_1030 = arith.constant 264 : i32
        %mul3A_1031 = vector.broadcast %mul3A_1030 : i32 to vector<16xi32>
        %mul3A_1032 = arith.muli %add3A_1029, %mul3A_1031 : vector<16xi32>
        %add3A_1033 = arith.constant 7 : i32
        %add3A_1034 = vector.broadcast %add3A_1033 : i32 to vector<16xi32>
        %add3A_1035 = arith.addi %mul3A_1032, %add3A_1034 : vector<16xi32>
        %add3A_1036 = arith.addi %add3A_1035, %sub3A_1020 : vector<16xi32>
        %select_n3A_1037 = arith.select %lt3A_1023, %add3A_1026, %add3A_1036 : vector<16xi1>, vector<16xi32>
        %swap3A_1038 = arith.constant 48 : index
        %swap3A_1039 = tpu.vector_load %arg10[%swap3A_1038] {strides = array<i32>} : memref<64xi32, #tpu.memory_space<vmem>>, vector<16xi32>,
        %swap3A_1040 = vector.shape_cast %swap3A_1039 : vector<16xi32> to vector<16xi32>
        %swap3A_1041 = vector.shape_cast %select_n3A_1037 : vector<16xi32> to vector<16xi32>
        tpu.vector_store %arg10[%swap3A_1038], %swap3A_1041 {strides = array<i32>} : memref<64xi32, #tpu.memory_space<vmem>>, vector<16xi32>,
        %dma_start3A_1042 = arith.constant 0 : i32
        %dma_start3A_1043 = arith.constant 0 : i32
        %dma_start3A_1044 = tpu.memref_slice %arg3[%dma_start3A_1042, %dma_start3A_1043] : memref<16896x128xf32, #tpu.memory_space<hbm>> -> memref<16896x128xf32, #tpu.memory_space<hbm>>
        tpu.enqueue_indirect_dma source(%dma_start3A_1044 : memref<16896x128xf32, #tpu.memory_space<hbm>>) target(%arg18 : memref<64x128xf32, #tpu.memory_space<vmem>>) offsets(%arg10 : memref<64xi32, #tpu.memory_space<vmem>>) semaphore(%arg26 : memref<!tpu.dma_semaphore, #tpu.memory_space<semaphore_mem>>)
      } else {
      }
      %mul3A_719 = arith.constant 8 : i32
      %mul3A_720 = arith.muli %scan3A_699, %mul3A_719 : i32
      %add3A_721 = arith.constant 1 : i32
      %add3A_722 = arith.addi %mul3A_720, %add3A_721 : i32
      %dma_wait3A_723 = arith.constant 0 : i32
      %dma_wait3A_724 = arith.constant 0 : i32
      %dma_wait3A_725 = tpu.memref_slice %arg3[%dma_wait3A_723, %dma_wait3A_724] : memref<16896x128xf32, #tpu.memory_space<hbm>> -> memref<16896x128xf32, #tpu.memory_space<hbm>>
      tpu.wait_indirect_dma semaphore(%arg23 : memref<!tpu.dma_semaphore, #tpu.memory_space<semaphore_mem>>) src(%dma_wait3A_725 : memref<16896x128xf32, #tpu.memory_space<hbm>>) dst(%arg15 : memref<64x128xf32, #tpu.memory_space<vmem>>)
      %mul3A_726 = arith.constant 64 : i32
      %mul3A_727 = arith.muli %add3A_722, %mul3A_726 : i32
      %add3A_728 = arith.addi %mul3A_2, %mul3A_727 : i32
      %dma_start3A_729 = arith.constant 0 : i32
      %dma_start3A_730 = tpu.memref_slice %arg4[%add3A_728, %dma_start3A_729] : memref<524288x128xf32, #tpu.memory_space<hbm>> -> memref<64x128xf32, #tpu.memory_space<hbm>>
      %dma_start3A_731 = arith.constant 0 : i32
      %dma_start3A_732 = tpu.memref_slice %arg4[%add3A_728, %dma_start3A_731] : memref<524288x128xf32, #tpu.memory_space<hbm>> -> memref<64x128xf32, #tpu.memory_space<hbm>>
      tpu.enqueue_dma source(%arg15 : memref<64x128xf32, #tpu.memory_space<vmem>>) target(%dma_start3A_732 : memref<64x128xf32, #tpu.memory_space<hbm>>) target_semaphore(%arg31 : memref<!tpu.dma_semaphore, #tpu.memory_space<semaphore_mem>>)
      %add3A_733 = arith.constant 4 : i32
      %add3A_734 = arith.addi %add3A_722, %add3A_733 : i32
      %lt3A_735 = arith.constant 256 : i32
      %lt3A_736 = arith.cmpi slt, %add3A_734, %lt3A_735 : i32
      %convert_element_type3A_737 = arith.extui %lt3A_736 : i1 to i32
      %cond3A_738 = arith.constant 0 : i32
      %cond3A_739 = arith.cmpi ne, %convert_element_type3A_737, %cond3A_738 : i32
      scf.if %cond3A_739 {
        %ge3A = arith.constant 4 : i32
        %ge3A_866 = arith.cmpi sge, %add3A_722, %ge3A : i32
        %convert_element_type3A_867 = arith.extui %ge3A_866 : i1 to i32
        %cond3A_868 = arith.constant 0 : i32
        %cond3A_869 = arith.cmpi ne, %convert_element_type3A_867, %cond3A_868 : i32
        scf.if %cond3A_869 {
          %add3A_1045 = arith.constant 4 : i32
          %add3A_1046 = arith.addi %add3A_722, %add3A_1045 : i32
          %sub3A_1047 = arith.constant 8 : i32
          %sub3A_1048 = arith.subi %add3A_1046, %sub3A_1047 : i32
          %mul3A_1049 = arith.constant 64 : i32
          %mul3A_1050 = arith.muli %sub3A_1048, %mul3A_1049 : i32
          %add3A_1051 = arith.addi %mul3A_2, %mul3A_1050 : i32
          %dma_wait3A_1052 = arith.constant 0 : i32
          %dma_wait3A_1053 = tpu.memref_slice %arg4[%add3A_1051, %dma_wait3A_1052] : memref<524288x128xf32, #tpu.memory_space<hbm>> -> memref<64x128xf32, #tpu.memory_space<hbm>>
          %dma_wait3A_1054 = arith.constant 0 : i32
          %dma_wait3A_1055 = tpu.memref_slice %arg4[%add3A_1051, %dma_wait3A_1054] : memref<524288x128xf32, #tpu.memory_space<hbm>> -> memref<64x128xf32, #tpu.memory_space<hbm>>
          tpu.wait_dma2 semaphore(%arg35 : memref<!tpu.dma_semaphore, #tpu.memory_space<semaphore_mem>>) src(%arg19 : memref<64x128xf32, #tpu.memory_space<vmem>>) dst(%dma_wait3A_1055 : memref<64x128xf32, #tpu.memory_space<hbm>>)
        } else {
        }
        %add3A_870 = arith.constant 4 : i32
        %add3A_871 = arith.addi %add3A_722, %add3A_870 : i32
        %mul3A_872 = arith.constant 64 : i32
        %mul3A_873 = arith.muli %add3A_871, %mul3A_872 : i32
        %add3A_874 = arith.constant 0 : i32
        %add3A_875 = arith.addi %mul3A_873, %add3A_874 : i32
        %get3A_876 = arith.index_cast %add3A_875 : i32 to index
        %get3A_877 = tpu.vector_load %arg5[%get3A_876] {strides = array<i32>} : memref<16384xi32, #tpu.memory_space<vmem>>, vector<16xi32>,
        %get3A_878 = vector.shape_cast %get3A_877 : vector<16xi32> to vector<16xi32>
        %sub3A_879 = arith.constant 256 : i32
        %sub3A_880 = vector.broadcast %sub3A_879 : i32 to vector<16xi32>
        %sub3A_881 = arith.subi %get3A_878, %sub3A_880 : vector<16xi32>
        %max3A_882 = arith.constant 0 : i32
        %max3A_883 = vector.broadcast %max3A_882 : i32 to vector<16xi32>
        %max3A_884 = arith.maxsi %sub3A_881, %max3A_883 : vector<16xi32>
        %mul3A_885 = arith.constant 65281 : i32
        %mul3A_886 = vector.broadcast %mul3A_885 : i32 to vector<16xi32>
        %mul3A_887 = arith.muli %max3A_884, %mul3A_886 : vector<16xi32>
        %shift_right_logical3A_888 = arith.constant 24 : i32
        %shift_right_logical3A_889 = vector.broadcast %shift_right_logical3A_888 : i32 to vector<16xi32>
        %shift_right_logical3A_890 = arith.shrui %mul3A_887, %shift_right_logical3A_889 : vector<16xi32>
        %mul3A_891 = arith.constant 257 : i32
        %mul3A_892 = vector.broadcast %mul3A_891 : i32 to vector<16xi32>
        %mul3A_893 = arith.muli %shift_right_logical3A_890, %mul3A_892 : vector<16xi32>
        %sub3A_894 = arith.subi %max3A_884, %mul3A_893 : vector<16xi32>
        %lt3A_895 = arith.constant 256 : i32
        %lt3A_896 = vector.broadcast %lt3A_895 : i32 to vector<16xi32>
        %lt3A_897 = arith.cmpi slt, %get3A_878, %lt3A_896 : vector<16xi32>
        %add3A_898 = arith.constant 8 : i32
        %add3A_899 = vector.broadcast %add3A_898 : i32 to vector<16xi32>
        %add3A_900 = arith.addi %get3A_878, %add3A_899 : vector<16xi32>
        %add3A_901 = arith.constant 1 : i32
        %add3A_902 = vector.broadcast %add3A_901 : i32 to vector<16xi32>
        %add3A_903 = arith.addi %shift_right_logical3A_890, %add3A_902 : vector<16xi32>
        %mul3A_904 = arith.constant 264 : i32
        %mul3A_905 = vector.broadcast %mul3A_904 : i32 to vector<16xi32>
        %mul3A_906 = arith.muli %add3A_903, %mul3A_905 : vector<16xi32>
        %add3A_907 = arith.constant 7 : i32
        %add3A_908 = vector.broadcast %add3A_907 : i32 to vector<16xi32>
        %add3A_909 = arith.addi %mul3A_906, %add3A_908 : vector<16xi32>
        %add3A_910 = arith.addi %add3A_909, %sub3A_894 : vector<16xi32>
        %select_n3A_911 = arith.select %lt3A_897, %add3A_900, %add3A_910 : vector<16xi1>, vector<16xi32>
        %swap3A_912 = arith.constant 0 : index
        %swap3A_913 = tpu.vector_load %arg11[%swap3A_912] {strides = array<i32>} : memref<64xi32, #tpu.memory_space<vmem>>, vector<16xi32>,
        %swap3A_914 = vector.shape_cast %swap3A_913 : vector<16xi32> to vector<16xi32>
        %swap3A_915 = vector.shape_cast %select_n3A_911 : vector<16xi32> to vector<16xi32>
        tpu.vector_store %arg11[%swap3A_912], %swap3A_915 {strides = array<i32>} : memref<64xi32, #tpu.memory_space<vmem>>, vector<16xi32>,
        %add3A_916 = arith.constant 16 : i32
        %add3A_917 = arith.addi %mul3A_873, %add3A_916 : i32
        %get3A_918 = arith.index_cast %add3A_917 : i32 to index
        %get3A_919 = tpu.vector_load %arg5[%get3A_918] {strides = array<i32>} : memref<16384xi32, #tpu.memory_space<vmem>>, vector<16xi32>,
        %get3A_920 = vector.shape_cast %get3A_919 : vector<16xi32> to vector<16xi32>
        %sub3A_921 = arith.constant 256 : i32
        %sub3A_922 = vector.broadcast %sub3A_921 : i32 to vector<16xi32>
        %sub3A_923 = arith.subi %get3A_920, %sub3A_922 : vector<16xi32>
        %max3A_924 = arith.constant 0 : i32
        %max3A_925 = vector.broadcast %max3A_924 : i32 to vector<16xi32>
        %max3A_926 = arith.maxsi %sub3A_923, %max3A_925 : vector<16xi32>
        %mul3A_927 = arith.constant 65281 : i32
        %mul3A_928 = vector.broadcast %mul3A_927 : i32 to vector<16xi32>
        %mul3A_929 = arith.muli %max3A_926, %mul3A_928 : vector<16xi32>
        %shift_right_logical3A_930 = arith.constant 24 : i32
        %shift_right_logical3A_931 = vector.broadcast %shift_right_logical3A_930 : i32 to vector<16xi32>
        %shift_right_logical3A_932 = arith.shrui %mul3A_929, %shift_right_logical3A_931 : vector<16xi32>
        %mul3A_933 = arith.constant 257 : i32
        %mul3A_934 = vector.broadcast %mul3A_933 : i32 to vector<16xi32>
        %mul3A_935 = arith.muli %shift_right_logical3A_932, %mul3A_934 : vector<16xi32>
        %sub3A_936 = arith.subi %max3A_926, %mul3A_935 : vector<16xi32>
        %lt3A_937 = arith.constant 256 : i32
        %lt3A_938 = vector.broadcast %lt3A_937 : i32 to vector<16xi32>
        %lt3A_939 = arith.cmpi slt, %get3A_920, %lt3A_938 : vector<16xi32>
        %add3A_940 = arith.constant 8 : i32
        %add3A_941 = vector.broadcast %add3A_940 : i32 to vector<16xi32>
        %add3A_942 = arith.addi %get3A_920, %add3A_941 : vector<16xi32>
        %add3A_943 = arith.constant 1 : i32
        %add3A_944 = vector.broadcast %add3A_943 : i32 to vector<16xi32>
        %add3A_945 = arith.addi %shift_right_logical3A_932, %add3A_944 : vector<16xi32>
        %mul3A_946 = arith.constant 264 : i32
        %mul3A_947 = vector.broadcast %mul3A_946 : i32 to vector<16xi32>
        %mul3A_948 = arith.muli %add3A_945, %mul3A_947 : vector<16xi32>
        %add3A_949 = arith.constant 7 : i32
        %add3A_950 = vector.broadcast %add3A_949 : i32 to vector<16xi32>
        %add3A_951 = arith.addi %mul3A_948, %add3A_950 : vector<16xi32>
        %add3A_952 = arith.addi %add3A_951, %sub3A_936 : vector<16xi32>
        %select_n3A_953 = arith.select %lt3A_939, %add3A_942, %add3A_952 : vector<16xi1>, vector<16xi32>
        %swap3A_954 = arith.constant 16 : index
        %swap3A_955 = tpu.vector_load %arg11[%swap3A_954] {strides = array<i32>} : memref<64xi32, #tpu.memory_space<vmem>>, vector<16xi32>,
        %swap3A_956 = vector.shape_cast %swap3A_955 : vector<16xi32> to vector<16xi32>
        %swap3A_957 = vector.shape_cast %select_n3A_953 : vector<16xi32> to vector<16xi32>
        tpu.vector_store %arg11[%swap3A_954], %swap3A_957 {strides = array<i32>} : memref<64xi32, #tpu.memory_space<vmem>>, vector<16xi32>,
        %add3A_958 = arith.constant 32 : i32
        %add3A_959 = arith.addi %mul3A_873, %add3A_958 : i32
        %get3A_960 = arith.index_cast %add3A_959 : i32 to index
        %get3A_961 = tpu.vector_load %arg5[%get3A_960] {strides = array<i32>} : memref<16384xi32, #tpu.memory_space<vmem>>, vector<16xi32>,
        %get3A_962 = vector.shape_cast %get3A_961 : vector<16xi32> to vector<16xi32>
        %sub3A_963 = arith.constant 256 : i32
        %sub3A_964 = vector.broadcast %sub3A_963 : i32 to vector<16xi32>
        %sub3A_965 = arith.subi %get3A_962, %sub3A_964 : vector<16xi32>
        %max3A_966 = arith.constant 0 : i32
        %max3A_967 = vector.broadcast %max3A_966 : i32 to vector<16xi32>
        %max3A_968 = arith.maxsi %sub3A_965, %max3A_967 : vector<16xi32>
        %mul3A_969 = arith.constant 65281 : i32
        %mul3A_970 = vector.broadcast %mul3A_969 : i32 to vector<16xi32>
        %mul3A_971 = arith.muli %max3A_968, %mul3A_970 : vector<16xi32>
        %shift_right_logical3A_972 = arith.constant 24 : i32
        %shift_right_logical3A_973 = vector.broadcast %shift_right_logical3A_972 : i32 to vector<16xi32>
        %shift_right_logical3A_974 = arith.shrui %mul3A_971, %shift_right_logical3A_973 : vector<16xi32>
        %mul3A_975 = arith.constant 257 : i32
        %mul3A_976 = vector.broadcast %mul3A_975 : i32 to vector<16xi32>
        %mul3A_977 = arith.muli %shift_right_logical3A_974, %mul3A_976 : vector<16xi32>
        %sub3A_978 = arith.subi %max3A_968, %mul3A_977 : vector<16xi32>
        %lt3A_979 = arith.constant 256 : i32
        %lt3A_980 = vector.broadcast %lt3A_979 : i32 to vector<16xi32>
        %lt3A_981 = arith.cmpi slt, %get3A_962, %lt3A_980 : vector<16xi32>
        %add3A_982 = arith.constant 8 : i32
        %add3A_983 = vector.broadcast %add3A_982 : i32 to vector<16xi32>
        %add3A_984 = arith.addi %get3A_962, %add3A_983 : vector<16xi32>
        %add3A_985 = arith.constant 1 : i32
        %add3A_986 = vector.broadcast %add3A_985 : i32 to vector<16xi32>
        %add3A_987 = arith.addi %shift_right_logical3A_974, %add3A_986 : vector<16xi32>
        %mul3A_988 = arith.constant 264 : i32
        %mul3A_989 = vector.broadcast %mul3A_988 : i32 to vector<16xi32>
        %mul3A_990 = arith.muli %add3A_987, %mul3A_989 : vector<16xi32>
        %add3A_991 = arith.constant 7 : i32
        %add3A_992 = vector.broadcast %add3A_991 : i32 to vector<16xi32>
        %add3A_993 = arith.addi %mul3A_990, %add3A_992 : vector<16xi32>
        %add3A_994 = arith.addi %add3A_993, %sub3A_978 : vector<16xi32>
        %select_n3A_995 = arith.select %lt3A_981, %add3A_984, %add3A_994 : vector<16xi1>, vector<16xi32>
        %swap3A_996 = arith.constant 32 : index
        %swap3A_997 = tpu.vector_load %arg11[%swap3A_996] {strides = array<i32>} : memref<64xi32, #tpu.memory_space<vmem>>, vector<16xi32>,
        %swap3A_998 = vector.shape_cast %swap3A_997 : vector<16xi32> to vector<16xi32>
        %swap3A_999 = vector.shape_cast %select_n3A_995 : vector<16xi32> to vector<16xi32>
        tpu.vector_store %arg11[%swap3A_996], %swap3A_999 {strides = array<i32>} : memref<64xi32, #tpu.memory_space<vmem>>, vector<16xi32>,
        %add3A_1000 = arith.constant 48 : i32
        %add3A_1001 = arith.addi %mul3A_873, %add3A_1000 : i32
        %get3A_1002 = arith.index_cast %add3A_1001 : i32 to index
        %get3A_1003 = tpu.vector_load %arg5[%get3A_1002] {strides = array<i32>} : memref<16384xi32, #tpu.memory_space<vmem>>, vector<16xi32>,
        %get3A_1004 = vector.shape_cast %get3A_1003 : vector<16xi32> to vector<16xi32>
        %sub3A_1005 = arith.constant 256 : i32
        %sub3A_1006 = vector.broadcast %sub3A_1005 : i32 to vector<16xi32>
        %sub3A_1007 = arith.subi %get3A_1004, %sub3A_1006 : vector<16xi32>
        %max3A_1008 = arith.constant 0 : i32
        %max3A_1009 = vector.broadcast %max3A_1008 : i32 to vector<16xi32>
        %max3A_1010 = arith.maxsi %sub3A_1007, %max3A_1009 : vector<16xi32>
        %mul3A_1011 = arith.constant 65281 : i32
        %mul3A_1012 = vector.broadcast %mul3A_1011 : i32 to vector<16xi32>
        %mul3A_1013 = arith.muli %max3A_1010, %mul3A_1012 : vector<16xi32>
        %shift_right_logical3A_1014 = arith.constant 24 : i32
        %shift_right_logical3A_1015 = vector.broadcast %shift_right_logical3A_1014 : i32 to vector<16xi32>
        %shift_right_logical3A_1016 = arith.shrui %mul3A_1013, %shift_right_logical3A_1015 : vector<16xi32>
        %mul3A_1017 = arith.constant 257 : i32
        %mul3A_1018 = vector.broadcast %mul3A_1017 : i32 to vector<16xi32>
        %mul3A_1019 = arith.muli %shift_right_logical3A_1016, %mul3A_1018 : vector<16xi32>
        %sub3A_1020 = arith.subi %max3A_1010, %mul3A_1019 : vector<16xi32>
        %lt3A_1021 = arith.constant 256 : i32
        %lt3A_1022 = vector.broadcast %lt3A_1021 : i32 to vector<16xi32>
        %lt3A_1023 = arith.cmpi slt, %get3A_1004, %lt3A_1022 : vector<16xi32>
        %add3A_1024 = arith.constant 8 : i32
        %add3A_1025 = vector.broadcast %add3A_1024 : i32 to vector<16xi32>
        %add3A_1026 = arith.addi %get3A_1004, %add3A_1025 : vector<16xi32>
        %add3A_1027 = arith.constant 1 : i32
        %add3A_1028 = vector.broadcast %add3A_1027 : i32 to vector<16xi32>
        %add3A_1029 = arith.addi %shift_right_logical3A_1016, %add3A_1028 : vector<16xi32>
        %mul3A_1030 = arith.constant 264 : i32
        %mul3A_1031 = vector.broadcast %mul3A_1030 : i32 to vector<16xi32>
        %mul3A_1032 = arith.muli %add3A_1029, %mul3A_1031 : vector<16xi32>
        %add3A_1033 = arith.constant 7 : i32
        %add3A_1034 = vector.broadcast %add3A_1033 : i32 to vector<16xi32>
        %add3A_1035 = arith.addi %mul3A_1032, %add3A_1034 : vector<16xi32>
        %add3A_1036 = arith.addi %add3A_1035, %sub3A_1020 : vector<16xi32>
        %select_n3A_1037 = arith.select %lt3A_1023, %add3A_1026, %add3A_1036 : vector<16xi1>, vector<16xi32>
        %swap3A_1038 = arith.constant 48 : index
        %swap3A_1039 = tpu.vector_load %arg11[%swap3A_1038] {strides = array<i32>} : memref<64xi32, #tpu.memory_space<vmem>>, vector<16xi32>,
        %swap3A_1040 = vector.shape_cast %swap3A_1039 : vector<16xi32> to vector<16xi32>
        %swap3A_1041 = vector.shape_cast %select_n3A_1037 : vector<16xi32> to vector<16xi32>
        tpu.vector_store %arg11[%swap3A_1038], %swap3A_1041 {strides = array<i32>} : memref<64xi32, #tpu.memory_space<vmem>>, vector<16xi32>,
        %dma_start3A_1042 = arith.constant 0 : i32
        %dma_start3A_1043 = arith.constant 0 : i32
        %dma_start3A_1044 = tpu.memref_slice %arg3[%dma_start3A_1042, %dma_start3A_1043] : memref<16896x128xf32, #tpu.memory_space<hbm>> -> memref<16896x128xf32, #tpu.memory_space<hbm>>
        tpu.enqueue_indirect_dma source(%dma_start3A_1044 : memref<16896x128xf32, #tpu.memory_space<hbm>>) target(%arg19 : memref<64x128xf32, #tpu.memory_space<vmem>>) offsets(%arg11 : memref<64xi32, #tpu.memory_space<vmem>>) semaphore(%arg27 : memref<!tpu.dma_semaphore, #tpu.memory_space<semaphore_mem>>)
      } else {
      }
      %mul3A_740 = arith.constant 8 : i32
      %mul3A_741 = arith.muli %scan3A_699, %mul3A_740 : i32
      %add3A_742 = arith.constant 2 : i32
      %add3A_743 = arith.addi %mul3A_741, %add3A_742 : i32
      %dma_wait3A_744 = arith.constant 0 : i32
      %dma_wait3A_745 = arith.constant 0 : i32
      %dma_wait3A_746 = tpu.memref_slice %arg3[%dma_wait3A_744, %dma_wait3A_745] : memref<16896x128xf32, #tpu.memory_space<hbm>> -> memref<16896x128xf32, #tpu.memory_space<hbm>>
      tpu.wait_indirect_dma semaphore(%arg24 : memref<!tpu.dma_semaphore, #tpu.memory_space<semaphore_mem>>) src(%dma_wait3A_746 : memref<16896x128xf32, #tpu.memory_space<hbm>>) dst(%arg16 : memref<64x128xf32, #tpu.memory_space<vmem>>)
      %mul3A_747 = arith.constant 64 : i32
      %mul3A_748 = arith.muli %add3A_743, %mul3A_747 : i32
      %add3A_749 = arith.addi %mul3A_2, %mul3A_748 : i32
      %dma_start3A_750 = arith.constant 0 : i32
      %dma_start3A_751 = tpu.memref_slice %arg4[%add3A_749, %dma_start3A_750] : memref<524288x128xf32, #tpu.memory_space<hbm>> -> memref<64x128xf32, #tpu.memory_space<hbm>>
      %dma_start3A_752 = arith.constant 0 : i32
      %dma_start3A_753 = tpu.memref_slice %arg4[%add3A_749, %dma_start3A_752] : memref<524288x128xf32, #tpu.memory_space<hbm>> -> memref<64x128xf32, #tpu.memory_space<hbm>>
      tpu.enqueue_dma source(%arg16 : memref<64x128xf32, #tpu.memory_space<vmem>>) target(%dma_start3A_753 : memref<64x128xf32, #tpu.memory_space<hbm>>) target_semaphore(%arg32 : memref<!tpu.dma_semaphore, #tpu.memory_space<semaphore_mem>>)
      %add3A_754 = arith.constant 4 : i32
      %add3A_755 = arith.addi %add3A_743, %add3A_754 : i32
      %lt3A_756 = arith.constant 256 : i32
      %lt3A_757 = arith.cmpi slt, %add3A_755, %lt3A_756 : i32
      %convert_element_type3A_758 = arith.extui %lt3A_757 : i1 to i32
      %cond3A_759 = arith.constant 0 : i32
      %cond3A_760 = arith.cmpi ne, %convert_element_type3A_758, %cond3A_759 : i32
      scf.if %cond3A_760 {
        %ge3A = arith.constant 4 : i32
        %ge3A_866 = arith.cmpi sge, %add3A_743, %ge3A : i32
        %convert_element_type3A_867 = arith.extui %ge3A_866 : i1 to i32
        %cond3A_868 = arith.constant 0 : i32
        %cond3A_869 = arith.cmpi ne, %convert_element_type3A_867, %cond3A_868 : i32
        scf.if %cond3A_869 {
          %add3A_1045 = arith.constant 4 : i32
          %add3A_1046 = arith.addi %add3A_743, %add3A_1045 : i32
          %sub3A_1047 = arith.constant 8 : i32
          %sub3A_1048 = arith.subi %add3A_1046, %sub3A_1047 : i32
          %mul3A_1049 = arith.constant 64 : i32
          %mul3A_1050 = arith.muli %sub3A_1048, %mul3A_1049 : i32
          %add3A_1051 = arith.addi %mul3A_2, %mul3A_1050 : i32
          %dma_wait3A_1052 = arith.constant 0 : i32
          %dma_wait3A_1053 = tpu.memref_slice %arg4[%add3A_1051, %dma_wait3A_1052] : memref<524288x128xf32, #tpu.memory_space<hbm>> -> memref<64x128xf32, #tpu.memory_space<hbm>>
          %dma_wait3A_1054 = arith.constant 0 : i32
          %dma_wait3A_1055 = tpu.memref_slice %arg4[%add3A_1051, %dma_wait3A_1054] : memref<524288x128xf32, #tpu.memory_space<hbm>> -> memref<64x128xf32, #tpu.memory_space<hbm>>
          tpu.wait_dma2 semaphore(%arg36 : memref<!tpu.dma_semaphore, #tpu.memory_space<semaphore_mem>>) src(%arg20 : memref<64x128xf32, #tpu.memory_space<vmem>>) dst(%dma_wait3A_1055 : memref<64x128xf32, #tpu.memory_space<hbm>>)
        } else {
        }
        %add3A_870 = arith.constant 4 : i32
        %add3A_871 = arith.addi %add3A_743, %add3A_870 : i32
        %mul3A_872 = arith.constant 64 : i32
        %mul3A_873 = arith.muli %add3A_871, %mul3A_872 : i32
        %add3A_874 = arith.constant 0 : i32
        %add3A_875 = arith.addi %mul3A_873, %add3A_874 : i32
        %get3A_876 = arith.index_cast %add3A_875 : i32 to index
        %get3A_877 = tpu.vector_load %arg5[%get3A_876] {strides = array<i32>} : memref<16384xi32, #tpu.memory_space<vmem>>, vector<16xi32>,
        %get3A_878 = vector.shape_cast %get3A_877 : vector<16xi32> to vector<16xi32>
        %sub3A_879 = arith.constant 256 : i32
        %sub3A_880 = vector.broadcast %sub3A_879 : i32 to vector<16xi32>
        %sub3A_881 = arith.subi %get3A_878, %sub3A_880 : vector<16xi32>
        %max3A_882 = arith.constant 0 : i32
        %max3A_883 = vector.broadcast %max3A_882 : i32 to vector<16xi32>
        %max3A_884 = arith.maxsi %sub3A_881, %max3A_883 : vector<16xi32>
        %mul3A_885 = arith.constant 65281 : i32
        %mul3A_886 = vector.broadcast %mul3A_885 : i32 to vector<16xi32>
        %mul3A_887 = arith.muli %max3A_884, %mul3A_886 : vector<16xi32>
        %shift_right_logical3A_888 = arith.constant 24 : i32
        %shift_right_logical3A_889 = vector.broadcast %shift_right_logical3A_888 : i32 to vector<16xi32>
        %shift_right_logical3A_890 = arith.shrui %mul3A_887, %shift_right_logical3A_889 : vector<16xi32>
        %mul3A_891 = arith.constant 257 : i32
        %mul3A_892 = vector.broadcast %mul3A_891 : i32 to vector<16xi32>
        %mul3A_893 = arith.muli %shift_right_logical3A_890, %mul3A_892 : vector<16xi32>
        %sub3A_894 = arith.subi %max3A_884, %mul3A_893 : vector<16xi32>
        %lt3A_895 = arith.constant 256 : i32
        %lt3A_896 = vector.broadcast %lt3A_895 : i32 to vector<16xi32>
        %lt3A_897 = arith.cmpi slt, %get3A_878, %lt3A_896 : vector<16xi32>
        %add3A_898 = arith.constant 8 : i32
        %add3A_899 = vector.broadcast %add3A_898 : i32 to vector<16xi32>
        %add3A_900 = arith.addi %get3A_878, %add3A_899 : vector<16xi32>
        %add3A_901 = arith.constant 1 : i32
        %add3A_902 = vector.broadcast %add3A_901 : i32 to vector<16xi32>
        %add3A_903 = arith.addi %shift_right_logical3A_890, %add3A_902 : vector<16xi32>
        %mul3A_904 = arith.constant 264 : i32
        %mul3A_905 = vector.broadcast %mul3A_904 : i32 to vector<16xi32>
        %mul3A_906 = arith.muli %add3A_903, %mul3A_905 : vector<16xi32>
        %add3A_907 = arith.constant 7 : i32
        %add3A_908 = vector.broadcast %add3A_907 : i32 to vector<16xi32>
        %add3A_909 = arith.addi %mul3A_906, %add3A_908 : vector<16xi32>
        %add3A_910 = arith.addi %add3A_909, %sub3A_894 : vector<16xi32>
        %select_n3A_911 = arith.select %lt3A_897, %add3A_900, %add3A_910 : vector<16xi1>, vector<16xi32>
        %swap3A_912 = arith.constant 0 : index
        %swap3A_913 = tpu.vector_load %arg12[%swap3A_912] {strides = array<i32>} : memref<64xi32, #tpu.memory_space<vmem>>, vector<16xi32>,
        %swap3A_914 = vector.shape_cast %swap3A_913 : vector<16xi32> to vector<16xi32>
        %swap3A_915 = vector.shape_cast %select_n3A_911 : vector<16xi32> to vector<16xi32>
        tpu.vector_store %arg12[%swap3A_912], %swap3A_915 {strides = array<i32>} : memref<64xi32, #tpu.memory_space<vmem>>, vector<16xi32>,
        %add3A_916 = arith.constant 16 : i32
        %add3A_917 = arith.addi %mul3A_873, %add3A_916 : i32
        %get3A_918 = arith.index_cast %add3A_917 : i32 to index
        %get3A_919 = tpu.vector_load %arg5[%get3A_918] {strides = array<i32>} : memref<16384xi32, #tpu.memory_space<vmem>>, vector<16xi32>,
        %get3A_920 = vector.shape_cast %get3A_919 : vector<16xi32> to vector<16xi32>
        %sub3A_921 = arith.constant 256 : i32
        %sub3A_922 = vector.broadcast %sub3A_921 : i32 to vector<16xi32>
        %sub3A_923 = arith.subi %get3A_920, %sub3A_922 : vector<16xi32>
        %max3A_924 = arith.constant 0 : i32
        %max3A_925 = vector.broadcast %max3A_924 : i32 to vector<16xi32>
        %max3A_926 = arith.maxsi %sub3A_923, %max3A_925 : vector<16xi32>
        %mul3A_927 = arith.constant 65281 : i32
        %mul3A_928 = vector.broadcast %mul3A_927 : i32 to vector<16xi32>
        %mul3A_929 = arith.muli %max3A_926, %mul3A_928 : vector<16xi32>
        %shift_right_logical3A_930 = arith.constant 24 : i32
        %shift_right_logical3A_931 = vector.broadcast %shift_right_logical3A_930 : i32 to vector<16xi32>
        %shift_right_logical3A_932 = arith.shrui %mul3A_929, %shift_right_logical3A_931 : vector<16xi32>
        %mul3A_933 = arith.constant 257 : i32
        %mul3A_934 = vector.broadcast %mul3A_933 : i32 to vector<16xi32>
        %mul3A_935 = arith.muli %shift_right_logical3A_932, %mul3A_934 : vector<16xi32>
        %sub3A_936 = arith.subi %max3A_926, %mul3A_935 : vector<16xi32>
        %lt3A_937 = arith.constant 256 : i32
        %lt3A_938 = vector.broadcast %lt3A_937 : i32 to vector<16xi32>
        %lt3A_939 = arith.cmpi slt, %get3A_920, %lt3A_938 : vector<16xi32>
        %add3A_940 = arith.constant 8 : i32
        %add3A_941 = vector.broadcast %add3A_940 : i32 to vector<16xi32>
        %add3A_942 = arith.addi %get3A_920, %add3A_941 : vector<16xi32>
        %add3A_943 = arith.constant 1 : i32
        %add3A_944 = vector.broadcast %add3A_943 : i32 to vector<16xi32>
        %add3A_945 = arith.addi %shift_right_logical3A_932, %add3A_944 : vector<16xi32>
        %mul3A_946 = arith.constant 264 : i32
        %mul3A_947 = vector.broadcast %mul3A_946 : i32 to vector<16xi32>
        %mul3A_948 = arith.muli %add3A_945, %mul3A_947 : vector<16xi32>
        %add3A_949 = arith.constant 7 : i32
        %add3A_950 = vector.broadcast %add3A_949 : i32 to vector<16xi32>
        %add3A_951 = arith.addi %mul3A_948, %add3A_950 : vector<16xi32>
        %add3A_952 = arith.addi %add3A_951, %sub3A_936 : vector<16xi32>
        %select_n3A_953 = arith.select %lt3A_939, %add3A_942, %add3A_952 : vector<16xi1>, vector<16xi32>
        %swap3A_954 = arith.constant 16 : index
        %swap3A_955 = tpu.vector_load %arg12[%swap3A_954] {strides = array<i32>} : memref<64xi32, #tpu.memory_space<vmem>>, vector<16xi32>,
        %swap3A_956 = vector.shape_cast %swap3A_955 : vector<16xi32> to vector<16xi32>
        %swap3A_957 = vector.shape_cast %select_n3A_953 : vector<16xi32> to vector<16xi32>
        tpu.vector_store %arg12[%swap3A_954], %swap3A_957 {strides = array<i32>} : memref<64xi32, #tpu.memory_space<vmem>>, vector<16xi32>,
        %add3A_958 = arith.constant 32 : i32
        %add3A_959 = arith.addi %mul3A_873, %add3A_958 : i32
        %get3A_960 = arith.index_cast %add3A_959 : i32 to index
        %get3A_961 = tpu.vector_load %arg5[%get3A_960] {strides = array<i32>} : memref<16384xi32, #tpu.memory_space<vmem>>, vector<16xi32>,
        %get3A_962 = vector.shape_cast %get3A_961 : vector<16xi32> to vector<16xi32>
        %sub3A_963 = arith.constant 256 : i32
        %sub3A_964 = vector.broadcast %sub3A_963 : i32 to vector<16xi32>
        %sub3A_965 = arith.subi %get3A_962, %sub3A_964 : vector<16xi32>
        %max3A_966 = arith.constant 0 : i32
        %max3A_967 = vector.broadcast %max3A_966 : i32 to vector<16xi32>
        %max3A_968 = arith.maxsi %sub3A_965, %max3A_967 : vector<16xi32>
        %mul3A_969 = arith.constant 65281 : i32
        %mul3A_970 = vector.broadcast %mul3A_969 : i32 to vector<16xi32>
        %mul3A_971 = arith.muli %max3A_968, %mul3A_970 : vector<16xi32>
        %shift_right_logical3A_972 = arith.constant 24 : i32
        %shift_right_logical3A_973 = vector.broadcast %shift_right_logical3A_972 : i32 to vector<16xi32>
        %shift_right_logical3A_974 = arith.shrui %mul3A_971, %shift_right_logical3A_973 : vector<16xi32>
        %mul3A_975 = arith.constant 257 : i32
        %mul3A_976 = vector.broadcast %mul3A_975 : i32 to vector<16xi32>
        %mul3A_977 = arith.muli %shift_right_logical3A_974, %mul3A_976 : vector<16xi32>
        %sub3A_978 = arith.subi %max3A_968, %mul3A_977 : vector<16xi32>
        %lt3A_979 = arith.constant 256 : i32
        %lt3A_980 = vector.broadcast %lt3A_979 : i32 to vector<16xi32>
        %lt3A_981 = arith.cmpi slt, %get3A_962, %lt3A_980 : vector<16xi32>
        %add3A_982 = arith.constant 8 : i32
        %add3A_983 = vector.broadcast %add3A_982 : i32 to vector<16xi32>
        %add3A_984 = arith.addi %get3A_962, %add3A_983 : vector<16xi32>
        %add3A_985 = arith.constant 1 : i32
        %add3A_986 = vector.broadcast %add3A_985 : i32 to vector<16xi32>
        %add3A_987 = arith.addi %shift_right_logical3A_974, %add3A_986 : vector<16xi32>
        %mul3A_988 = arith.constant 264 : i32
        %mul3A_989 = vector.broadcast %mul3A_988 : i32 to vector<16xi32>
        %mul3A_990 = arith.muli %add3A_987, %mul3A_989 : vector<16xi32>
        %add3A_991 = arith.constant 7 : i32
        %add3A_992 = vector.broadcast %add3A_991 : i32 to vector<16xi32>
        %add3A_993 = arith.addi %mul3A_990, %add3A_992 : vector<16xi32>
        %add3A_994 = arith.addi %add3A_993, %sub3A_978 : vector<16xi32>
        %select_n3A_995 = arith.select %lt3A_981, %add3A_984, %add3A_994 : vector<16xi1>, vector<16xi32>
        %swap3A_996 = arith.constant 32 : index
        %swap3A_997 = tpu.vector_load %arg12[%swap3A_996] {strides = array<i32>} : memref<64xi32, #tpu.memory_space<vmem>>, vector<16xi32>,
        %swap3A_998 = vector.shape_cast %swap3A_997 : vector<16xi32> to vector<16xi32>
        %swap3A_999 = vector.shape_cast %select_n3A_995 : vector<16xi32> to vector<16xi32>
        tpu.vector_store %arg12[%swap3A_996], %swap3A_999 {strides = array<i32>} : memref<64xi32, #tpu.memory_space<vmem>>, vector<16xi32>,
        %add3A_1000 = arith.constant 48 : i32
        %add3A_1001 = arith.addi %mul3A_873, %add3A_1000 : i32
        %get3A_1002 = arith.index_cast %add3A_1001 : i32 to index
        %get3A_1003 = tpu.vector_load %arg5[%get3A_1002] {strides = array<i32>} : memref<16384xi32, #tpu.memory_space<vmem>>, vector<16xi32>,
        %get3A_1004 = vector.shape_cast %get3A_1003 : vector<16xi32> to vector<16xi32>
        %sub3A_1005 = arith.constant 256 : i32
        %sub3A_1006 = vector.broadcast %sub3A_1005 : i32 to vector<16xi32>
        %sub3A_1007 = arith.subi %get3A_1004, %sub3A_1006 : vector<16xi32>
        %max3A_1008 = arith.constant 0 : i32
        %max3A_1009 = vector.broadcast %max3A_1008 : i32 to vector<16xi32>
        %max3A_1010 = arith.maxsi %sub3A_1007, %max3A_1009 : vector<16xi32>
        %mul3A_1011 = arith.constant 65281 : i32
        %mul3A_1012 = vector.broadcast %mul3A_1011 : i32 to vector<16xi32>
        %mul3A_1013 = arith.muli %max3A_1010, %mul3A_1012 : vector<16xi32>
        %shift_right_logical3A_1014 = arith.constant 24 : i32
        %shift_right_logical3A_1015 = vector.broadcast %shift_right_logical3A_1014 : i32 to vector<16xi32>
        %shift_right_logical3A_1016 = arith.shrui %mul3A_1013, %shift_right_logical3A_1015 : vector<16xi32>
        %mul3A_1017 = arith.constant 257 : i32
        %mul3A_1018 = vector.broadcast %mul3A_1017 : i32 to vector<16xi32>
        %mul3A_1019 = arith.muli %shift_right_logical3A_1016, %mul3A_1018 : vector<16xi32>
        %sub3A_1020 = arith.subi %max3A_1010, %mul3A_1019 : vector<16xi32>
        %lt3A_1021 = arith.constant 256 : i32
        %lt3A_1022 = vector.broadcast %lt3A_1021 : i32 to vector<16xi32>
        %lt3A_1023 = arith.cmpi slt, %get3A_1004, %lt3A_1022 : vector<16xi32>
        %add3A_1024 = arith.constant 8 : i32
        %add3A_1025 = vector.broadcast %add3A_1024 : i32 to vector<16xi32>
        %add3A_1026 = arith.addi %get3A_1004, %add3A_1025 : vector<16xi32>
        %add3A_1027 = arith.constant 1 : i32
        %add3A_1028 = vector.broadcast %add3A_1027 : i32 to vector<16xi32>
        %add3A_1029 = arith.addi %shift_right_logical3A_1016, %add3A_1028 : vector<16xi32>
        %mul3A_1030 = arith.constant 264 : i32
        %mul3A_1031 = vector.broadcast %mul3A_1030 : i32 to vector<16xi32>
        %mul3A_1032 = arith.muli %add3A_1029, %mul3A_1031 : vector<16xi32>
        %add3A_1033 = arith.constant 7 : i32
        %add3A_1034 = vector.broadcast %add3A_1033 : i32 to vector<16xi32>
        %add3A_1035 = arith.addi %mul3A_1032, %add3A_1034 : vector<16xi32>
        %add3A_1036 = arith.addi %add3A_1035, %sub3A_1020 : vector<16xi32>
        %select_n3A_1037 = arith.select %lt3A_1023, %add3A_1026, %add3A_1036 : vector<16xi1>, vector<16xi32>
        %swap3A_1038 = arith.constant 48 : index
        %swap3A_1039 = tpu.vector_load %arg12[%swap3A_1038] {strides = array<i32>} : memref<64xi32, #tpu.memory_space<vmem>>, vector<16xi32>,
        %swap3A_1040 = vector.shape_cast %swap3A_1039 : vector<16xi32> to vector<16xi32>
        %swap3A_1041 = vector.shape_cast %select_n3A_1037 : vector<16xi32> to vector<16xi32>
        tpu.vector_store %arg12[%swap3A_1038], %swap3A_1041 {strides = array<i32>} : memref<64xi32, #tpu.memory_space<vmem>>, vector<16xi32>,
        %dma_start3A_1042 = arith.constant 0 : i32
        %dma_start3A_1043 = arith.constant 0 : i32
        %dma_start3A_1044 = tpu.memref_slice %arg3[%dma_start3A_1042, %dma_start3A_1043] : memref<16896x128xf32, #tpu.memory_space<hbm>> -> memref<16896x128xf32, #tpu.memory_space<hbm>>
        tpu.enqueue_indirect_dma source(%dma_start3A_1044 : memref<16896x128xf32, #tpu.memory_space<hbm>>) target(%arg20 : memref<64x128xf32, #tpu.memory_space<vmem>>) offsets(%arg12 : memref<64xi32, #tpu.memory_space<vmem>>) semaphore(%arg28 : memref<!tpu.dma_semaphore, #tpu.memory_space<semaphore_mem>>)
      } else {
      }
      %mul3A_761 = arith.constant 8 : i32
      %mul3A_762 = arith.muli %scan3A_699, %mul3A_761 : i32
      %add3A_763 = arith.constant 3 : i32
      %add3A_764 = arith.addi %mul3A_762, %add3A_763 : i32
      %dma_wait3A_765 = arith.constant 0 : i32
      %dma_wait3A_766 = arith.constant 0 : i32
      %dma_wait3A_767 = tpu.memref_slice %arg3[%dma_wait3A_765, %dma_wait3A_766] : memref<16896x128xf32, #tpu.memory_space<hbm>> -> memref<16896x128xf32, #tpu.memory_space<hbm>>
      tpu.wait_indirect_dma semaphore(%arg25 : memref<!tpu.dma_semaphore, #tpu.memory_space<semaphore_mem>>) src(%dma_wait3A_767 : memref<16896x128xf32, #tpu.memory_space<hbm>>) dst(%arg17 : memref<64x128xf32, #tpu.memory_space<vmem>>)
      %mul3A_768 = arith.constant 64 : i32
      %mul3A_769 = arith.muli %add3A_764, %mul3A_768 : i32
      %add3A_770 = arith.addi %mul3A_2, %mul3A_769 : i32
      %dma_start3A_771 = arith.constant 0 : i32
      %dma_start3A_772 = tpu.memref_slice %arg4[%add3A_770, %dma_start3A_771] : memref<524288x128xf32, #tpu.memory_space<hbm>> -> memref<64x128xf32, #tpu.memory_space<hbm>>
      %dma_start3A_773 = arith.constant 0 : i32
      %dma_start3A_774 = tpu.memref_slice %arg4[%add3A_770, %dma_start3A_773] : memref<524288x128xf32, #tpu.memory_space<hbm>> -> memref<64x128xf32, #tpu.memory_space<hbm>>
      tpu.enqueue_dma source(%arg17 : memref<64x128xf32, #tpu.memory_space<vmem>>) target(%dma_start3A_774 : memref<64x128xf32, #tpu.memory_space<hbm>>) target_semaphore(%arg33 : memref<!tpu.dma_semaphore, #tpu.memory_space<semaphore_mem>>)
      %add3A_775 = arith.constant 4 : i32
      %add3A_776 = arith.addi %add3A_764, %add3A_775 : i32
      %lt3A_777 = arith.constant 256 : i32
      %lt3A_778 = arith.cmpi slt, %add3A_776, %lt3A_777 : i32
      %convert_element_type3A_779 = arith.extui %lt3A_778 : i1 to i32
      %cond3A_780 = arith.constant 0 : i32
      %cond3A_781 = arith.cmpi ne, %convert_element_type3A_779, %cond3A_780 : i32
      scf.if %cond3A_781 {
        %ge3A = arith.constant 4 : i32
        %ge3A_866 = arith.cmpi sge, %add3A_764, %ge3A : i32
        %convert_element_type3A_867 = arith.extui %ge3A_866 : i1 to i32
        %cond3A_868 = arith.constant 0 : i32
        %cond3A_869 = arith.cmpi ne, %convert_element_type3A_867, %cond3A_868 : i32
        scf.if %cond3A_869 {
          %add3A_1045 = arith.constant 4 : i32
          %add3A_1046 = arith.addi %add3A_764, %add3A_1045 : i32
          %sub3A_1047 = arith.constant 8 : i32
          %sub3A_1048 = arith.subi %add3A_1046, %sub3A_1047 : i32
          %mul3A_1049 = arith.constant 64 : i32
          %mul3A_1050 = arith.muli %sub3A_1048, %mul3A_1049 : i32
          %add3A_1051 = arith.addi %mul3A_2, %mul3A_1050 : i32
          %dma_wait3A_1052 = arith.constant 0 : i32
          %dma_wait3A_1053 = tpu.memref_slice %arg4[%add3A_1051, %dma_wait3A_1052] : memref<524288x128xf32, #tpu.memory_space<hbm>> -> memref<64x128xf32, #tpu.memory_space<hbm>>
          %dma_wait3A_1054 = arith.constant 0 : i32
          %dma_wait3A_1055 = tpu.memref_slice %arg4[%add3A_1051, %dma_wait3A_1054] : memref<524288x128xf32, #tpu.memory_space<hbm>> -> memref<64x128xf32, #tpu.memory_space<hbm>>
          tpu.wait_dma2 semaphore(%arg37 : memref<!tpu.dma_semaphore, #tpu.memory_space<semaphore_mem>>) src(%arg21 : memref<64x128xf32, #tpu.memory_space<vmem>>) dst(%dma_wait3A_1055 : memref<64x128xf32, #tpu.memory_space<hbm>>)
        } else {
        }
        %add3A_870 = arith.constant 4 : i32
        %add3A_871 = arith.addi %add3A_764, %add3A_870 : i32
        %mul3A_872 = arith.constant 64 : i32
        %mul3A_873 = arith.muli %add3A_871, %mul3A_872 : i32
        %add3A_874 = arith.constant 0 : i32
        %add3A_875 = arith.addi %mul3A_873, %add3A_874 : i32
        %get3A_876 = arith.index_cast %add3A_875 : i32 to index
        %get3A_877 = tpu.vector_load %arg5[%get3A_876] {strides = array<i32>} : memref<16384xi32, #tpu.memory_space<vmem>>, vector<16xi32>,
        %get3A_878 = vector.shape_cast %get3A_877 : vector<16xi32> to vector<16xi32>
        %sub3A_879 = arith.constant 256 : i32
        %sub3A_880 = vector.broadcast %sub3A_879 : i32 to vector<16xi32>
        %sub3A_881 = arith.subi %get3A_878, %sub3A_880 : vector<16xi32>
        %max3A_882 = arith.constant 0 : i32
        %max3A_883 = vector.broadcast %max3A_882 : i32 to vector<16xi32>
        %max3A_884 = arith.maxsi %sub3A_881, %max3A_883 : vector<16xi32>
        %mul3A_885 = arith.constant 65281 : i32
        %mul3A_886 = vector.broadcast %mul3A_885 : i32 to vector<16xi32>
        %mul3A_887 = arith.muli %max3A_884, %mul3A_886 : vector<16xi32>
        %shift_right_logical3A_888 = arith.constant 24 : i32
        %shift_right_logical3A_889 = vector.broadcast %shift_right_logical3A_888 : i32 to vector<16xi32>
        %shift_right_logical3A_890 = arith.shrui %mul3A_887, %shift_right_logical3A_889 : vector<16xi32>
        %mul3A_891 = arith.constant 257 : i32
        %mul3A_892 = vector.broadcast %mul3A_891 : i32 to vector<16xi32>
        %mul3A_893 = arith.muli %shift_right_logical3A_890, %mul3A_892 : vector<16xi32>
        %sub3A_894 = arith.subi %max3A_884, %mul3A_893 : vector<16xi32>
        %lt3A_895 = arith.constant 256 : i32
        %lt3A_896 = vector.broadcast %lt3A_895 : i32 to vector<16xi32>
        %lt3A_897 = arith.cmpi slt, %get3A_878, %lt3A_896 : vector<16xi32>
        %add3A_898 = arith.constant 8 : i32
        %add3A_899 = vector.broadcast %add3A_898 : i32 to vector<16xi32>
        %add3A_900 = arith.addi %get3A_878, %add3A_899 : vector<16xi32>
        %add3A_901 = arith.constant 1 : i32
        %add3A_902 = vector.broadcast %add3A_901 : i32 to vector<16xi32>
        %add3A_903 = arith.addi %shift_right_logical3A_890, %add3A_902 : vector<16xi32>
        %mul3A_904 = arith.constant 264 : i32
        %mul3A_905 = vector.broadcast %mul3A_904 : i32 to vector<16xi32>
        %mul3A_906 = arith.muli %add3A_903, %mul3A_905 : vector<16xi32>
        %add3A_907 = arith.constant 7 : i32
        %add3A_908 = vector.broadcast %add3A_907 : i32 to vector<16xi32>
        %add3A_909 = arith.addi %mul3A_906, %add3A_908 : vector<16xi32>
        %add3A_910 = arith.addi %add3A_909, %sub3A_894 : vector<16xi32>
        %select_n3A_911 = arith.select %lt3A_897, %add3A_900, %add3A_910 : vector<16xi1>, vector<16xi32>
        %swap3A_912 = arith.constant 0 : index
        %swap3A_913 = tpu.vector_load %arg13[%swap3A_912] {strides = array<i32>} : memref<64xi32, #tpu.memory_space<vmem>>, vector<16xi32>,
        %swap3A_914 = vector.shape_cast %swap3A_913 : vector<16xi32> to vector<16xi32>
        %swap3A_915 = vector.shape_cast %select_n3A_911 : vector<16xi32> to vector<16xi32>
        tpu.vector_store %arg13[%swap3A_912], %swap3A_915 {strides = array<i32>} : memref<64xi32, #tpu.memory_space<vmem>>, vector<16xi32>,
        %add3A_916 = arith.constant 16 : i32
        %add3A_917 = arith.addi %mul3A_873, %add3A_916 : i32
        %get3A_918 = arith.index_cast %add3A_917 : i32 to index
        %get3A_919 = tpu.vector_load %arg5[%get3A_918] {strides = array<i32>} : memref<16384xi32, #tpu.memory_space<vmem>>, vector<16xi32>,
        %get3A_920 = vector.shape_cast %get3A_919 : vector<16xi32> to vector<16xi32>
        %sub3A_921 = arith.constant 256 : i32
        %sub3A_922 = vector.broadcast %sub3A_921 : i32 to vector<16xi32>
        %sub3A_923 = arith.subi %get3A_920, %sub3A_922 : vector<16xi32>
        %max3A_924 = arith.constant 0 : i32
        %max3A_925 = vector.broadcast %max3A_924 : i32 to vector<16xi32>
        %max3A_926 = arith.maxsi %sub3A_923, %max3A_925 : vector<16xi32>
        %mul3A_927 = arith.constant 65281 : i32
        %mul3A_928 = vector.broadcast %mul3A_927 : i32 to vector<16xi32>
        %mul3A_929 = arith.muli %max3A_926, %mul3A_928 : vector<16xi32>
        %shift_right_logical3A_930 = arith.constant 24 : i32
        %shift_right_logical3A_931 = vector.broadcast %shift_right_logical3A_930 : i32 to vector<16xi32>
        %shift_right_logical3A_932 = arith.shrui %mul3A_929, %shift_right_logical3A_931 : vector<16xi32>
        %mul3A_933 = arith.constant 257 : i32
        %mul3A_934 = vector.broadcast %mul3A_933 : i32 to vector<16xi32>
        %mul3A_935 = arith.muli %shift_right_logical3A_932, %mul3A_934 : vector<16xi32>
        %sub3A_936 = arith.subi %max3A_926, %mul3A_935 : vector<16xi32>
        %lt3A_937 = arith.constant 256 : i32
        %lt3A_938 = vector.broadcast %lt3A_937 : i32 to vector<16xi32>
        %lt3A_939 = arith.cmpi slt, %get3A_920, %lt3A_938 : vector<16xi32>
        %add3A_940 = arith.constant 8 : i32
        %add3A_941 = vector.broadcast %add3A_940 : i32 to vector<16xi32>
        %add3A_942 = arith.addi %get3A_920, %add3A_941 : vector<16xi32>
        %add3A_943 = arith.constant 1 : i32
        %add3A_944 = vector.broadcast %add3A_943 : i32 to vector<16xi32>
        %add3A_945 = arith.addi %shift_right_logical3A_932, %add3A_944 : vector<16xi32>
        %mul3A_946 = arith.constant 264 : i32
        %mul3A_947 = vector.broadcast %mul3A_946 : i32 to vector<16xi32>
        %mul3A_948 = arith.muli %add3A_945, %mul3A_947 : vector<16xi32>
        %add3A_949 = arith.constant 7 : i32
        %add3A_950 = vector.broadcast %add3A_949 : i32 to vector<16xi32>
        %add3A_951 = arith.addi %mul3A_948, %add3A_950 : vector<16xi32>
        %add3A_952 = arith.addi %add3A_951, %sub3A_936 : vector<16xi32>
        %select_n3A_953 = arith.select %lt3A_939, %add3A_942, %add3A_952 : vector<16xi1>, vector<16xi32>
        %swap3A_954 = arith.constant 16 : index
        %swap3A_955 = tpu.vector_load %arg13[%swap3A_954] {strides = array<i32>} : memref<64xi32, #tpu.memory_space<vmem>>, vector<16xi32>,
        %swap3A_956 = vector.shape_cast %swap3A_955 : vector<16xi32> to vector<16xi32>
        %swap3A_957 = vector.shape_cast %select_n3A_953 : vector<16xi32> to vector<16xi32>
        tpu.vector_store %arg13[%swap3A_954], %swap3A_957 {strides = array<i32>} : memref<64xi32, #tpu.memory_space<vmem>>, vector<16xi32>,
        %add3A_958 = arith.constant 32 : i32
        %add3A_959 = arith.addi %mul3A_873, %add3A_958 : i32
        %get3A_960 = arith.index_cast %add3A_959 : i32 to index
        %get3A_961 = tpu.vector_load %arg5[%get3A_960] {strides = array<i32>} : memref<16384xi32, #tpu.memory_space<vmem>>, vector<16xi32>,
        %get3A_962 = vector.shape_cast %get3A_961 : vector<16xi32> to vector<16xi32>
        %sub3A_963 = arith.constant 256 : i32
        %sub3A_964 = vector.broadcast %sub3A_963 : i32 to vector<16xi32>
        %sub3A_965 = arith.subi %get3A_962, %sub3A_964 : vector<16xi32>
        %max3A_966 = arith.constant 0 : i32
        %max3A_967 = vector.broadcast %max3A_966 : i32 to vector<16xi32>
        %max3A_968 = arith.maxsi %sub3A_965, %max3A_967 : vector<16xi32>
        %mul3A_969 = arith.constant 65281 : i32
        %mul3A_970 = vector.broadcast %mul3A_969 : i32 to vector<16xi32>
        %mul3A_971 = arith.muli %max3A_968, %mul3A_970 : vector<16xi32>
        %shift_right_logical3A_972 = arith.constant 24 : i32
        %shift_right_logical3A_973 = vector.broadcast %shift_right_logical3A_972 : i32 to vector<16xi32>
        %shift_right_logical3A_974 = arith.shrui %mul3A_971, %shift_right_logical3A_973 : vector<16xi32>
        %mul3A_975 = arith.constant 257 : i32
        %mul3A_976 = vector.broadcast %mul3A_975 : i32 to vector<16xi32>
        %mul3A_977 = arith.muli %shift_right_logical3A_974, %mul3A_976 : vector<16xi32>
        %sub3A_978 = arith.subi %max3A_968, %mul3A_977 : vector<16xi32>
        %lt3A_979 = arith.constant 256 : i32
        %lt3A_980 = vector.broadcast %lt3A_979 : i32 to vector<16xi32>
        %lt3A_981 = arith.cmpi slt, %get3A_962, %lt3A_980 : vector<16xi32>
        %add3A_982 = arith.constant 8 : i32
        %add3A_983 = vector.broadcast %add3A_982 : i32 to vector<16xi32>
        %add3A_984 = arith.addi %get3A_962, %add3A_983 : vector<16xi32>
        %add3A_985 = arith.constant 1 : i32
        %add3A_986 = vector.broadcast %add3A_985 : i32 to vector<16xi32>
        %add3A_987 = arith.addi %shift_right_logical3A_974, %add3A_986 : vector<16xi32>
        %mul3A_988 = arith.constant 264 : i32
        %mul3A_989 = vector.broadcast %mul3A_988 : i32 to vector<16xi32>
        %mul3A_990 = arith.muli %add3A_987, %mul3A_989 : vector<16xi32>
        %add3A_991 = arith.constant 7 : i32
        %add3A_992 = vector.broadcast %add3A_991 : i32 to vector<16xi32>
        %add3A_993 = arith.addi %mul3A_990, %add3A_992 : vector<16xi32>
        %add3A_994 = arith.addi %add3A_993, %sub3A_978 : vector<16xi32>
        %select_n3A_995 = arith.select %lt3A_981, %add3A_984, %add3A_994 : vector<16xi1>, vector<16xi32>
        %swap3A_996 = arith.constant 32 : index
        %swap3A_997 = tpu.vector_load %arg13[%swap3A_996] {strides = array<i32>} : memref<64xi32, #tpu.memory_space<vmem>>, vector<16xi32>,
        %swap3A_998 = vector.shape_cast %swap3A_997 : vector<16xi32> to vector<16xi32>
        %swap3A_999 = vector.shape_cast %select_n3A_995 : vector<16xi32> to vector<16xi32>
        tpu.vector_store %arg13[%swap3A_996], %swap3A_999 {strides = array<i32>} : memref<64xi32, #tpu.memory_space<vmem>>, vector<16xi32>,
        %add3A_1000 = arith.constant 48 : i32
        %add3A_1001 = arith.addi %mul3A_873, %add3A_1000 : i32
        %get3A_1002 = arith.index_cast %add3A_1001 : i32 to index
        %get3A_1003 = tpu.vector_load %arg5[%get3A_1002] {strides = array<i32>} : memref<16384xi32, #tpu.memory_space<vmem>>, vector<16xi32>,
        %get3A_1004 = vector.shape_cast %get3A_1003 : vector<16xi32> to vector<16xi32>
        %sub3A_1005 = arith.constant 256 : i32
        %sub3A_1006 = vector.broadcast %sub3A_1005 : i32 to vector<16xi32>
        %sub3A_1007 = arith.subi %get3A_1004, %sub3A_1006 : vector<16xi32>
        %max3A_1008 = arith.constant 0 : i32
        %max3A_1009 = vector.broadcast %max3A_1008 : i32 to vector<16xi32>
        %max3A_1010 = arith.maxsi %sub3A_1007, %max3A_1009 : vector<16xi32>
        %mul3A_1011 = arith.constant 65281 : i32
        %mul3A_1012 = vector.broadcast %mul3A_1011 : i32 to vector<16xi32>
        %mul3A_1013 = arith.muli %max3A_1010, %mul3A_1012 : vector<16xi32>
        %shift_right_logical3A_1014 = arith.constant 24 : i32
        %shift_right_logical3A_1015 = vector.broadcast %shift_right_logical3A_1014 : i32 to vector<16xi32>
        %shift_right_logical3A_1016 = arith.shrui %mul3A_1013, %shift_right_logical3A_1015 : vector<16xi32>
        %mul3A_1017 = arith.constant 257 : i32
        %mul3A_1018 = vector.broadcast %mul3A_1017 : i32 to vector<16xi32>
        %mul3A_1019 = arith.muli %shift_right_logical3A_1016, %mul3A_1018 : vector<16xi32>
        %sub3A_1020 = arith.subi %max3A_1010, %mul3A_1019 : vector<16xi32>
        %lt3A_1021 = arith.constant 256 : i32
        %lt3A_1022 = vector.broadcast %lt3A_1021 : i32 to vector<16xi32>
        %lt3A_1023 = arith.cmpi slt, %get3A_1004, %lt3A_1022 : vector<16xi32>
        %add3A_1024 = arith.constant 8 : i32
        %add3A_1025 = vector.broadcast %add3A_1024 : i32 to vector<16xi32>
        %add3A_1026 = arith.addi %get3A_1004, %add3A_1025 : vector<16xi32>
        %add3A_1027 = arith.constant 1 : i32
        %add3A_1028 = vector.broadcast %add3A_1027 : i32 to vector<16xi32>
        %add3A_1029 = arith.addi %shift_right_logical3A_1016, %add3A_1028 : vector<16xi32>
        %mul3A_1030 = arith.constant 264 : i32
        %mul3A_1031 = vector.broadcast %mul3A_1030 : i32 to vector<16xi32>
        %mul3A_1032 = arith.muli %add3A_1029, %mul3A_1031 : vector<16xi32>
        %add3A_1033 = arith.constant 7 : i32
        %add3A_1034 = vector.broadcast %add3A_1033 : i32 to vector<16xi32>
        %add3A_1035 = arith.addi %mul3A_1032, %add3A_1034 : vector<16xi32>
        %add3A_1036 = arith.addi %add3A_1035, %sub3A_1020 : vector<16xi32>
        %select_n3A_1037 = arith.select %lt3A_1023, %add3A_1026, %add3A_1036 : vector<16xi1>, vector<16xi32>
        %swap3A_1038 = arith.constant 48 : index
        %swap3A_1039 = tpu.vector_load %arg13[%swap3A_1038] {strides = array<i32>} : memref<64xi32, #tpu.memory_space<vmem>>, vector<16xi32>,
        %swap3A_1040 = vector.shape_cast %swap3A_1039 : vector<16xi32> to vector<16xi32>
        %swap3A_1041 = vector.shape_cast %select_n3A_1037 : vector<16xi32> to vector<16xi32>
        tpu.vector_store %arg13[%swap3A_1038], %swap3A_1041 {strides = array<i32>} : memref<64xi32, #tpu.memory_space<vmem>>, vector<16xi32>,
        %dma_start3A_1042 = arith.constant 0 : i32
        %dma_start3A_1043 = arith.constant 0 : i32
        %dma_start3A_1044 = tpu.memref_slice %arg3[%dma_start3A_1042, %dma_start3A_1043] : memref<16896x128xf32, #tpu.memory_space<hbm>> -> memref<16896x128xf32, #tpu.memory_space<hbm>>
        tpu.enqueue_indirect_dma source(%dma_start3A_1044 : memref<16896x128xf32, #tpu.memory_space<hbm>>) target(%arg21 : memref<64x128xf32, #tpu.memory_space<vmem>>) offsets(%arg13 : memref<64xi32, #tpu.memory_space<vmem>>) semaphore(%arg29 : memref<!tpu.dma_semaphore, #tpu.memory_space<semaphore_mem>>)
      } else {
      }
      %mul3A_782 = arith.constant 8 : i32
      %mul3A_783 = arith.muli %scan3A_699, %mul3A_782 : i32
      %add3A_784 = arith.constant 4 : i32
      %add3A_785 = arith.addi %mul3A_783, %add3A_784 : i32
      %dma_wait3A_786 = arith.constant 0 : i32
      %dma_wait3A_787 = arith.constant 0 : i32
      %dma_wait3A_788 = tpu.memref_slice %arg3[%dma_wait3A_786, %dma_wait3A_787] : memref<16896x128xf32, #tpu.memory_space<hbm>> -> memref<16896x128xf32, #tpu.memory_space<hbm>>
      tpu.wait_indirect_dma semaphore(%arg26 : memref<!tpu.dma_semaphore, #tpu.memory_space<semaphore_mem>>) src(%dma_wait3A_788 : memref<16896x128xf32, #tpu.memory_space<hbm>>) dst(%arg18 : memref<64x128xf32, #tpu.memory_space<vmem>>)
      %mul3A_789 = arith.constant 64 : i32
      %mul3A_790 = arith.muli %add3A_785, %mul3A_789 : i32
      %add3A_791 = arith.addi %mul3A_2, %mul3A_790 : i32
      %dma_start3A_792 = arith.constant 0 : i32
      %dma_start3A_793 = tpu.memref_slice %arg4[%add3A_791, %dma_start3A_792] : memref<524288x128xf32, #tpu.memory_space<hbm>> -> memref<64x128xf32, #tpu.memory_space<hbm>>
      %dma_start3A_794 = arith.constant 0 : i32
      %dma_start3A_795 = tpu.memref_slice %arg4[%add3A_791, %dma_start3A_794] : memref<524288x128xf32, #tpu.memory_space<hbm>> -> memref<64x128xf32, #tpu.memory_space<hbm>>
      tpu.enqueue_dma source(%arg18 : memref<64x128xf32, #tpu.memory_space<vmem>>) target(%dma_start3A_795 : memref<64x128xf32, #tpu.memory_space<hbm>>) target_semaphore(%arg34 : memref<!tpu.dma_semaphore, #tpu.memory_space<semaphore_mem>>)
      %add3A_796 = arith.constant 4 : i32
      %add3A_797 = arith.addi %add3A_785, %add3A_796 : i32
      %lt3A_798 = arith.constant 256 : i32
      %lt3A_799 = arith.cmpi slt, %add3A_797, %lt3A_798 : i32
      %convert_element_type3A_800 = arith.extui %lt3A_799 : i1 to i32
      %cond3A_801 = arith.constant 0 : i32
      %cond3A_802 = arith.cmpi ne, %convert_element_type3A_800, %cond3A_801 : i32
      scf.if %cond3A_802 {
        %ge3A = arith.constant 4 : i32
        %ge3A_866 = arith.cmpi sge, %add3A_785, %ge3A : i32
        %convert_element_type3A_867 = arith.extui %ge3A_866 : i1 to i32
        %cond3A_868 = arith.constant 0 : i32
        %cond3A_869 = arith.cmpi ne, %convert_element_type3A_867, %cond3A_868 : i32
        scf.if %cond3A_869 {
          %add3A_1045 = arith.constant 4 : i32
          %add3A_1046 = arith.addi %add3A_785, %add3A_1045 : i32
          %sub3A_1047 = arith.constant 8 : i32
          %sub3A_1048 = arith.subi %add3A_1046, %sub3A_1047 : i32
          %mul3A_1049 = arith.constant 64 : i32
          %mul3A_1050 = arith.muli %sub3A_1048, %mul3A_1049 : i32
          %add3A_1051 = arith.addi %mul3A_2, %mul3A_1050 : i32
          %dma_wait3A_1052 = arith.constant 0 : i32
          %dma_wait3A_1053 = tpu.memref_slice %arg4[%add3A_1051, %dma_wait3A_1052] : memref<524288x128xf32, #tpu.memory_space<hbm>> -> memref<64x128xf32, #tpu.memory_space<hbm>>
          %dma_wait3A_1054 = arith.constant 0 : i32
          %dma_wait3A_1055 = tpu.memref_slice %arg4[%add3A_1051, %dma_wait3A_1054] : memref<524288x128xf32, #tpu.memory_space<hbm>> -> memref<64x128xf32, #tpu.memory_space<hbm>>
          tpu.wait_dma2 semaphore(%arg30 : memref<!tpu.dma_semaphore, #tpu.memory_space<semaphore_mem>>) src(%arg14 : memref<64x128xf32, #tpu.memory_space<vmem>>) dst(%dma_wait3A_1055 : memref<64x128xf32, #tpu.memory_space<hbm>>)
        } else {
        }
        %add3A_870 = arith.constant 4 : i32
        %add3A_871 = arith.addi %add3A_785, %add3A_870 : i32
        %mul3A_872 = arith.constant 64 : i32
        %mul3A_873 = arith.muli %add3A_871, %mul3A_872 : i32
        %add3A_874 = arith.constant 0 : i32
        %add3A_875 = arith.addi %mul3A_873, %add3A_874 : i32
        %get3A_876 = arith.index_cast %add3A_875 : i32 to index
        %get3A_877 = tpu.vector_load %arg5[%get3A_876] {strides = array<i32>} : memref<16384xi32, #tpu.memory_space<vmem>>, vector<16xi32>,
        %get3A_878 = vector.shape_cast %get3A_877 : vector<16xi32> to vector<16xi32>
        %sub3A_879 = arith.constant 256 : i32
        %sub3A_880 = vector.broadcast %sub3A_879 : i32 to vector<16xi32>
        %sub3A_881 = arith.subi %get3A_878, %sub3A_880 : vector<16xi32>
        %max3A_882 = arith.constant 0 : i32
        %max3A_883 = vector.broadcast %max3A_882 : i32 to vector<16xi32>
        %max3A_884 = arith.maxsi %sub3A_881, %max3A_883 : vector<16xi32>
        %mul3A_885 = arith.constant 65281 : i32
        %mul3A_886 = vector.broadcast %mul3A_885 : i32 to vector<16xi32>
        %mul3A_887 = arith.muli %max3A_884, %mul3A_886 : vector<16xi32>
        %shift_right_logical3A_888 = arith.constant 24 : i32
        %shift_right_logical3A_889 = vector.broadcast %shift_right_logical3A_888 : i32 to vector<16xi32>
        %shift_right_logical3A_890 = arith.shrui %mul3A_887, %shift_right_logical3A_889 : vector<16xi32>
        %mul3A_891 = arith.constant 257 : i32
        %mul3A_892 = vector.broadcast %mul3A_891 : i32 to vector<16xi32>
        %mul3A_893 = arith.muli %shift_right_logical3A_890, %mul3A_892 : vector<16xi32>
        %sub3A_894 = arith.subi %max3A_884, %mul3A_893 : vector<16xi32>
        %lt3A_895 = arith.constant 256 : i32
        %lt3A_896 = vector.broadcast %lt3A_895 : i32 to vector<16xi32>
        %lt3A_897 = arith.cmpi slt, %get3A_878, %lt3A_896 : vector<16xi32>
        %add3A_898 = arith.constant 8 : i32
        %add3A_899 = vector.broadcast %add3A_898 : i32 to vector<16xi32>
        %add3A_900 = arith.addi %get3A_878, %add3A_899 : vector<16xi32>
        %add3A_901 = arith.constant 1 : i32
        %add3A_902 = vector.broadcast %add3A_901 : i32 to vector<16xi32>
        %add3A_903 = arith.addi %shift_right_logical3A_890, %add3A_902 : vector<16xi32>
        %mul3A_904 = arith.constant 264 : i32
        %mul3A_905 = vector.broadcast %mul3A_904 : i32 to vector<16xi32>
        %mul3A_906 = arith.muli %add3A_903, %mul3A_905 : vector<16xi32>
        %add3A_907 = arith.constant 7 : i32
        %add3A_908 = vector.broadcast %add3A_907 : i32 to vector<16xi32>
        %add3A_909 = arith.addi %mul3A_906, %add3A_908 : vector<16xi32>
        %add3A_910 = arith.addi %add3A_909, %sub3A_894 : vector<16xi32>
        %select_n3A_911 = arith.select %lt3A_897, %add3A_900, %add3A_910 : vector<16xi1>, vector<16xi32>
        %swap3A_912 = arith.constant 0 : index
        %swap3A_913 = tpu.vector_load %arg6[%swap3A_912] {strides = array<i32>} : memref<64xi32, #tpu.memory_space<vmem>>, vector<16xi32>,
        %swap3A_914 = vector.shape_cast %swap3A_913 : vector<16xi32> to vector<16xi32>
        %swap3A_915 = vector.shape_cast %select_n3A_911 : vector<16xi32> to vector<16xi32>
        tpu.vector_store %arg6[%swap3A_912], %swap3A_915 {strides = array<i32>} : memref<64xi32, #tpu.memory_space<vmem>>, vector<16xi32>,
        %add3A_916 = arith.constant 16 : i32
        %add3A_917 = arith.addi %mul3A_873, %add3A_916 : i32
        %get3A_918 = arith.index_cast %add3A_917 : i32 to index
        %get3A_919 = tpu.vector_load %arg5[%get3A_918] {strides = array<i32>} : memref<16384xi32, #tpu.memory_space<vmem>>, vector<16xi32>,
        %get3A_920 = vector.shape_cast %get3A_919 : vector<16xi32> to vector<16xi32>
        %sub3A_921 = arith.constant 256 : i32
        %sub3A_922 = vector.broadcast %sub3A_921 : i32 to vector<16xi32>
        %sub3A_923 = arith.subi %get3A_920, %sub3A_922 : vector<16xi32>
        %max3A_924 = arith.constant 0 : i32
        %max3A_925 = vector.broadcast %max3A_924 : i32 to vector<16xi32>
        %max3A_926 = arith.maxsi %sub3A_923, %max3A_925 : vector<16xi32>
        %mul3A_927 = arith.constant 65281 : i32
        %mul3A_928 = vector.broadcast %mul3A_927 : i32 to vector<16xi32>
        %mul3A_929 = arith.muli %max3A_926, %mul3A_928 : vector<16xi32>
        %shift_right_logical3A_930 = arith.constant 24 : i32
        %shift_right_logical3A_931 = vector.broadcast %shift_right_logical3A_930 : i32 to vector<16xi32>
        %shift_right_logical3A_932 = arith.shrui %mul3A_929, %shift_right_logical3A_931 : vector<16xi32>
        %mul3A_933 = arith.constant 257 : i32
        %mul3A_934 = vector.broadcast %mul3A_933 : i32 to vector<16xi32>
        %mul3A_935 = arith.muli %shift_right_logical3A_932, %mul3A_934 : vector<16xi32>
        %sub3A_936 = arith.subi %max3A_926, %mul3A_935 : vector<16xi32>
        %lt3A_937 = arith.constant 256 : i32
        %lt3A_938 = vector.broadcast %lt3A_937 : i32 to vector<16xi32>
        %lt3A_939 = arith.cmpi slt, %get3A_920, %lt3A_938 : vector<16xi32>
        %add3A_940 = arith.constant 8 : i32
        %add3A_941 = vector.broadcast %add3A_940 : i32 to vector<16xi32>
        %add3A_942 = arith.addi %get3A_920, %add3A_941 : vector<16xi32>
        %add3A_943 = arith.constant 1 : i32
        %add3A_944 = vector.broadcast %add3A_943 : i32 to vector<16xi32>
        %add3A_945 = arith.addi %shift_right_logical3A_932, %add3A_944 : vector<16xi32>
        %mul3A_946 = arith.constant 264 : i32
        %mul3A_947 = vector.broadcast %mul3A_946 : i32 to vector<16xi32>
        %mul3A_948 = arith.muli %add3A_945, %mul3A_947 : vector<16xi32>
        %add3A_949 = arith.constant 7 : i32
        %add3A_950 = vector.broadcast %add3A_949 : i32 to vector<16xi32>
        %add3A_951 = arith.addi %mul3A_948, %add3A_950 : vector<16xi32>
        %add3A_952 = arith.addi %add3A_951, %sub3A_936 : vector<16xi32>
        %select_n3A_953 = arith.select %lt3A_939, %add3A_942, %add3A_952 : vector<16xi1>, vector<16xi32>
        %swap3A_954 = arith.constant 16 : index
        %swap3A_955 = tpu.vector_load %arg6[%swap3A_954] {strides = array<i32>} : memref<64xi32, #tpu.memory_space<vmem>>, vector<16xi32>,
        %swap3A_956 = vector.shape_cast %swap3A_955 : vector<16xi32> to vector<16xi32>
        %swap3A_957 = vector.shape_cast %select_n3A_953 : vector<16xi32> to vector<16xi32>
        tpu.vector_store %arg6[%swap3A_954], %swap3A_957 {strides = array<i32>} : memref<64xi32, #tpu.memory_space<vmem>>, vector<16xi32>,
        %add3A_958 = arith.constant 32 : i32
        %add3A_959 = arith.addi %mul3A_873, %add3A_958 : i32
        %get3A_960 = arith.index_cast %add3A_959 : i32 to index
        %get3A_961 = tpu.vector_load %arg5[%get3A_960] {strides = array<i32>} : memref<16384xi32, #tpu.memory_space<vmem>>, vector<16xi32>,
        %get3A_962 = vector.shape_cast %get3A_961 : vector<16xi32> to vector<16xi32>
        %sub3A_963 = arith.constant 256 : i32
        %sub3A_964 = vector.broadcast %sub3A_963 : i32 to vector<16xi32>
        %sub3A_965 = arith.subi %get3A_962, %sub3A_964 : vector<16xi32>
        %max3A_966 = arith.constant 0 : i32
        %max3A_967 = vector.broadcast %max3A_966 : i32 to vector<16xi32>
        %max3A_968 = arith.maxsi %sub3A_965, %max3A_967 : vector<16xi32>
        %mul3A_969 = arith.constant 65281 : i32
        %mul3A_970 = vector.broadcast %mul3A_969 : i32 to vector<16xi32>
        %mul3A_971 = arith.muli %max3A_968, %mul3A_970 : vector<16xi32>
        %shift_right_logical3A_972 = arith.constant 24 : i32
        %shift_right_logical3A_973 = vector.broadcast %shift_right_logical3A_972 : i32 to vector<16xi32>
        %shift_right_logical3A_974 = arith.shrui %mul3A_971, %shift_right_logical3A_973 : vector<16xi32>
        %mul3A_975 = arith.constant 257 : i32
        %mul3A_976 = vector.broadcast %mul3A_975 : i32 to vector<16xi32>
        %mul3A_977 = arith.muli %shift_right_logical3A_974, %mul3A_976 : vector<16xi32>
        %sub3A_978 = arith.subi %max3A_968, %mul3A_977 : vector<16xi32>
        %lt3A_979 = arith.constant 256 : i32
        %lt3A_980 = vector.broadcast %lt3A_979 : i32 to vector<16xi32>
        %lt3A_981 = arith.cmpi slt, %get3A_962, %lt3A_980 : vector<16xi32>
        %add3A_982 = arith.constant 8 : i32
        %add3A_983 = vector.broadcast %add3A_982 : i32 to vector<16xi32>
        %add3A_984 = arith.addi %get3A_962, %add3A_983 : vector<16xi32>
        %add3A_985 = arith.constant 1 : i32
        %add3A_986 = vector.broadcast %add3A_985 : i32 to vector<16xi32>
        %add3A_987 = arith.addi %shift_right_logical3A_974, %add3A_986 : vector<16xi32>
        %mul3A_988 = arith.constant 264 : i32
        %mul3A_989 = vector.broadcast %mul3A_988 : i32 to vector<16xi32>
        %mul3A_990 = arith.muli %add3A_987, %mul3A_989 : vector<16xi32>
        %add3A_991 = arith.constant 7 : i32
        %add3A_992 = vector.broadcast %add3A_991 : i32 to vector<16xi32>
        %add3A_993 = arith.addi %mul3A_990, %add3A_992 : vector<16xi32>
        %add3A_994 = arith.addi %add3A_993, %sub3A_978 : vector<16xi32>
        %select_n3A_995 = arith.select %lt3A_981, %add3A_984, %add3A_994 : vector<16xi1>, vector<16xi32>
        %swap3A_996 = arith.constant 32 : index
        %swap3A_997 = tpu.vector_load %arg6[%swap3A_996] {strides = array<i32>} : memref<64xi32, #tpu.memory_space<vmem>>, vector<16xi32>,
        %swap3A_998 = vector.shape_cast %swap3A_997 : vector<16xi32> to vector<16xi32>
        %swap3A_999 = vector.shape_cast %select_n3A_995 : vector<16xi32> to vector<16xi32>
        tpu.vector_store %arg6[%swap3A_996], %swap3A_999 {strides = array<i32>} : memref<64xi32, #tpu.memory_space<vmem>>, vector<16xi32>,
        %add3A_1000 = arith.constant 48 : i32
        %add3A_1001 = arith.addi %mul3A_873, %add3A_1000 : i32
        %get3A_1002 = arith.index_cast %add3A_1001 : i32 to index
        %get3A_1003 = tpu.vector_load %arg5[%get3A_1002] {strides = array<i32>} : memref<16384xi32, #tpu.memory_space<vmem>>, vector<16xi32>,
        %get3A_1004 = vector.shape_cast %get3A_1003 : vector<16xi32> to vector<16xi32>
        %sub3A_1005 = arith.constant 256 : i32
        %sub3A_1006 = vector.broadcast %sub3A_1005 : i32 to vector<16xi32>
        %sub3A_1007 = arith.subi %get3A_1004, %sub3A_1006 : vector<16xi32>
        %max3A_1008 = arith.constant 0 : i32
        %max3A_1009 = vector.broadcast %max3A_1008 : i32 to vector<16xi32>
        %max3A_1010 = arith.maxsi %sub3A_1007, %max3A_1009 : vector<16xi32>
        %mul3A_1011 = arith.constant 65281 : i32
        %mul3A_1012 = vector.broadcast %mul3A_1011 : i32 to vector<16xi32>
        %mul3A_1013 = arith.muli %max3A_1010, %mul3A_1012 : vector<16xi32>
        %shift_right_logical3A_1014 = arith.constant 24 : i32
        %shift_right_logical3A_1015 = vector.broadcast %shift_right_logical3A_1014 : i32 to vector<16xi32>
        %shift_right_logical3A_1016 = arith.shrui %mul3A_1013, %shift_right_logical3A_1015 : vector<16xi32>
        %mul3A_1017 = arith.constant 257 : i32
        %mul3A_1018 = vector.broadcast %mul3A_1017 : i32 to vector<16xi32>
        %mul3A_1019 = arith.muli %shift_right_logical3A_1016, %mul3A_1018 : vector<16xi32>
        %sub3A_1020 = arith.subi %max3A_1010, %mul3A_1019 : vector<16xi32>
        %lt3A_1021 = arith.constant 256 : i32
        %lt3A_1022 = vector.broadcast %lt3A_1021 : i32 to vector<16xi32>
        %lt3A_1023 = arith.cmpi slt, %get3A_1004, %lt3A_1022 : vector<16xi32>
        %add3A_1024 = arith.constant 8 : i32
        %add3A_1025 = vector.broadcast %add3A_1024 : i32 to vector<16xi32>
        %add3A_1026 = arith.addi %get3A_1004, %add3A_1025 : vector<16xi32>
        %add3A_1027 = arith.constant 1 : i32
        %add3A_1028 = vector.broadcast %add3A_1027 : i32 to vector<16xi32>
        %add3A_1029 = arith.addi %shift_right_logical3A_1016, %add3A_1028 : vector<16xi32>
        %mul3A_1030 = arith.constant 264 : i32
        %mul3A_1031 = vector.broadcast %mul3A_1030 : i32 to vector<16xi32>
        %mul3A_1032 = arith.muli %add3A_1029, %mul3A_1031 : vector<16xi32>
        %add3A_1033 = arith.constant 7 : i32
        %add3A_1034 = vector.broadcast %add3A_1033 : i32 to vector<16xi32>
        %add3A_1035 = arith.addi %mul3A_1032, %add3A_1034 : vector<16xi32>
        %add3A_1036 = arith.addi %add3A_1035, %sub3A_1020 : vector<16xi32>
        %select_n3A_1037 = arith.select %lt3A_1023, %add3A_1026, %add3A_1036 : vector<16xi1>, vector<16xi32>
        %swap3A_1038 = arith.constant 48 : index
        %swap3A_1039 = tpu.vector_load %arg6[%swap3A_1038] {strides = array<i32>} : memref<64xi32, #tpu.memory_space<vmem>>, vector<16xi32>,
        %swap3A_1040 = vector.shape_cast %swap3A_1039 : vector<16xi32> to vector<16xi32>
        %swap3A_1041 = vector.shape_cast %select_n3A_1037 : vector<16xi32> to vector<16xi32>
        tpu.vector_store %arg6[%swap3A_1038], %swap3A_1041 {strides = array<i32>} : memref<64xi32, #tpu.memory_space<vmem>>, vector<16xi32>,
        %dma_start3A_1042 = arith.constant 0 : i32
        %dma_start3A_1043 = arith.constant 0 : i32
        %dma_start3A_1044 = tpu.memref_slice %arg3[%dma_start3A_1042, %dma_start3A_1043] : memref<16896x128xf32, #tpu.memory_space<hbm>> -> memref<16896x128xf32, #tpu.memory_space<hbm>>
        tpu.enqueue_indirect_dma source(%dma_start3A_1044 : memref<16896x128xf32, #tpu.memory_space<hbm>>) target(%arg14 : memref<64x128xf32, #tpu.memory_space<vmem>>) offsets(%arg6 : memref<64xi32, #tpu.memory_space<vmem>>) semaphore(%arg22 : memref<!tpu.dma_semaphore, #tpu.memory_space<semaphore_mem>>)
      } else {
      }
      %mul3A_803 = arith.constant 8 : i32
      %mul3A_804 = arith.muli %scan3A_699, %mul3A_803 : i32
      %add3A_805 = arith.constant 5 : i32
      %add3A_806 = arith.addi %mul3A_804, %add3A_805 : i32
      %dma_wait3A_807 = arith.constant 0 : i32
      %dma_wait3A_808 = arith.constant 0 : i32
      %dma_wait3A_809 = tpu.memref_slice %arg3[%dma_wait3A_807, %dma_wait3A_808] : memref<16896x128xf32, #tpu.memory_space<hbm>> -> memref<16896x128xf32, #tpu.memory_space<hbm>>
      tpu.wait_indirect_dma semaphore(%arg27 : memref<!tpu.dma_semaphore, #tpu.memory_space<semaphore_mem>>) src(%dma_wait3A_809 : memref<16896x128xf32, #tpu.memory_space<hbm>>) dst(%arg19 : memref<64x128xf32, #tpu.memory_space<vmem>>)
      %mul3A_810 = arith.constant 64 : i32
      %mul3A_811 = arith.muli %add3A_806, %mul3A_810 : i32
      %add3A_812 = arith.addi %mul3A_2, %mul3A_811 : i32
      %dma_start3A_813 = arith.constant 0 : i32
      %dma_start3A_814 = tpu.memref_slice %arg4[%add3A_812, %dma_start3A_813] : memref<524288x128xf32, #tpu.memory_space<hbm>> -> memref<64x128xf32, #tpu.memory_space<hbm>>
      %dma_start3A_815 = arith.constant 0 : i32
      %dma_start3A_816 = tpu.memref_slice %arg4[%add3A_812, %dma_start3A_815] : memref<524288x128xf32, #tpu.memory_space<hbm>> -> memref<64x128xf32, #tpu.memory_space<hbm>>
      tpu.enqueue_dma source(%arg19 : memref<64x128xf32, #tpu.memory_space<vmem>>) target(%dma_start3A_816 : memref<64x128xf32, #tpu.memory_space<hbm>>) target_semaphore(%arg35 : memref<!tpu.dma_semaphore, #tpu.memory_space<semaphore_mem>>)
      %add3A_817 = arith.constant 4 : i32
      %add3A_818 = arith.addi %add3A_806, %add3A_817 : i32
      %lt3A_819 = arith.constant 256 : i32
      %lt3A_820 = arith.cmpi slt, %add3A_818, %lt3A_819 : i32
      %convert_element_type3A_821 = arith.extui %lt3A_820 : i1 to i32
      %cond3A_822 = arith.constant 0 : i32
      %cond3A_823 = arith.cmpi ne, %convert_element_type3A_821, %cond3A_822 : i32
      scf.if %cond3A_823 {
        %ge3A = arith.constant 4 : i32
        %ge3A_866 = arith.cmpi sge, %add3A_806, %ge3A : i32
        %convert_element_type3A_867 = arith.extui %ge3A_866 : i1 to i32
        %cond3A_868 = arith.constant 0 : i32
        %cond3A_869 = arith.cmpi ne, %convert_element_type3A_867, %cond3A_868 : i32
        scf.if %cond3A_869 {
          %add3A_1045 = arith.constant 4 : i32
          %add3A_1046 = arith.addi %add3A_806, %add3A_1045 : i32
          %sub3A_1047 = arith.constant 8 : i32
          %sub3A_1048 = arith.subi %add3A_1046, %sub3A_1047 : i32
          %mul3A_1049 = arith.constant 64 : i32
          %mul3A_1050 = arith.muli %sub3A_1048, %mul3A_1049 : i32
          %add3A_1051 = arith.addi %mul3A_2, %mul3A_1050 : i32
          %dma_wait3A_1052 = arith.constant 0 : i32
          %dma_wait3A_1053 = tpu.memref_slice %arg4[%add3A_1051, %dma_wait3A_1052] : memref<524288x128xf32, #tpu.memory_space<hbm>> -> memref<64x128xf32, #tpu.memory_space<hbm>>
          %dma_wait3A_1054 = arith.constant 0 : i32
          %dma_wait3A_1055 = tpu.memref_slice %arg4[%add3A_1051, %dma_wait3A_1054] : memref<524288x128xf32, #tpu.memory_space<hbm>> -> memref<64x128xf32, #tpu.memory_space<hbm>>
          tpu.wait_dma2 semaphore(%arg31 : memref<!tpu.dma_semaphore, #tpu.memory_space<semaphore_mem>>) src(%arg15 : memref<64x128xf32, #tpu.memory_space<vmem>>) dst(%dma_wait3A_1055 : memref<64x128xf32, #tpu.memory_space<hbm>>)
        } else {
        }
        %add3A_870 = arith.constant 4 : i32
        %add3A_871 = arith.addi %add3A_806, %add3A_870 : i32
        %mul3A_872 = arith.constant 64 : i32
        %mul3A_873 = arith.muli %add3A_871, %mul3A_872 : i32
        %add3A_874 = arith.constant 0 : i32
        %add3A_875 = arith.addi %mul3A_873, %add3A_874 : i32
        %get3A_876 = arith.index_cast %add3A_875 : i32 to index
        %get3A_877 = tpu.vector_load %arg5[%get3A_876] {strides = array<i32>} : memref<16384xi32, #tpu.memory_space<vmem>>, vector<16xi32>,
        %get3A_878 = vector.shape_cast %get3A_877 : vector<16xi32> to vector<16xi32>
        %sub3A_879 = arith.constant 256 : i32
        %sub3A_880 = vector.broadcast %sub3A_879 : i32 to vector<16xi32>
        %sub3A_881 = arith.subi %get3A_878, %sub3A_880 : vector<16xi32>
        %max3A_882 = arith.constant 0 : i32
        %max3A_883 = vector.broadcast %max3A_882 : i32 to vector<16xi32>
        %max3A_884 = arith.maxsi %sub3A_881, %max3A_883 : vector<16xi32>
        %mul3A_885 = arith.constant 65281 : i32
        %mul3A_886 = vector.broadcast %mul3A_885 : i32 to vector<16xi32>
        %mul3A_887 = arith.muli %max3A_884, %mul3A_886 : vector<16xi32>
        %shift_right_logical3A_888 = arith.constant 24 : i32
        %shift_right_logical3A_889 = vector.broadcast %shift_right_logical3A_888 : i32 to vector<16xi32>
        %shift_right_logical3A_890 = arith.shrui %mul3A_887, %shift_right_logical3A_889 : vector<16xi32>
        %mul3A_891 = arith.constant 257 : i32
        %mul3A_892 = vector.broadcast %mul3A_891 : i32 to vector<16xi32>
        %mul3A_893 = arith.muli %shift_right_logical3A_890, %mul3A_892 : vector<16xi32>
        %sub3A_894 = arith.subi %max3A_884, %mul3A_893 : vector<16xi32>
        %lt3A_895 = arith.constant 256 : i32
        %lt3A_896 = vector.broadcast %lt3A_895 : i32 to vector<16xi32>
        %lt3A_897 = arith.cmpi slt, %get3A_878, %lt3A_896 : vector<16xi32>
        %add3A_898 = arith.constant 8 : i32
        %add3A_899 = vector.broadcast %add3A_898 : i32 to vector<16xi32>
        %add3A_900 = arith.addi %get3A_878, %add3A_899 : vector<16xi32>
        %add3A_901 = arith.constant 1 : i32
        %add3A_902 = vector.broadcast %add3A_901 : i32 to vector<16xi32>
        %add3A_903 = arith.addi %shift_right_logical3A_890, %add3A_902 : vector<16xi32>
        %mul3A_904 = arith.constant 264 : i32
        %mul3A_905 = vector.broadcast %mul3A_904 : i32 to vector<16xi32>
        %mul3A_906 = arith.muli %add3A_903, %mul3A_905 : vector<16xi32>
        %add3A_907 = arith.constant 7 : i32
        %add3A_908 = vector.broadcast %add3A_907 : i32 to vector<16xi32>
        %add3A_909 = arith.addi %mul3A_906, %add3A_908 : vector<16xi32>
        %add3A_910 = arith.addi %add3A_909, %sub3A_894 : vector<16xi32>
        %select_n3A_911 = arith.select %lt3A_897, %add3A_900, %add3A_910 : vector<16xi1>, vector<16xi32>
        %swap3A_912 = arith.constant 0 : index
        %swap3A_913 = tpu.vector_load %arg7[%swap3A_912] {strides = array<i32>} : memref<64xi32, #tpu.memory_space<vmem>>, vector<16xi32>,
        %swap3A_914 = vector.shape_cast %swap3A_913 : vector<16xi32> to vector<16xi32>
        %swap3A_915 = vector.shape_cast %select_n3A_911 : vector<16xi32> to vector<16xi32>
        tpu.vector_store %arg7[%swap3A_912], %swap3A_915 {strides = array<i32>} : memref<64xi32, #tpu.memory_space<vmem>>, vector<16xi32>,
        %add3A_916 = arith.constant 16 : i32
        %add3A_917 = arith.addi %mul3A_873, %add3A_916 : i32
        %get3A_918 = arith.index_cast %add3A_917 : i32 to index
        %get3A_919 = tpu.vector_load %arg5[%get3A_918] {strides = array<i32>} : memref<16384xi32, #tpu.memory_space<vmem>>, vector<16xi32>,
        %get3A_920 = vector.shape_cast %get3A_919 : vector<16xi32> to vector<16xi32>
        %sub3A_921 = arith.constant 256 : i32
        %sub3A_922 = vector.broadcast %sub3A_921 : i32 to vector<16xi32>
        %sub3A_923 = arith.subi %get3A_920, %sub3A_922 : vector<16xi32>
        %max3A_924 = arith.constant 0 : i32
        %max3A_925 = vector.broadcast %max3A_924 : i32 to vector<16xi32>
        %max3A_926 = arith.maxsi %sub3A_923, %max3A_925 : vector<16xi32>
        %mul3A_927 = arith.constant 65281 : i32
        %mul3A_928 = vector.broadcast %mul3A_927 : i32 to vector<16xi32>
        %mul3A_929 = arith.muli %max3A_926, %mul3A_928 : vector<16xi32>
        %shift_right_logical3A_930 = arith.constant 24 : i32
        %shift_right_logical3A_931 = vector.broadcast %shift_right_logical3A_930 : i32 to vector<16xi32>
        %shift_right_logical3A_932 = arith.shrui %mul3A_929, %shift_right_logical3A_931 : vector<16xi32>
        %mul3A_933 = arith.constant 257 : i32
        %mul3A_934 = vector.broadcast %mul3A_933 : i32 to vector<16xi32>
        %mul3A_935 = arith.muli %shift_right_logical3A_932, %mul3A_934 : vector<16xi32>
        %sub3A_936 = arith.subi %max3A_926, %mul3A_935 : vector<16xi32>
        %lt3A_937 = arith.constant 256 : i32
        %lt3A_938 = vector.broadcast %lt3A_937 : i32 to vector<16xi32>
        %lt3A_939 = arith.cmpi slt, %get3A_920, %lt3A_938 : vector<16xi32>
        %add3A_940 = arith.constant 8 : i32
        %add3A_941 = vector.broadcast %add3A_940 : i32 to vector<16xi32>
        %add3A_942 = arith.addi %get3A_920, %add3A_941 : vector<16xi32>
        %add3A_943 = arith.constant 1 : i32
        %add3A_944 = vector.broadcast %add3A_943 : i32 to vector<16xi32>
        %add3A_945 = arith.addi %shift_right_logical3A_932, %add3A_944 : vector<16xi32>
        %mul3A_946 = arith.constant 264 : i32
        %mul3A_947 = vector.broadcast %mul3A_946 : i32 to vector<16xi32>
        %mul3A_948 = arith.muli %add3A_945, %mul3A_947 : vector<16xi32>
        %add3A_949 = arith.constant 7 : i32
        %add3A_950 = vector.broadcast %add3A_949 : i32 to vector<16xi32>
        %add3A_951 = arith.addi %mul3A_948, %add3A_950 : vector<16xi32>
        %add3A_952 = arith.addi %add3A_951, %sub3A_936 : vector<16xi32>
        %select_n3A_953 = arith.select %lt3A_939, %add3A_942, %add3A_952 : vector<16xi1>, vector<16xi32>
        %swap3A_954 = arith.constant 16 : index
        %swap3A_955 = tpu.vector_load %arg7[%swap3A_954] {strides = array<i32>} : memref<64xi32, #tpu.memory_space<vmem>>, vector<16xi32>,
        %swap3A_956 = vector.shape_cast %swap3A_955 : vector<16xi32> to vector<16xi32>
        %swap3A_957 = vector.shape_cast %select_n3A_953 : vector<16xi32> to vector<16xi32>
        tpu.vector_store %arg7[%swap3A_954], %swap3A_957 {strides = array<i32>} : memref<64xi32, #tpu.memory_space<vmem>>, vector<16xi32>,
        %add3A_958 = arith.constant 32 : i32
        %add3A_959 = arith.addi %mul3A_873, %add3A_958 : i32
        %get3A_960 = arith.index_cast %add3A_959 : i32 to index
        %get3A_961 = tpu.vector_load %arg5[%get3A_960] {strides = array<i32>} : memref<16384xi32, #tpu.memory_space<vmem>>, vector<16xi32>,
        %get3A_962 = vector.shape_cast %get3A_961 : vector<16xi32> to vector<16xi32>
        %sub3A_963 = arith.constant 256 : i32
        %sub3A_964 = vector.broadcast %sub3A_963 : i32 to vector<16xi32>
        %sub3A_965 = arith.subi %get3A_962, %sub3A_964 : vector<16xi32>
        %max3A_966 = arith.constant 0 : i32
        %max3A_967 = vector.broadcast %max3A_966 : i32 to vector<16xi32>
        %max3A_968 = arith.maxsi %sub3A_965, %max3A_967 : vector<16xi32>
        %mul3A_969 = arith.constant 65281 : i32
        %mul3A_970 = vector.broadcast %mul3A_969 : i32 to vector<16xi32>
        %mul3A_971 = arith.muli %max3A_968, %mul3A_970 : vector<16xi32>
        %shift_right_logical3A_972 = arith.constant 24 : i32
        %shift_right_logical3A_973 = vector.broadcast %shift_right_logical3A_972 : i32 to vector<16xi32>
        %shift_right_logical3A_974 = arith.shrui %mul3A_971, %shift_right_logical3A_973 : vector<16xi32>
        %mul3A_975 = arith.constant 257 : i32
        %mul3A_976 = vector.broadcast %mul3A_975 : i32 to vector<16xi32>
        %mul3A_977 = arith.muli %shift_right_logical3A_974, %mul3A_976 : vector<16xi32>
        %sub3A_978 = arith.subi %max3A_968, %mul3A_977 : vector<16xi32>
        %lt3A_979 = arith.constant 256 : i32
        %lt3A_980 = vector.broadcast %lt3A_979 : i32 to vector<16xi32>
        %lt3A_981 = arith.cmpi slt, %get3A_962, %lt3A_980 : vector<16xi32>
        %add3A_982 = arith.constant 8 : i32
        %add3A_983 = vector.broadcast %add3A_982 : i32 to vector<16xi32>
        %add3A_984 = arith.addi %get3A_962, %add3A_983 : vector<16xi32>
        %add3A_985 = arith.constant 1 : i32
        %add3A_986 = vector.broadcast %add3A_985 : i32 to vector<16xi32>
        %add3A_987 = arith.addi %shift_right_logical3A_974, %add3A_986 : vector<16xi32>
        %mul3A_988 = arith.constant 264 : i32
        %mul3A_989 = vector.broadcast %mul3A_988 : i32 to vector<16xi32>
        %mul3A_990 = arith.muli %add3A_987, %mul3A_989 : vector<16xi32>
        %add3A_991 = arith.constant 7 : i32
        %add3A_992 = vector.broadcast %add3A_991 : i32 to vector<16xi32>
        %add3A_993 = arith.addi %mul3A_990, %add3A_992 : vector<16xi32>
        %add3A_994 = arith.addi %add3A_993, %sub3A_978 : vector<16xi32>
        %select_n3A_995 = arith.select %lt3A_981, %add3A_984, %add3A_994 : vector<16xi1>, vector<16xi32>
        %swap3A_996 = arith.constant 32 : index
        %swap3A_997 = tpu.vector_load %arg7[%swap3A_996] {strides = array<i32>} : memref<64xi32, #tpu.memory_space<vmem>>, vector<16xi32>,
        %swap3A_998 = vector.shape_cast %swap3A_997 : vector<16xi32> to vector<16xi32>
        %swap3A_999 = vector.shape_cast %select_n3A_995 : vector<16xi32> to vector<16xi32>
        tpu.vector_store %arg7[%swap3A_996], %swap3A_999 {strides = array<i32>} : memref<64xi32, #tpu.memory_space<vmem>>, vector<16xi32>,
        %add3A_1000 = arith.constant 48 : i32
        %add3A_1001 = arith.addi %mul3A_873, %add3A_1000 : i32
        %get3A_1002 = arith.index_cast %add3A_1001 : i32 to index
        %get3A_1003 = tpu.vector_load %arg5[%get3A_1002] {strides = array<i32>} : memref<16384xi32, #tpu.memory_space<vmem>>, vector<16xi32>,
        %get3A_1004 = vector.shape_cast %get3A_1003 : vector<16xi32> to vector<16xi32>
        %sub3A_1005 = arith.constant 256 : i32
        %sub3A_1006 = vector.broadcast %sub3A_1005 : i32 to vector<16xi32>
        %sub3A_1007 = arith.subi %get3A_1004, %sub3A_1006 : vector<16xi32>
        %max3A_1008 = arith.constant 0 : i32
        %max3A_1009 = vector.broadcast %max3A_1008 : i32 to vector<16xi32>
        %max3A_1010 = arith.maxsi %sub3A_1007, %max3A_1009 : vector<16xi32>
        %mul3A_1011 = arith.constant 65281 : i32
        %mul3A_1012 = vector.broadcast %mul3A_1011 : i32 to vector<16xi32>
        %mul3A_1013 = arith.muli %max3A_1010, %mul3A_1012 : vector<16xi32>
        %shift_right_logical3A_1014 = arith.constant 24 : i32
        %shift_right_logical3A_1015 = vector.broadcast %shift_right_logical3A_1014 : i32 to vector<16xi32>
        %shift_right_logical3A_1016 = arith.shrui %mul3A_1013, %shift_right_logical3A_1015 : vector<16xi32>
        %mul3A_1017 = arith.constant 257 : i32
        %mul3A_1018 = vector.broadcast %mul3A_1017 : i32 to vector<16xi32>
        %mul3A_1019 = arith.muli %shift_right_logical3A_1016, %mul3A_1018 : vector<16xi32>
        %sub3A_1020 = arith.subi %max3A_1010, %mul3A_1019 : vector<16xi32>
        %lt3A_1021 = arith.constant 256 : i32
        %lt3A_1022 = vector.broadcast %lt3A_1021 : i32 to vector<16xi32>
        %lt3A_1023 = arith.cmpi slt, %get3A_1004, %lt3A_1022 : vector<16xi32>
        %add3A_1024 = arith.constant 8 : i32
        %add3A_1025 = vector.broadcast %add3A_1024 : i32 to vector<16xi32>
        %add3A_1026 = arith.addi %get3A_1004, %add3A_1025 : vector<16xi32>
        %add3A_1027 = arith.constant 1 : i32
        %add3A_1028 = vector.broadcast %add3A_1027 : i32 to vector<16xi32>
        %add3A_1029 = arith.addi %shift_right_logical3A_1016, %add3A_1028 : vector<16xi32>
        %mul3A_1030 = arith.constant 264 : i32
        %mul3A_1031 = vector.broadcast %mul3A_1030 : i32 to vector<16xi32>
        %mul3A_1032 = arith.muli %add3A_1029, %mul3A_1031 : vector<16xi32>
        %add3A_1033 = arith.constant 7 : i32
        %add3A_1034 = vector.broadcast %add3A_1033 : i32 to vector<16xi32>
        %add3A_1035 = arith.addi %mul3A_1032, %add3A_1034 : vector<16xi32>
        %add3A_1036 = arith.addi %add3A_1035, %sub3A_1020 : vector<16xi32>
        %select_n3A_1037 = arith.select %lt3A_1023, %add3A_1026, %add3A_1036 : vector<16xi1>, vector<16xi32>
        %swap3A_1038 = arith.constant 48 : index
        %swap3A_1039 = tpu.vector_load %arg7[%swap3A_1038] {strides = array<i32>} : memref<64xi32, #tpu.memory_space<vmem>>, vector<16xi32>,
        %swap3A_1040 = vector.shape_cast %swap3A_1039 : vector<16xi32> to vector<16xi32>
        %swap3A_1041 = vector.shape_cast %select_n3A_1037 : vector<16xi32> to vector<16xi32>
        tpu.vector_store %arg7[%swap3A_1038], %swap3A_1041 {strides = array<i32>} : memref<64xi32, #tpu.memory_space<vmem>>, vector<16xi32>,
        %dma_start3A_1042 = arith.constant 0 : i32
        %dma_start3A_1043 = arith.constant 0 : i32
        %dma_start3A_1044 = tpu.memref_slice %arg3[%dma_start3A_1042, %dma_start3A_1043] : memref<16896x128xf32, #tpu.memory_space<hbm>> -> memref<16896x128xf32, #tpu.memory_space<hbm>>
        tpu.enqueue_indirect_dma source(%dma_start3A_1044 : memref<16896x128xf32, #tpu.memory_space<hbm>>) target(%arg15 : memref<64x128xf32, #tpu.memory_space<vmem>>) offsets(%arg7 : memref<64xi32, #tpu.memory_space<vmem>>) semaphore(%arg23 : memref<!tpu.dma_semaphore, #tpu.memory_space<semaphore_mem>>)
      } else {
      }
      %mul3A_824 = arith.constant 8 : i32
      %mul3A_825 = arith.muli %scan3A_699, %mul3A_824 : i32
      %add3A_826 = arith.constant 6 : i32
      %add3A_827 = arith.addi %mul3A_825, %add3A_826 : i32
      %dma_wait3A_828 = arith.constant 0 : i32
      %dma_wait3A_829 = arith.constant 0 : i32
      %dma_wait3A_830 = tpu.memref_slice %arg3[%dma_wait3A_828, %dma_wait3A_829] : memref<16896x128xf32, #tpu.memory_space<hbm>> -> memref<16896x128xf32, #tpu.memory_space<hbm>>
      tpu.wait_indirect_dma semaphore(%arg28 : memref<!tpu.dma_semaphore, #tpu.memory_space<semaphore_mem>>) src(%dma_wait3A_830 : memref<16896x128xf32, #tpu.memory_space<hbm>>) dst(%arg20 : memref<64x128xf32, #tpu.memory_space<vmem>>)
      %mul3A_831 = arith.constant 64 : i32
      %mul3A_832 = arith.muli %add3A_827, %mul3A_831 : i32
      %add3A_833 = arith.addi %mul3A_2, %mul3A_832 : i32
      %dma_start3A_834 = arith.constant 0 : i32
      %dma_start3A_835 = tpu.memref_slice %arg4[%add3A_833, %dma_start3A_834] : memref<524288x128xf32, #tpu.memory_space<hbm>> -> memref<64x128xf32, #tpu.memory_space<hbm>>
      %dma_start3A_836 = arith.constant 0 : i32
      %dma_start3A_837 = tpu.memref_slice %arg4[%add3A_833, %dma_start3A_836] : memref<524288x128xf32, #tpu.memory_space<hbm>> -> memref<64x128xf32, #tpu.memory_space<hbm>>
      tpu.enqueue_dma source(%arg20 : memref<64x128xf32, #tpu.memory_space<vmem>>) target(%dma_start3A_837 : memref<64x128xf32, #tpu.memory_space<hbm>>) target_semaphore(%arg36 : memref<!tpu.dma_semaphore, #tpu.memory_space<semaphore_mem>>)
      %add3A_838 = arith.constant 4 : i32
      %add3A_839 = arith.addi %add3A_827, %add3A_838 : i32
      %lt3A_840 = arith.constant 256 : i32
      %lt3A_841 = arith.cmpi slt, %add3A_839, %lt3A_840 : i32
      %convert_element_type3A_842 = arith.extui %lt3A_841 : i1 to i32
      %cond3A_843 = arith.constant 0 : i32
      %cond3A_844 = arith.cmpi ne, %convert_element_type3A_842, %cond3A_843 : i32
      scf.if %cond3A_844 {
        %ge3A = arith.constant 4 : i32
        %ge3A_866 = arith.cmpi sge, %add3A_827, %ge3A : i32
        %convert_element_type3A_867 = arith.extui %ge3A_866 : i1 to i32
        %cond3A_868 = arith.constant 0 : i32
        %cond3A_869 = arith.cmpi ne, %convert_element_type3A_867, %cond3A_868 : i32
        scf.if %cond3A_869 {
          %add3A_1045 = arith.constant 4 : i32
          %add3A_1046 = arith.addi %add3A_827, %add3A_1045 : i32
          %sub3A_1047 = arith.constant 8 : i32
          %sub3A_1048 = arith.subi %add3A_1046, %sub3A_1047 : i32
          %mul3A_1049 = arith.constant 64 : i32
          %mul3A_1050 = arith.muli %sub3A_1048, %mul3A_1049 : i32
          %add3A_1051 = arith.addi %mul3A_2, %mul3A_1050 : i32
          %dma_wait3A_1052 = arith.constant 0 : i32
          %dma_wait3A_1053 = tpu.memref_slice %arg4[%add3A_1051, %dma_wait3A_1052] : memref<524288x128xf32, #tpu.memory_space<hbm>> -> memref<64x128xf32, #tpu.memory_space<hbm>>
          %dma_wait3A_1054 = arith.constant 0 : i32
          %dma_wait3A_1055 = tpu.memref_slice %arg4[%add3A_1051, %dma_wait3A_1054] : memref<524288x128xf32, #tpu.memory_space<hbm>> -> memref<64x128xf32, #tpu.memory_space<hbm>>
          tpu.wait_dma2 semaphore(%arg32 : memref<!tpu.dma_semaphore, #tpu.memory_space<semaphore_mem>>) src(%arg16 : memref<64x128xf32, #tpu.memory_space<vmem>>) dst(%dma_wait3A_1055 : memref<64x128xf32, #tpu.memory_space<hbm>>)
        } else {
        }
        %add3A_870 = arith.constant 4 : i32
        %add3A_871 = arith.addi %add3A_827, %add3A_870 : i32
        %mul3A_872 = arith.constant 64 : i32
        %mul3A_873 = arith.muli %add3A_871, %mul3A_872 : i32
        %add3A_874 = arith.constant 0 : i32
        %add3A_875 = arith.addi %mul3A_873, %add3A_874 : i32
        %get3A_876 = arith.index_cast %add3A_875 : i32 to index
        %get3A_877 = tpu.vector_load %arg5[%get3A_876] {strides = array<i32>} : memref<16384xi32, #tpu.memory_space<vmem>>, vector<16xi32>,
        %get3A_878 = vector.shape_cast %get3A_877 : vector<16xi32> to vector<16xi32>
        %sub3A_879 = arith.constant 256 : i32
        %sub3A_880 = vector.broadcast %sub3A_879 : i32 to vector<16xi32>
        %sub3A_881 = arith.subi %get3A_878, %sub3A_880 : vector<16xi32>
        %max3A_882 = arith.constant 0 : i32
        %max3A_883 = vector.broadcast %max3A_882 : i32 to vector<16xi32>
        %max3A_884 = arith.maxsi %sub3A_881, %max3A_883 : vector<16xi32>
        %mul3A_885 = arith.constant 65281 : i32
        %mul3A_886 = vector.broadcast %mul3A_885 : i32 to vector<16xi32>
        %mul3A_887 = arith.muli %max3A_884, %mul3A_886 : vector<16xi32>
        %shift_right_logical3A_888 = arith.constant 24 : i32
        %shift_right_logical3A_889 = vector.broadcast %shift_right_logical3A_888 : i32 to vector<16xi32>
        %shift_right_logical3A_890 = arith.shrui %mul3A_887, %shift_right_logical3A_889 : vector<16xi32>
        %mul3A_891 = arith.constant 257 : i32
        %mul3A_892 = vector.broadcast %mul3A_891 : i32 to vector<16xi32>
        %mul3A_893 = arith.muli %shift_right_logical3A_890, %mul3A_892 : vector<16xi32>
        %sub3A_894 = arith.subi %max3A_884, %mul3A_893 : vector<16xi32>
        %lt3A_895 = arith.constant 256 : i32
        %lt3A_896 = vector.broadcast %lt3A_895 : i32 to vector<16xi32>
        %lt3A_897 = arith.cmpi slt, %get3A_878, %lt3A_896 : vector<16xi32>
        %add3A_898 = arith.constant 8 : i32
        %add3A_899 = vector.broadcast %add3A_898 : i32 to vector<16xi32>
        %add3A_900 = arith.addi %get3A_878, %add3A_899 : vector<16xi32>
        %add3A_901 = arith.constant 1 : i32
        %add3A_902 = vector.broadcast %add3A_901 : i32 to vector<16xi32>
        %add3A_903 = arith.addi %shift_right_logical3A_890, %add3A_902 : vector<16xi32>
        %mul3A_904 = arith.constant 264 : i32
        %mul3A_905 = vector.broadcast %mul3A_904 : i32 to vector<16xi32>
        %mul3A_906 = arith.muli %add3A_903, %mul3A_905 : vector<16xi32>
        %add3A_907 = arith.constant 7 : i32
        %add3A_908 = vector.broadcast %add3A_907 : i32 to vector<16xi32>
        %add3A_909 = arith.addi %mul3A_906, %add3A_908 : vector<16xi32>
        %add3A_910 = arith.addi %add3A_909, %sub3A_894 : vector<16xi32>
        %select_n3A_911 = arith.select %lt3A_897, %add3A_900, %add3A_910 : vector<16xi1>, vector<16xi32>
        %swap3A_912 = arith.constant 0 : index
        %swap3A_913 = tpu.vector_load %arg8[%swap3A_912] {strides = array<i32>} : memref<64xi32, #tpu.memory_space<vmem>>, vector<16xi32>,
        %swap3A_914 = vector.shape_cast %swap3A_913 : vector<16xi32> to vector<16xi32>
        %swap3A_915 = vector.shape_cast %select_n3A_911 : vector<16xi32> to vector<16xi32>
        tpu.vector_store %arg8[%swap3A_912], %swap3A_915 {strides = array<i32>} : memref<64xi32, #tpu.memory_space<vmem>>, vector<16xi32>,
        %add3A_916 = arith.constant 16 : i32
        %add3A_917 = arith.addi %mul3A_873, %add3A_916 : i32
        %get3A_918 = arith.index_cast %add3A_917 : i32 to index
        %get3A_919 = tpu.vector_load %arg5[%get3A_918] {strides = array<i32>} : memref<16384xi32, #tpu.memory_space<vmem>>, vector<16xi32>,
        %get3A_920 = vector.shape_cast %get3A_919 : vector<16xi32> to vector<16xi32>
        %sub3A_921 = arith.constant 256 : i32
        %sub3A_922 = vector.broadcast %sub3A_921 : i32 to vector<16xi32>
        %sub3A_923 = arith.subi %get3A_920, %sub3A_922 : vector<16xi32>
        %max3A_924 = arith.constant 0 : i32
        %max3A_925 = vector.broadcast %max3A_924 : i32 to vector<16xi32>
        %max3A_926 = arith.maxsi %sub3A_923, %max3A_925 : vector<16xi32>
        %mul3A_927 = arith.constant 65281 : i32
        %mul3A_928 = vector.broadcast %mul3A_927 : i32 to vector<16xi32>
        %mul3A_929 = arith.muli %max3A_926, %mul3A_928 : vector<16xi32>
        %shift_right_logical3A_930 = arith.constant 24 : i32
        %shift_right_logical3A_931 = vector.broadcast %shift_right_logical3A_930 : i32 to vector<16xi32>
        %shift_right_logical3A_932 = arith.shrui %mul3A_929, %shift_right_logical3A_931 : vector<16xi32>
        %mul3A_933 = arith.constant 257 : i32
        %mul3A_934 = vector.broadcast %mul3A_933 : i32 to vector<16xi32>
        %mul3A_935 = arith.muli %shift_right_logical3A_932, %mul3A_934 : vector<16xi32>
        %sub3A_936 = arith.subi %max3A_926, %mul3A_935 : vector<16xi32>
        %lt3A_937 = arith.constant 256 : i32
        %lt3A_938 = vector.broadcast %lt3A_937 : i32 to vector<16xi32>
        %lt3A_939 = arith.cmpi slt, %get3A_920, %lt3A_938 : vector<16xi32>
        %add3A_940 = arith.constant 8 : i32
        %add3A_941 = vector.broadcast %add3A_940 : i32 to vector<16xi32>
        %add3A_942 = arith.addi %get3A_920, %add3A_941 : vector<16xi32>
        %add3A_943 = arith.constant 1 : i32
        %add3A_944 = vector.broadcast %add3A_943 : i32 to vector<16xi32>
        %add3A_945 = arith.addi %shift_right_logical3A_932, %add3A_944 : vector<16xi32>
        %mul3A_946 = arith.constant 264 : i32
        %mul3A_947 = vector.broadcast %mul3A_946 : i32 to vector<16xi32>
        %mul3A_948 = arith.muli %add3A_945, %mul3A_947 : vector<16xi32>
        %add3A_949 = arith.constant 7 : i32
        %add3A_950 = vector.broadcast %add3A_949 : i32 to vector<16xi32>
        %add3A_951 = arith.addi %mul3A_948, %add3A_950 : vector<16xi32>
        %add3A_952 = arith.addi %add3A_951, %sub3A_936 : vector<16xi32>
        %select_n3A_953 = arith.select %lt3A_939, %add3A_942, %add3A_952 : vector<16xi1>, vector<16xi32>
        %swap3A_954 = arith.constant 16 : index
        %swap3A_955 = tpu.vector_load %arg8[%swap3A_954] {strides = array<i32>} : memref<64xi32, #tpu.memory_space<vmem>>, vector<16xi32>,
        %swap3A_956 = vector.shape_cast %swap3A_955 : vector<16xi32> to vector<16xi32>
        %swap3A_957 = vector.shape_cast %select_n3A_953 : vector<16xi32> to vector<16xi32>
        tpu.vector_store %arg8[%swap3A_954], %swap3A_957 {strides = array<i32>} : memref<64xi32, #tpu.memory_space<vmem>>, vector<16xi32>,
        %add3A_958 = arith.constant 32 : i32
        %add3A_959 = arith.addi %mul3A_873, %add3A_958 : i32
        %get3A_960 = arith.index_cast %add3A_959 : i32 to index
        %get3A_961 = tpu.vector_load %arg5[%get3A_960] {strides = array<i32>} : memref<16384xi32, #tpu.memory_space<vmem>>, vector<16xi32>,
        %get3A_962 = vector.shape_cast %get3A_961 : vector<16xi32> to vector<16xi32>
        %sub3A_963 = arith.constant 256 : i32
        %sub3A_964 = vector.broadcast %sub3A_963 : i32 to vector<16xi32>
        %sub3A_965 = arith.subi %get3A_962, %sub3A_964 : vector<16xi32>
        %max3A_966 = arith.constant 0 : i32
        %max3A_967 = vector.broadcast %max3A_966 : i32 to vector<16xi32>
        %max3A_968 = arith.maxsi %sub3A_965, %max3A_967 : vector<16xi32>
        %mul3A_969 = arith.constant 65281 : i32
        %mul3A_970 = vector.broadcast %mul3A_969 : i32 to vector<16xi32>
        %mul3A_971 = arith.muli %max3A_968, %mul3A_970 : vector<16xi32>
        %shift_right_logical3A_972 = arith.constant 24 : i32
        %shift_right_logical3A_973 = vector.broadcast %shift_right_logical3A_972 : i32 to vector<16xi32>
        %shift_right_logical3A_974 = arith.shrui %mul3A_971, %shift_right_logical3A_973 : vector<16xi32>
        %mul3A_975 = arith.constant 257 : i32
        %mul3A_976 = vector.broadcast %mul3A_975 : i32 to vector<16xi32>
        %mul3A_977 = arith.muli %shift_right_logical3A_974, %mul3A_976 : vector<16xi32>
        %sub3A_978 = arith.subi %max3A_968, %mul3A_977 : vector<16xi32>
        %lt3A_979 = arith.constant 256 : i32
        %lt3A_980 = vector.broadcast %lt3A_979 : i32 to vector<16xi32>
        %lt3A_981 = arith.cmpi slt, %get3A_962, %lt3A_980 : vector<16xi32>
        %add3A_982 = arith.constant 8 : i32
        %add3A_983 = vector.broadcast %add3A_982 : i32 to vector<16xi32>
        %add3A_984 = arith.addi %get3A_962, %add3A_983 : vector<16xi32>
        %add3A_985 = arith.constant 1 : i32
        %add3A_986 = vector.broadcast %add3A_985 : i32 to vector<16xi32>
        %add3A_987 = arith.addi %shift_right_logical3A_974, %add3A_986 : vector<16xi32>
        %mul3A_988 = arith.constant 264 : i32
        %mul3A_989 = vector.broadcast %mul3A_988 : i32 to vector<16xi32>
        %mul3A_990 = arith.muli %add3A_987, %mul3A_989 : vector<16xi32>
        %add3A_991 = arith.constant 7 : i32
        %add3A_992 = vector.broadcast %add3A_991 : i32 to vector<16xi32>
        %add3A_993 = arith.addi %mul3A_990, %add3A_992 : vector<16xi32>
        %add3A_994 = arith.addi %add3A_993, %sub3A_978 : vector<16xi32>
        %select_n3A_995 = arith.select %lt3A_981, %add3A_984, %add3A_994 : vector<16xi1>, vector<16xi32>
        %swap3A_996 = arith.constant 32 : index
        %swap3A_997 = tpu.vector_load %arg8[%swap3A_996] {strides = array<i32>} : memref<64xi32, #tpu.memory_space<vmem>>, vector<16xi32>,
        %swap3A_998 = vector.shape_cast %swap3A_997 : vector<16xi32> to vector<16xi32>
        %swap3A_999 = vector.shape_cast %select_n3A_995 : vector<16xi32> to vector<16xi32>
        tpu.vector_store %arg8[%swap3A_996], %swap3A_999 {strides = array<i32>} : memref<64xi32, #tpu.memory_space<vmem>>, vector<16xi32>,
        %add3A_1000 = arith.constant 48 : i32
        %add3A_1001 = arith.addi %mul3A_873, %add3A_1000 : i32
        %get3A_1002 = arith.index_cast %add3A_1001 : i32 to index
        %get3A_1003 = tpu.vector_load %arg5[%get3A_1002] {strides = array<i32>} : memref<16384xi32, #tpu.memory_space<vmem>>, vector<16xi32>,
        %get3A_1004 = vector.shape_cast %get3A_1003 : vector<16xi32> to vector<16xi32>
        %sub3A_1005 = arith.constant 256 : i32
        %sub3A_1006 = vector.broadcast %sub3A_1005 : i32 to vector<16xi32>
        %sub3A_1007 = arith.subi %get3A_1004, %sub3A_1006 : vector<16xi32>
        %max3A_1008 = arith.constant 0 : i32
        %max3A_1009 = vector.broadcast %max3A_1008 : i32 to vector<16xi32>
        %max3A_1010 = arith.maxsi %sub3A_1007, %max3A_1009 : vector<16xi32>
        %mul3A_1011 = arith.constant 65281 : i32
        %mul3A_1012 = vector.broadcast %mul3A_1011 : i32 to vector<16xi32>
        %mul3A_1013 = arith.muli %max3A_1010, %mul3A_1012 : vector<16xi32>
        %shift_right_logical3A_1014 = arith.constant 24 : i32
        %shift_right_logical3A_1015 = vector.broadcast %shift_right_logical3A_1014 : i32 to vector<16xi32>
        %shift_right_logical3A_1016 = arith.shrui %mul3A_1013, %shift_right_logical3A_1015 : vector<16xi32>
        %mul3A_1017 = arith.constant 257 : i32
        %mul3A_1018 = vector.broadcast %mul3A_1017 : i32 to vector<16xi32>
        %mul3A_1019 = arith.muli %shift_right_logical3A_1016, %mul3A_1018 : vector<16xi32>
        %sub3A_1020 = arith.subi %max3A_1010, %mul3A_1019 : vector<16xi32>
        %lt3A_1021 = arith.constant 256 : i32
        %lt3A_1022 = vector.broadcast %lt3A_1021 : i32 to vector<16xi32>
        %lt3A_1023 = arith.cmpi slt, %get3A_1004, %lt3A_1022 : vector<16xi32>
        %add3A_1024 = arith.constant 8 : i32
        %add3A_1025 = vector.broadcast %add3A_1024 : i32 to vector<16xi32>
        %add3A_1026 = arith.addi %get3A_1004, %add3A_1025 : vector<16xi32>
        %add3A_1027 = arith.constant 1 : i32
        %add3A_1028 = vector.broadcast %add3A_1027 : i32 to vector<16xi32>
        %add3A_1029 = arith.addi %shift_right_logical3A_1016, %add3A_1028 : vector<16xi32>
        %mul3A_1030 = arith.constant 264 : i32
        %mul3A_1031 = vector.broadcast %mul3A_1030 : i32 to vector<16xi32>
        %mul3A_1032 = arith.muli %add3A_1029, %mul3A_1031 : vector<16xi32>
        %add3A_1033 = arith.constant 7 : i32
        %add3A_1034 = vector.broadcast %add3A_1033 : i32 to vector<16xi32>
        %add3A_1035 = arith.addi %mul3A_1032, %add3A_1034 : vector<16xi32>
        %add3A_1036 = arith.addi %add3A_1035, %sub3A_1020 : vector<16xi32>
        %select_n3A_1037 = arith.select %lt3A_1023, %add3A_1026, %add3A_1036 : vector<16xi1>, vector<16xi32>
        %swap3A_1038 = arith.constant 48 : index
        %swap3A_1039 = tpu.vector_load %arg8[%swap3A_1038] {strides = array<i32>} : memref<64xi32, #tpu.memory_space<vmem>>, vector<16xi32>,
        %swap3A_1040 = vector.shape_cast %swap3A_1039 : vector<16xi32> to vector<16xi32>
        %swap3A_1041 = vector.shape_cast %select_n3A_1037 : vector<16xi32> to vector<16xi32>
        tpu.vector_store %arg8[%swap3A_1038], %swap3A_1041 {strides = array<i32>} : memref<64xi32, #tpu.memory_space<vmem>>, vector<16xi32>,
        %dma_start3A_1042 = arith.constant 0 : i32
        %dma_start3A_1043 = arith.constant 0 : i32
        %dma_start3A_1044 = tpu.memref_slice %arg3[%dma_start3A_1042, %dma_start3A_1043] : memref<16896x128xf32, #tpu.memory_space<hbm>> -> memref<16896x128xf32, #tpu.memory_space<hbm>>
        tpu.enqueue_indirect_dma source(%dma_start3A_1044 : memref<16896x128xf32, #tpu.memory_space<hbm>>) target(%arg16 : memref<64x128xf32, #tpu.memory_space<vmem>>) offsets(%arg8 : memref<64xi32, #tpu.memory_space<vmem>>) semaphore(%arg24 : memref<!tpu.dma_semaphore, #tpu.memory_space<semaphore_mem>>)
      } else {
      }
      %mul3A_845 = arith.constant 8 : i32
      %mul3A_846 = arith.muli %scan3A_699, %mul3A_845 : i32
      %add3A_847 = arith.constant 7 : i32
      %add3A_848 = arith.addi %mul3A_846, %add3A_847 : i32
      %dma_wait3A_849 = arith.constant 0 : i32
      %dma_wait3A_850 = arith.constant 0 : i32
      %dma_wait3A_851 = tpu.memref_slice %arg3[%dma_wait3A_849, %dma_wait3A_850] : memref<16896x128xf32, #tpu.memory_space<hbm>> -> memref<16896x128xf32, #tpu.memory_space<hbm>>
      tpu.wait_indirect_dma semaphore(%arg29 : memref<!tpu.dma_semaphore, #tpu.memory_space<semaphore_mem>>) src(%dma_wait3A_851 : memref<16896x128xf32, #tpu.memory_space<hbm>>) dst(%arg21 : memref<64x128xf32, #tpu.memory_space<vmem>>)
      %mul3A_852 = arith.constant 64 : i32
      %mul3A_853 = arith.muli %add3A_848, %mul3A_852 : i32
      %add3A_854 = arith.addi %mul3A_2, %mul3A_853 : i32
      %dma_start3A_855 = arith.constant 0 : i32
      %dma_start3A_856 = tpu.memref_slice %arg4[%add3A_854, %dma_start3A_855] : memref<524288x128xf32, #tpu.memory_space<hbm>> -> memref<64x128xf32, #tpu.memory_space<hbm>>
      %dma_start3A_857 = arith.constant 0 : i32
      %dma_start3A_858 = tpu.memref_slice %arg4[%add3A_854, %dma_start3A_857] : memref<524288x128xf32, #tpu.memory_space<hbm>> -> memref<64x128xf32, #tpu.memory_space<hbm>>
      tpu.enqueue_dma source(%arg21 : memref<64x128xf32, #tpu.memory_space<vmem>>) target(%dma_start3A_858 : memref<64x128xf32, #tpu.memory_space<hbm>>) target_semaphore(%arg37 : memref<!tpu.dma_semaphore, #tpu.memory_space<semaphore_mem>>)
      %add3A_859 = arith.constant 4 : i32
      %add3A_860 = arith.addi %add3A_848, %add3A_859 : i32
      %lt3A_861 = arith.constant 256 : i32
      %lt3A_862 = arith.cmpi slt, %add3A_860, %lt3A_861 : i32
      %convert_element_type3A_863 = arith.extui %lt3A_862 : i1 to i32
      %cond3A_864 = arith.constant 0 : i32
      %cond3A_865 = arith.cmpi ne, %convert_element_type3A_863, %cond3A_864 : i32
      scf.if %cond3A_865 {
        %ge3A = arith.constant 4 : i32
        %ge3A_866 = arith.cmpi sge, %add3A_848, %ge3A : i32
        %convert_element_type3A_867 = arith.extui %ge3A_866 : i1 to i32
        %cond3A_868 = arith.constant 0 : i32
        %cond3A_869 = arith.cmpi ne, %convert_element_type3A_867, %cond3A_868 : i32
        scf.if %cond3A_869 {
          %add3A_1045 = arith.constant 4 : i32
          %add3A_1046 = arith.addi %add3A_848, %add3A_1045 : i32
          %sub3A_1047 = arith.constant 8 : i32
          %sub3A_1048 = arith.subi %add3A_1046, %sub3A_1047 : i32
          %mul3A_1049 = arith.constant 64 : i32
          %mul3A_1050 = arith.muli %sub3A_1048, %mul3A_1049 : i32
          %add3A_1051 = arith.addi %mul3A_2, %mul3A_1050 : i32
          %dma_wait3A_1052 = arith.constant 0 : i32
          %dma_wait3A_1053 = tpu.memref_slice %arg4[%add3A_1051, %dma_wait3A_1052] : memref<524288x128xf32, #tpu.memory_space<hbm>> -> memref<64x128xf32, #tpu.memory_space<hbm>>
          %dma_wait3A_1054 = arith.constant 0 : i32
          %dma_wait3A_1055 = tpu.memref_slice %arg4[%add3A_1051, %dma_wait3A_1054] : memref<524288x128xf32, #tpu.memory_space<hbm>> -> memref<64x128xf32, #tpu.memory_space<hbm>>
          tpu.wait_dma2 semaphore(%arg33 : memref<!tpu.dma_semaphore, #tpu.memory_space<semaphore_mem>>) src(%arg17 : memref<64x128xf32, #tpu.memory_space<vmem>>) dst(%dma_wait3A_1055 : memref<64x128xf32, #tpu.memory_space<hbm>>)
        } else {
        }
        %add3A_870 = arith.constant 4 : i32
        %add3A_871 = arith.addi %add3A_848, %add3A_870 : i32
        %mul3A_872 = arith.constant 64 : i32
        %mul3A_873 = arith.muli %add3A_871, %mul3A_872 : i32
        %add3A_874 = arith.constant 0 : i32
        %add3A_875 = arith.addi %mul3A_873, %add3A_874 : i32
        %get3A_876 = arith.index_cast %add3A_875 : i32 to index
        %get3A_877 = tpu.vector_load %arg5[%get3A_876] {strides = array<i32>} : memref<16384xi32, #tpu.memory_space<vmem>>, vector<16xi32>,
        %get3A_878 = vector.shape_cast %get3A_877 : vector<16xi32> to vector<16xi32>
        %sub3A_879 = arith.constant 256 : i32
        %sub3A_880 = vector.broadcast %sub3A_879 : i32 to vector<16xi32>
        %sub3A_881 = arith.subi %get3A_878, %sub3A_880 : vector<16xi32>
        %max3A_882 = arith.constant 0 : i32
        %max3A_883 = vector.broadcast %max3A_882 : i32 to vector<16xi32>
        %max3A_884 = arith.maxsi %sub3A_881, %max3A_883 : vector<16xi32>
        %mul3A_885 = arith.constant 65281 : i32
        %mul3A_886 = vector.broadcast %mul3A_885 : i32 to vector<16xi32>
        %mul3A_887 = arith.muli %max3A_884, %mul3A_886 : vector<16xi32>
        %shift_right_logical3A_888 = arith.constant 24 : i32
        %shift_right_logical3A_889 = vector.broadcast %shift_right_logical3A_888 : i32 to vector<16xi32>
        %shift_right_logical3A_890 = arith.shrui %mul3A_887, %shift_right_logical3A_889 : vector<16xi32>
        %mul3A_891 = arith.constant 257 : i32
        %mul3A_892 = vector.broadcast %mul3A_891 : i32 to vector<16xi32>
        %mul3A_893 = arith.muli %shift_right_logical3A_890, %mul3A_892 : vector<16xi32>
        %sub3A_894 = arith.subi %max3A_884, %mul3A_893 : vector<16xi32>
        %lt3A_895 = arith.constant 256 : i32
        %lt3A_896 = vector.broadcast %lt3A_895 : i32 to vector<16xi32>
        %lt3A_897 = arith.cmpi slt, %get3A_878, %lt3A_896 : vector<16xi32>
        %add3A_898 = arith.constant 8 : i32
        %add3A_899 = vector.broadcast %add3A_898 : i32 to vector<16xi32>
        %add3A_900 = arith.addi %get3A_878, %add3A_899 : vector<16xi32>
        %add3A_901 = arith.constant 1 : i32
        %add3A_902 = vector.broadcast %add3A_901 : i32 to vector<16xi32>
        %add3A_903 = arith.addi %shift_right_logical3A_890, %add3A_902 : vector<16xi32>
        %mul3A_904 = arith.constant 264 : i32
        %mul3A_905 = vector.broadcast %mul3A_904 : i32 to vector<16xi32>
        %mul3A_906 = arith.muli %add3A_903, %mul3A_905 : vector<16xi32>
        %add3A_907 = arith.constant 7 : i32
        %add3A_908 = vector.broadcast %add3A_907 : i32 to vector<16xi32>
        %add3A_909 = arith.addi %mul3A_906, %add3A_908 : vector<16xi32>
        %add3A_910 = arith.addi %add3A_909, %sub3A_894 : vector<16xi32>
        %select_n3A_911 = arith.select %lt3A_897, %add3A_900, %add3A_910 : vector<16xi1>, vector<16xi32>
        %swap3A_912 = arith.constant 0 : index
        %swap3A_913 = tpu.vector_load %arg9[%swap3A_912] {strides = array<i32>} : memref<64xi32, #tpu.memory_space<vmem>>, vector<16xi32>,
        %swap3A_914 = vector.shape_cast %swap3A_913 : vector<16xi32> to vector<16xi32>
        %swap3A_915 = vector.shape_cast %select_n3A_911 : vector<16xi32> to vector<16xi32>
        tpu.vector_store %arg9[%swap3A_912], %swap3A_915 {strides = array<i32>} : memref<64xi32, #tpu.memory_space<vmem>>, vector<16xi32>,
        %add3A_916 = arith.constant 16 : i32
        %add3A_917 = arith.addi %mul3A_873, %add3A_916 : i32
        %get3A_918 = arith.index_cast %add3A_917 : i32 to index
        %get3A_919 = tpu.vector_load %arg5[%get3A_918] {strides = array<i32>} : memref<16384xi32, #tpu.memory_space<vmem>>, vector<16xi32>,
        %get3A_920 = vector.shape_cast %get3A_919 : vector<16xi32> to vector<16xi32>
        %sub3A_921 = arith.constant 256 : i32
        %sub3A_922 = vector.broadcast %sub3A_921 : i32 to vector<16xi32>
        %sub3A_923 = arith.subi %get3A_920, %sub3A_922 : vector<16xi32>
        %max3A_924 = arith.constant 0 : i32
        %max3A_925 = vector.broadcast %max3A_924 : i32 to vector<16xi32>
        %max3A_926 = arith.maxsi %sub3A_923, %max3A_925 : vector<16xi32>
        %mul3A_927 = arith.constant 65281 : i32
        %mul3A_928 = vector.broadcast %mul3A_927 : i32 to vector<16xi32>
        %mul3A_929 = arith.muli %max3A_926, %mul3A_928 : vector<16xi32>
        %shift_right_logical3A_930 = arith.constant 24 : i32
        %shift_right_logical3A_931 = vector.broadcast %shift_right_logical3A_930 : i32 to vector<16xi32>
        %shift_right_logical3A_932 = arith.shrui %mul3A_929, %shift_right_logical3A_931 : vector<16xi32>
        %mul3A_933 = arith.constant 257 : i32
        %mul3A_934 = vector.broadcast %mul3A_933 : i32 to vector<16xi32>
        %mul3A_935 = arith.muli %shift_right_logical3A_932, %mul3A_934 : vector<16xi32>
        %sub3A_936 = arith.subi %max3A_926, %mul3A_935 : vector<16xi32>
        %lt3A_937 = arith.constant 256 : i32
        %lt3A_938 = vector.broadcast %lt3A_937 : i32 to vector<16xi32>
        %lt3A_939 = arith.cmpi slt, %get3A_920, %lt3A_938 : vector<16xi32>
        %add3A_940 = arith.constant 8 : i32
        %add3A_941 = vector.broadcast %add3A_940 : i32 to vector<16xi32>
        %add3A_942 = arith.addi %get3A_920, %add3A_941 : vector<16xi32>
        %add3A_943 = arith.constant 1 : i32
        %add3A_944 = vector.broadcast %add3A_943 : i32 to vector<16xi32>
        %add3A_945 = arith.addi %shift_right_logical3A_932, %add3A_944 : vector<16xi32>
        %mul3A_946 = arith.constant 264 : i32
        %mul3A_947 = vector.broadcast %mul3A_946 : i32 to vector<16xi32>
        %mul3A_948 = arith.muli %add3A_945, %mul3A_947 : vector<16xi32>
        %add3A_949 = arith.constant 7 : i32
        %add3A_950 = vector.broadcast %add3A_949 : i32 to vector<16xi32>
        %add3A_951 = arith.addi %mul3A_948, %add3A_950 : vector<16xi32>
        %add3A_952 = arith.addi %add3A_951, %sub3A_936 : vector<16xi32>
        %select_n3A_953 = arith.select %lt3A_939, %add3A_942, %add3A_952 : vector<16xi1>, vector<16xi32>
        %swap3A_954 = arith.constant 16 : index
        %swap3A_955 = tpu.vector_load %arg9[%swap3A_954] {strides = array<i32>} : memref<64xi32, #tpu.memory_space<vmem>>, vector<16xi32>,
        %swap3A_956 = vector.shape_cast %swap3A_955 : vector<16xi32> to vector<16xi32>
        %swap3A_957 = vector.shape_cast %select_n3A_953 : vector<16xi32> to vector<16xi32>
        tpu.vector_store %arg9[%swap3A_954], %swap3A_957 {strides = array<i32>} : memref<64xi32, #tpu.memory_space<vmem>>, vector<16xi32>,
        %add3A_958 = arith.constant 32 : i32
        %add3A_959 = arith.addi %mul3A_873, %add3A_958 : i32
        %get3A_960 = arith.index_cast %add3A_959 : i32 to index
        %get3A_961 = tpu.vector_load %arg5[%get3A_960] {strides = array<i32>} : memref<16384xi32, #tpu.memory_space<vmem>>, vector<16xi32>,
        %get3A_962 = vector.shape_cast %get3A_961 : vector<16xi32> to vector<16xi32>
        %sub3A_963 = arith.constant 256 : i32
        %sub3A_964 = vector.broadcast %sub3A_963 : i32 to vector<16xi32>
        %sub3A_965 = arith.subi %get3A_962, %sub3A_964 : vector<16xi32>
        %max3A_966 = arith.constant 0 : i32
        %max3A_967 = vector.broadcast %max3A_966 : i32 to vector<16xi32>
        %max3A_968 = arith.maxsi %sub3A_965, %max3A_967 : vector<16xi32>
        %mul3A_969 = arith.constant 65281 : i32
        %mul3A_970 = vector.broadcast %mul3A_969 : i32 to vector<16xi32>
        %mul3A_971 = arith.muli %max3A_968, %mul3A_970 : vector<16xi32>
        %shift_right_logical3A_972 = arith.constant 24 : i32
        %shift_right_logical3A_973 = vector.broadcast %shift_right_logical3A_972 : i32 to vector<16xi32>
        %shift_right_logical3A_974 = arith.shrui %mul3A_971, %shift_right_logical3A_973 : vector<16xi32>
        %mul3A_975 = arith.constant 257 : i32
        %mul3A_976 = vector.broadcast %mul3A_975 : i32 to vector<16xi32>
        %mul3A_977 = arith.muli %shift_right_logical3A_974, %mul3A_976 : vector<16xi32>
        %sub3A_978 = arith.subi %max3A_968, %mul3A_977 : vector<16xi32>
        %lt3A_979 = arith.constant 256 : i32
        %lt3A_980 = vector.broadcast %lt3A_979 : i32 to vector<16xi32>
        %lt3A_981 = arith.cmpi slt, %get3A_962, %lt3A_980 : vector<16xi32>
        %add3A_982 = arith.constant 8 : i32
        %add3A_983 = vector.broadcast %add3A_982 : i32 to vector<16xi32>
        %add3A_984 = arith.addi %get3A_962, %add3A_983 : vector<16xi32>
        %add3A_985 = arith.constant 1 : i32
        %add3A_986 = vector.broadcast %add3A_985 : i32 to vector<16xi32>
        %add3A_987 = arith.addi %shift_right_logical3A_974, %add3A_986 : vector<16xi32>
        %mul3A_988 = arith.constant 264 : i32
        %mul3A_989 = vector.broadcast %mul3A_988 : i32 to vector<16xi32>
        %mul3A_990 = arith.muli %add3A_987, %mul3A_989 : vector<16xi32>
        %add3A_991 = arith.constant 7 : i32
        %add3A_992 = vector.broadcast %add3A_991 : i32 to vector<16xi32>
        %add3A_993 = arith.addi %mul3A_990, %add3A_992 : vector<16xi32>
        %add3A_994 = arith.addi %add3A_993, %sub3A_978 : vector<16xi32>
        %select_n3A_995 = arith.select %lt3A_981, %add3A_984, %add3A_994 : vector<16xi1>, vector<16xi32>
        %swap3A_996 = arith.constant 32 : index
        %swap3A_997 = tpu.vector_load %arg9[%swap3A_996] {strides = array<i32>} : memref<64xi32, #tpu.memory_space<vmem>>, vector<16xi32>,
        %swap3A_998 = vector.shape_cast %swap3A_997 : vector<16xi32> to vector<16xi32>
        %swap3A_999 = vector.shape_cast %select_n3A_995 : vector<16xi32> to vector<16xi32>
        tpu.vector_store %arg9[%swap3A_996], %swap3A_999 {strides = array<i32>} : memref<64xi32, #tpu.memory_space<vmem>>, vector<16xi32>,
        %add3A_1000 = arith.constant 48 : i32
        %add3A_1001 = arith.addi %mul3A_873, %add3A_1000 : i32
        %get3A_1002 = arith.index_cast %add3A_1001 : i32 to index
        %get3A_1003 = tpu.vector_load %arg5[%get3A_1002] {strides = array<i32>} : memref<16384xi32, #tpu.memory_space<vmem>>, vector<16xi32>,
        %get3A_1004 = vector.shape_cast %get3A_1003 : vector<16xi32> to vector<16xi32>
        %sub3A_1005 = arith.constant 256 : i32
        %sub3A_1006 = vector.broadcast %sub3A_1005 : i32 to vector<16xi32>
        %sub3A_1007 = arith.subi %get3A_1004, %sub3A_1006 : vector<16xi32>
        %max3A_1008 = arith.constant 0 : i32
        %max3A_1009 = vector.broadcast %max3A_1008 : i32 to vector<16xi32>
        %max3A_1010 = arith.maxsi %sub3A_1007, %max3A_1009 : vector<16xi32>
        %mul3A_1011 = arith.constant 65281 : i32
        %mul3A_1012 = vector.broadcast %mul3A_1011 : i32 to vector<16xi32>
        %mul3A_1013 = arith.muli %max3A_1010, %mul3A_1012 : vector<16xi32>
        %shift_right_logical3A_1014 = arith.constant 24 : i32
        %shift_right_logical3A_1015 = vector.broadcast %shift_right_logical3A_1014 : i32 to vector<16xi32>
        %shift_right_logical3A_1016 = arith.shrui %mul3A_1013, %shift_right_logical3A_1015 : vector<16xi32>
        %mul3A_1017 = arith.constant 257 : i32
        %mul3A_1018 = vector.broadcast %mul3A_1017 : i32 to vector<16xi32>
        %mul3A_1019 = arith.muli %shift_right_logical3A_1016, %mul3A_1018 : vector<16xi32>
        %sub3A_1020 = arith.subi %max3A_1010, %mul3A_1019 : vector<16xi32>
        %lt3A_1021 = arith.constant 256 : i32
        %lt3A_1022 = vector.broadcast %lt3A_1021 : i32 to vector<16xi32>
        %lt3A_1023 = arith.cmpi slt, %get3A_1004, %lt3A_1022 : vector<16xi32>
        %add3A_1024 = arith.constant 8 : i32
        %add3A_1025 = vector.broadcast %add3A_1024 : i32 to vector<16xi32>
        %add3A_1026 = arith.addi %get3A_1004, %add3A_1025 : vector<16xi32>
        %add3A_1027 = arith.constant 1 : i32
        %add3A_1028 = vector.broadcast %add3A_1027 : i32 to vector<16xi32>
        %add3A_1029 = arith.addi %shift_right_logical3A_1016, %add3A_1028 : vector<16xi32>
        %mul3A_1030 = arith.constant 264 : i32
        %mul3A_1031 = vector.broadcast %mul3A_1030 : i32 to vector<16xi32>
        %mul3A_1032 = arith.muli %add3A_1029, %mul3A_1031 : vector<16xi32>
        %add3A_1033 = arith.constant 7 : i32
        %add3A_1034 = vector.broadcast %add3A_1033 : i32 to vector<16xi32>
        %add3A_1035 = arith.addi %mul3A_1032, %add3A_1034 : vector<16xi32>
        %add3A_1036 = arith.addi %add3A_1035, %sub3A_1020 : vector<16xi32>
        %select_n3A_1037 = arith.select %lt3A_1023, %add3A_1026, %add3A_1036 : vector<16xi1>, vector<16xi32>
        %swap3A_1038 = arith.constant 48 : index
        %swap3A_1039 = tpu.vector_load %arg9[%swap3A_1038] {strides = array<i32>} : memref<64xi32, #tpu.memory_space<vmem>>, vector<16xi32>,
        %swap3A_1040 = vector.shape_cast %swap3A_1039 : vector<16xi32> to vector<16xi32>
        %swap3A_1041 = vector.shape_cast %select_n3A_1037 : vector<16xi32> to vector<16xi32>
        tpu.vector_store %arg9[%swap3A_1038], %swap3A_1041 {strides = array<i32>} : memref<64xi32, #tpu.memory_space<vmem>>, vector<16xi32>,
        %dma_start3A_1042 = arith.constant 0 : i32
        %dma_start3A_1043 = arith.constant 0 : i32
        %dma_start3A_1044 = tpu.memref_slice %arg3[%dma_start3A_1042, %dma_start3A_1043] : memref<16896x128xf32, #tpu.memory_space<hbm>> -> memref<16896x128xf32, #tpu.memory_space<hbm>>
        tpu.enqueue_indirect_dma source(%dma_start3A_1044 : memref<16896x128xf32, #tpu.memory_space<hbm>>) target(%arg17 : memref<64x128xf32, #tpu.memory_space<vmem>>) offsets(%arg9 : memref<64xi32, #tpu.memory_space<vmem>>) semaphore(%arg25 : memref<!tpu.dma_semaphore, #tpu.memory_space<semaphore_mem>>)
      } else {
      }
    }
    %scan3A_651 = arith.constant 32 : i32
    %add3A_652 = arith.constant 15872 : i32
    %add3A_653 = arith.addi %mul3A_2, %add3A_652 : i32
    %dma_wait3A = arith.constant 0 : i32
    %dma_wait3A_654 = tpu.memref_slice %arg4[%add3A_653, %dma_wait3A] : memref<524288x128xf32, #tpu.memory_space<hbm>> -> memref<64x128xf32, #tpu.memory_space<hbm>>
    %dma_wait3A_655 = arith.constant 0 : i32
    %dma_wait3A_656 = tpu.memref_slice %arg4[%add3A_653, %dma_wait3A_655] : memref<524288x128xf32, #tpu.memory_space<hbm>> -> memref<64x128xf32, #tpu.memory_space<hbm>>
    tpu.wait_dma2 semaphore(%arg30 : memref<!tpu.dma_semaphore, #tpu.memory_space<semaphore_mem>>) src(%arg14 : memref<64x128xf32, #tpu.memory_space<vmem>>) dst(%dma_wait3A_656 : memref<64x128xf32, #tpu.memory_space<hbm>>)
    %add3A_657 = arith.constant 15936 : i32
    %add3A_658 = arith.addi %mul3A_2, %add3A_657 : i32
    %dma_wait3A_659 = arith.constant 0 : i32
    %dma_wait3A_660 = tpu.memref_slice %arg4[%add3A_658, %dma_wait3A_659] : memref<524288x128xf32, #tpu.memory_space<hbm>> -> memref<64x128xf32, #tpu.memory_space<hbm>>
    %dma_wait3A_661 = arith.constant 0 : i32
    %dma_wait3A_662 = tpu.memref_slice %arg4[%add3A_658, %dma_wait3A_661] : memref<524288x128xf32, #tpu.memory_space<hbm>> -> memref<64x128xf32, #tpu.memory_space<hbm>>
    tpu.wait_dma2 semaphore(%arg31 : memref<!tpu.dma_semaphore, #tpu.memory_space<semaphore_mem>>) src(%arg15 : memref<64x128xf32, #tpu.memory_space<vmem>>) dst(%dma_wait3A_662 : memref<64x128xf32, #tpu.memory_space<hbm>>)
    %add3A_663 = arith.constant 16000 : i32
    %add3A_664 = arith.addi %mul3A_2, %add3A_663 : i32
    %dma_wait3A_665 = arith.constant 0 : i32
    %dma_wait3A_666 = tpu.memref_slice %arg4[%add3A_664, %dma_wait3A_665] : memref<524288x128xf32, #tpu.memory_space<hbm>> -> memref<64x128xf32, #tpu.memory_space<hbm>>
    %dma_wait3A_667 = arith.constant 0 : i32
    %dma_wait3A_668 = tpu.memref_slice %arg4[%add3A_664, %dma_wait3A_667] : memref<524288x128xf32, #tpu.memory_space<hbm>> -> memref<64x128xf32, #tpu.memory_space<hbm>>
    tpu.wait_dma2 semaphore(%arg32 : memref<!tpu.dma_semaphore, #tpu.memory_space<semaphore_mem>>) src(%arg16 : memref<64x128xf32, #tpu.memory_space<vmem>>) dst(%dma_wait3A_668 : memref<64x128xf32, #tpu.memory_space<hbm>>)
    %add3A_669 = arith.constant 16064 : i32
    %add3A_670 = arith.addi %mul3A_2, %add3A_669 : i32
    %dma_wait3A_671 = arith.constant 0 : i32
    %dma_wait3A_672 = tpu.memref_slice %arg4[%add3A_670, %dma_wait3A_671] : memref<524288x128xf32, #tpu.memory_space<hbm>> -> memref<64x128xf32, #tpu.memory_space<hbm>>
    %dma_wait3A_673 = arith.constant 0 : i32
    %dma_wait3A_674 = tpu.memref_slice %arg4[%add3A_670, %dma_wait3A_673] : memref<524288x128xf32, #tpu.memory_space<hbm>> -> memref<64x128xf32, #tpu.memory_space<hbm>>
    tpu.wait_dma2 semaphore(%arg33 : memref<!tpu.dma_semaphore, #tpu.memory_space<semaphore_mem>>) src(%arg17 : memref<64x128xf32, #tpu.memory_space<vmem>>) dst(%dma_wait3A_674 : memref<64x128xf32, #tpu.memory_space<hbm>>)
    %add3A_675 = arith.constant 16128 : i32
    %add3A_676 = arith.addi %mul3A_2, %add3A_675 : i32
    %dma_wait3A_677 = arith.constant 0 : i32
    %dma_wait3A_678 = tpu.memref_slice %arg4[%add3A_676, %dma_wait3A_677] : memref<524288x128xf32, #tpu.memory_space<hbm>> -> memref<64x128xf32, #tpu.memory_space<hbm>>
    %dma_wait3A_679 = arith.constant 0 : i32
    %dma_wait3A_680 = tpu.memref_slice %arg4[%add3A_676, %dma_wait3A_679] : memref<524288x128xf32, #tpu.memory_space<hbm>> -> memref<64x128xf32, #tpu.memory_space<hbm>>
    tpu.wait_dma2 semaphore(%arg34 : memref<!tpu.dma_semaphore, #tpu.memory_space<semaphore_mem>>) src(%arg18 : memref<64x128xf32, #tpu.memory_space<vmem>>) dst(%dma_wait3A_680 : memref<64x128xf32, #tpu.memory_space<hbm>>)
    %add3A_681 = arith.constant 16192 : i32
    %add3A_682 = arith.addi %mul3A_2, %add3A_681 : i32
    %dma_wait3A_683 = arith.constant 0 : i32
    %dma_wait3A_684 = tpu.memref_slice %arg4[%add3A_682, %dma_wait3A_683] : memref<524288x128xf32, #tpu.memory_space<hbm>> -> memref<64x128xf32, #tpu.memory_space<hbm>>
    %dma_wait3A_685 = arith.constant 0 : i32
    %dma_wait3A_686 = tpu.memref_slice %arg4[%add3A_682, %dma_wait3A_685] : memref<524288x128xf32, #tpu.memory_space<hbm>> -> memref<64x128xf32, #tpu.memory_space<hbm>>
    tpu.wait_dma2 semaphore(%arg35 : memref<!tpu.dma_semaphore, #tpu.memory_space<semaphore_mem>>) src(%arg19 : memref<64x128xf32, #tpu.memory_space<vmem>>) dst(%dma_wait3A_686 : memref<64x128xf32, #tpu.memory_space<hbm>>)
    %add3A_687 = arith.constant 16256 : i32
    %add3A_688 = arith.addi %mul3A_2, %add3A_687 : i32
    %dma_wait3A_689 = arith.constant 0 : i32
    %dma_wait3A_690 = tpu.memref_slice %arg4[%add3A_688, %dma_wait3A_689] : memref<524288x128xf32, #tpu.memory_space<hbm>> -> memref<64x128xf32, #tpu.memory_space<hbm>>
    %dma_wait3A_691 = arith.constant 0 : i32
    %dma_wait3A_692 = tpu.memref_slice %arg4[%add3A_688, %dma_wait3A_691] : memref<524288x128xf32, #tpu.memory_space<hbm>> -> memref<64x128xf32, #tpu.memory_space<hbm>>
    tpu.wait_dma2 semaphore(%arg36 : memref<!tpu.dma_semaphore, #tpu.memory_space<semaphore_mem>>) src(%arg20 : memref<64x128xf32, #tpu.memory_space<vmem>>) dst(%dma_wait3A_692 : memref<64x128xf32, #tpu.memory_space<hbm>>)
    %add3A_693 = arith.constant 16320 : i32
    %add3A_694 = arith.addi %mul3A_2, %add3A_693 : i32
    %dma_wait3A_695 = arith.constant 0 : i32
    %dma_wait3A_696 = tpu.memref_slice %arg4[%add3A_694, %dma_wait3A_695] : memref<524288x128xf32, #tpu.memory_space<hbm>> -> memref<64x128xf32, #tpu.memory_space<hbm>>
    %dma_wait3A_697 = arith.constant 0 : i32
    %dma_wait3A_698 = tpu.memref_slice %arg4[%add3A_694, %dma_wait3A_697] : memref<524288x128xf32, #tpu.memory_space<hbm>> -> memref<64x128xf32, #tpu.memory_space<hbm>>
    tpu.wait_dma2 semaphore(%arg37 : memref<!tpu.dma_semaphore, #tpu.memory_space<semaphore_mem>>) src(%arg21 : memref<64x128xf32, #tpu.memory_space<vmem>>) dst(%dma_wait3A_698 : memref<64x128xf32, #tpu.memory_space<hbm>>)
    return
  }
}

module attributes {stable_mosaic.version = 14 : i64} {
  func.func @_table_body(%arg0: i32, %arg1: memref<64x128xf32, #tpu.memory_space<vmem>>, %arg2: memref<16x128xf32, #tpu.memory_space<vmem>>, %arg3: memref<16x128xf32, #tpu.memory_space<vmem>>, %arg4: memref<1x128xf32, #tpu.memory_space<vmem>>, %arg5: memref<2112x128xf32, #tpu.memory_space<vmem>>) attributes {dimension_semantics = [#tpu.dimension_semantics<arbitrary>], iteration_bounds = array<i64: 8>, scalar_prefetch = 0 : i64, scratch_operands = 0 : i64, tpu.core_type = #tpu.core_type<tc>, window_params = [{pipeline_mode = #tpu.pipeline_mode<synchronous>, transform_indices = @transform_0, window_bounds = array<i64: 64, 128>}, {pipeline_mode = #tpu.pipeline_mode<synchronous>, transform_indices = @transform_1, window_bounds = array<i64: 16, 128>}, {pipeline_mode = #tpu.pipeline_mode<synchronous>, transform_indices = @transform_2, window_bounds = array<i64: 16, 128>}, {pipeline_mode = #tpu.pipeline_mode<synchronous>, transform_indices = @transform_3, window_bounds = array<i64: 1, 128>}, {transform_indices = @transform_4, window_bounds = array<i64: 2112, 128>}]} {
    %iota3A = tpu.iota {dimensions = array<i32: 0>} : vector<256x1xi32>
    %iota3A_0 = tpu.iota {dimensions = array<i32: 1>} : vector<256x16xi32>
    %shift_right_arithmetic3A = arith.constant 4 : i32
    %shift_right_arithmetic3A_1 = vector.broadcast %shift_right_arithmetic3A : i32 to vector<256x1xi32>
    %shift_right_arithmetic3A_2 = arith.shrsi %iota3A, %shift_right_arithmetic3A_1 : vector<256x1xi32>
    %eq3A = vector.broadcast %shift_right_arithmetic3A_2 : vector<256x1xi32> to vector<256x16xi32>
    %eq3A_3 = arith.cmpi eq, %eq3A, %iota3A_0 : vector<256x16xi32>
    %convert_element_type3A = arith.extui %eq3A_3 : vector<256x16xi1> to vector<256x16xi32>
    %convert_element_type3A_4 = arith.sitofp %convert_element_type3A : vector<256x16xi32> to vector<256x16xf32>
    %and3A = arith.constant 15 : i32
    %and3A_5 = vector.broadcast %and3A : i32 to vector<256x1xi32>
    %and3A_6 = arith.andi %iota3A, %and3A_5 : vector<256x1xi32>
    %eq3A_7 = vector.broadcast %and3A_6 : vector<256x1xi32> to vector<256x16xi32>
    %eq3A_8 = arith.cmpi eq, %eq3A_7, %iota3A_0 : vector<256x16xi32>
    %convert_element_type3A_9 = arith.extui %eq3A_8 : vector<256x16xi1> to vector<256x16xi32>
    %convert_element_type3A_10 = arith.sitofp %convert_element_type3A_9 : vector<256x16xi32> to vector<256x16xf32>
    %get3A = arith.constant 0 : index
    %get3A_11 = arith.constant 0 : index
    %get3A_12 = vector.load %arg2[%get3A, %get3A_11] : memref<16x128xf32, #tpu.memory_space<vmem>>, vector<16x128xf32>
    %dot_general3A = arith.constant dense<0.000000e+00> : vector<256x128xf32>
    %dot_general3A_13 = tpu.matmul %convert_element_type3A_4, %get3A_12, %dot_general3A {dimension_numbers = #tpu.dot_dimension_numbers<[1], [0], [0], [1], [0, 0, 1, 1], [], []>, transpose_lhs_hint = false} : vector<256x16xf32>, vector<16x128xf32>, vector<256x128xf32> -> vector<256x128xf32>
    %get3A_14 = arith.constant 0 : index
    %get3A_15 = arith.constant 0 : index
    %get3A_16 = vector.load %arg3[%get3A_14, %get3A_15] : memref<16x128xf32, #tpu.memory_space<vmem>>, vector<16x128xf32>
    %dot_general3A_17 = arith.constant dense<0.000000e+00> : vector<256x128xf32>
    %dot_general3A_18 = tpu.matmul %convert_element_type3A_10, %get3A_16, %dot_general3A_17 {dimension_numbers = #tpu.dot_dimension_numbers<[1], [0], [0], [1], [0, 0, 1, 1], [], []>, transpose_lhs_hint = false} : vector<256x16xf32>, vector<16x128xf32>, vector<256x128xf32> -> vector<256x128xf32>
    %add3A = arith.addf %dot_general3A_13, %dot_general3A_18 : vector<256x128xf32>
    %get3A_19 = arith.constant 0 : index
    %get3A_20 = arith.constant 0 : index
    %get3A_21 = vector.load %arg4[%get3A_19, %get3A_20] : memref<1x128xf32, #tpu.memory_space<vmem>>, vector<1x128xf32>
    %mul3A = arith.constant 8 : i32
    %mul3A_22 = arith.muli %arg0, %mul3A : i32
    %add3A_23 = arith.constant 0 : i32
    %add3A_24 = arith.addi %mul3A_22, %add3A_23 : i32
    %get3A_25 = arith.index_cast %add3A_24 : i32 to index
    %get3A_26 = arith.constant 0 : index
    %get3A_27 = vector.load %arg1[%get3A_25, %get3A_26] : memref<64x128xf32, #tpu.memory_space<vmem>>, vector<1x128xf32>
    %add3A_28 = arith.addf %get3A_21, %get3A_27 : vector<1x128xf32>
    %broadcast_in_dim3A = vector.shape_cast %add3A_28 : vector<1x128xf32> to vector<1x128xf32>
    %broadcast_in_dim3A_29 = vector.broadcast %broadcast_in_dim3A : vector<1x128xf32> to vector<8x128xf32>
    %swap3A = arith.constant 0 : index
    %swap3A_30 = arith.constant 0 : index
    %swap3A_31 = vector.load %arg5[%swap3A, %swap3A_30] : memref<2112x128xf32, #tpu.memory_space<vmem>>, vector<8x128xf32>
    tpu.vector_store %arg5[%swap3A, %swap3A_30], %broadcast_in_dim3A_29 {strides = array<i32>} : memref<2112x128xf32, #tpu.memory_space<vmem>>, vector<8x128xf32>,
    %add3A_32 = vector.broadcast %get3A_27 : vector<1x128xf32> to vector<256x128xf32>
    %add3A_33 = arith.addf %add3A, %add3A_32 : vector<256x128xf32>
    %swap3A_34 = arith.constant 8 : index
    %swap3A_35 = arith.constant 0 : index
    %swap3A_36 = vector.load %arg5[%swap3A_34, %swap3A_35] : memref<2112x128xf32, #tpu.memory_space<vmem>>, vector<256x128xf32>
    tpu.vector_store %arg5[%swap3A_34, %swap3A_35], %add3A_33 {strides = array<i32>} : memref<2112x128xf32, #tpu.memory_space<vmem>>, vector<256x128xf32>,
    %add3A_37 = arith.constant 1 : i32
    %add3A_38 = arith.addi %mul3A_22, %add3A_37 : i32
    %get3A_39 = arith.index_cast %add3A_38 : i32 to index
    %get3A_40 = arith.constant 0 : index
    %get3A_41 = vector.load %arg1[%get3A_39, %get3A_40] : memref<64x128xf32, #tpu.memory_space<vmem>>, vector<1x128xf32>
    %add3A_42 = arith.addf %get3A_21, %get3A_41 : vector<1x128xf32>
    %broadcast_in_dim3A_43 = vector.shape_cast %add3A_42 : vector<1x128xf32> to vector<1x128xf32>
    %broadcast_in_dim3A_44 = vector.broadcast %broadcast_in_dim3A_43 : vector<1x128xf32> to vector<8x128xf32>
    %swap3A_45 = arith.constant 264 : index
    %swap3A_46 = arith.constant 0 : index
    %swap3A_47 = vector.load %arg5[%swap3A_45, %swap3A_46] : memref<2112x128xf32, #tpu.memory_space<vmem>>, vector<8x128xf32>
    tpu.vector_store %arg5[%swap3A_45, %swap3A_46], %broadcast_in_dim3A_44 {strides = array<i32>} : memref<2112x128xf32, #tpu.memory_space<vmem>>, vector<8x128xf32>,
    %add3A_48 = vector.broadcast %get3A_41 : vector<1x128xf32> to vector<256x128xf32>
    %add3A_49 = arith.addf %add3A, %add3A_48 : vector<256x128xf32>
    %swap3A_50 = arith.constant 272 : index
    %swap3A_51 = arith.constant 0 : index
    %swap3A_52 = vector.load %arg5[%swap3A_50, %swap3A_51] : memref<2112x128xf32, #tpu.memory_space<vmem>>, vector<256x128xf32>
    tpu.vector_store %arg5[%swap3A_50, %swap3A_51], %add3A_49 {strides = array<i32>} : memref<2112x128xf32, #tpu.memory_space<vmem>>, vector<256x128xf32>,
    %add3A_53 = arith.constant 2 : i32
    %add3A_54 = arith.addi %mul3A_22, %add3A_53 : i32
    %get3A_55 = arith.index_cast %add3A_54 : i32 to index
    %get3A_56 = arith.constant 0 : index
    %get3A_57 = vector.load %arg1[%get3A_55, %get3A_56] : memref<64x128xf32, #tpu.memory_space<vmem>>, vector<1x128xf32>
    %add3A_58 = arith.addf %get3A_21, %get3A_57 : vector<1x128xf32>
    %broadcast_in_dim3A_59 = vector.shape_cast %add3A_58 : vector<1x128xf32> to vector<1x128xf32>
    %broadcast_in_dim3A_60 = vector.broadcast %broadcast_in_dim3A_59 : vector<1x128xf32> to vector<8x128xf32>
    %swap3A_61 = arith.constant 528 : index
    %swap3A_62 = arith.constant 0 : index
    %swap3A_63 = vector.load %arg5[%swap3A_61, %swap3A_62] : memref<2112x128xf32, #tpu.memory_space<vmem>>, vector<8x128xf32>
    tpu.vector_store %arg5[%swap3A_61, %swap3A_62], %broadcast_in_dim3A_60 {strides = array<i32>} : memref<2112x128xf32, #tpu.memory_space<vmem>>, vector<8x128xf32>,
    %add3A_64 = vector.broadcast %get3A_57 : vector<1x128xf32> to vector<256x128xf32>
    %add3A_65 = arith.addf %add3A, %add3A_64 : vector<256x128xf32>
    %swap3A_66 = arith.constant 536 : index
    %swap3A_67 = arith.constant 0 : index
    %swap3A_68 = vector.load %arg5[%swap3A_66, %swap3A_67] : memref<2112x128xf32, #tpu.memory_space<vmem>>, vector<256x128xf32>
    tpu.vector_store %arg5[%swap3A_66, %swap3A_67], %add3A_65 {strides = array<i32>} : memref<2112x128xf32, #tpu.memory_space<vmem>>, vector<256x128xf32>,
    %add3A_69 = arith.constant 3 : i32
    %add3A_70 = arith.addi %mul3A_22, %add3A_69 : i32
    %get3A_71 = arith.index_cast %add3A_70 : i32 to index
    %get3A_72 = arith.constant 0 : index
    %get3A_73 = vector.load %arg1[%get3A_71, %get3A_72] : memref<64x128xf32, #tpu.memory_space<vmem>>, vector<1x128xf32>
    %add3A_74 = arith.addf %get3A_21, %get3A_73 : vector<1x128xf32>
    %broadcast_in_dim3A_75 = vector.shape_cast %add3A_74 : vector<1x128xf32> to vector<1x128xf32>
    %broadcast_in_dim3A_76 = vector.broadcast %broadcast_in_dim3A_75 : vector<1x128xf32> to vector<8x128xf32>
    %swap3A_77 = arith.constant 792 : index
    %swap3A_78 = arith.constant 0 : index
    %swap3A_79 = vector.load %arg5[%swap3A_77, %swap3A_78] : memref<2112x128xf32, #tpu.memory_space<vmem>>, vector<8x128xf32>
    tpu.vector_store %arg5[%swap3A_77, %swap3A_78], %broadcast_in_dim3A_76 {strides = array<i32>} : memref<2112x128xf32, #tpu.memory_space<vmem>>, vector<8x128xf32>,
    %add3A_80 = vector.broadcast %get3A_73 : vector<1x128xf32> to vector<256x128xf32>
    %add3A_81 = arith.addf %add3A, %add3A_80 : vector<256x128xf32>
    %swap3A_82 = arith.constant 800 : index
    %swap3A_83 = arith.constant 0 : index
    %swap3A_84 = vector.load %arg5[%swap3A_82, %swap3A_83] : memref<2112x128xf32, #tpu.memory_space<vmem>>, vector<256x128xf32>
    tpu.vector_store %arg5[%swap3A_82, %swap3A_83], %add3A_81 {strides = array<i32>} : memref<2112x128xf32, #tpu.memory_space<vmem>>, vector<256x128xf32>,
    %add3A_85 = arith.constant 4 : i32
    %add3A_86 = arith.addi %mul3A_22, %add3A_85 : i32
    %get3A_87 = arith.index_cast %add3A_86 : i32 to index
    %get3A_88 = arith.constant 0 : index
    %get3A_89 = vector.load %arg1[%get3A_87, %get3A_88] : memref<64x128xf32, #tpu.memory_space<vmem>>, vector<1x128xf32>
    %add3A_90 = arith.addf %get3A_21, %get3A_89 : vector<1x128xf32>
    %broadcast_in_dim3A_91 = vector.shape_cast %add3A_90 : vector<1x128xf32> to vector<1x128xf32>
    %broadcast_in_dim3A_92 = vector.broadcast %broadcast_in_dim3A_91 : vector<1x128xf32> to vector<8x128xf32>
    %swap3A_93 = arith.constant 1056 : index
    %swap3A_94 = arith.constant 0 : index
    %swap3A_95 = vector.load %arg5[%swap3A_93, %swap3A_94] : memref<2112x128xf32, #tpu.memory_space<vmem>>, vector<8x128xf32>
    tpu.vector_store %arg5[%swap3A_93, %swap3A_94], %broadcast_in_dim3A_92 {strides = array<i32>} : memref<2112x128xf32, #tpu.memory_space<vmem>>, vector<8x128xf32>,
    %add3A_96 = vector.broadcast %get3A_89 : vector<1x128xf32> to vector<256x128xf32>
    %add3A_97 = arith.addf %add3A, %add3A_96 : vector<256x128xf32>
    %swap3A_98 = arith.constant 1064 : index
    %swap3A_99 = arith.constant 0 : index
    %swap3A_100 = vector.load %arg5[%swap3A_98, %swap3A_99] : memref<2112x128xf32, #tpu.memory_space<vmem>>, vector<256x128xf32>
    tpu.vector_store %arg5[%swap3A_98, %swap3A_99], %add3A_97 {strides = array<i32>} : memref<2112x128xf32, #tpu.memory_space<vmem>>, vector<256x128xf32>,
    %add3A_101 = arith.constant 5 : i32
    %add3A_102 = arith.addi %mul3A_22, %add3A_101 : i32
    %get3A_103 = arith.index_cast %add3A_102 : i32 to index
    %get3A_104 = arith.constant 0 : index
    %get3A_105 = vector.load %arg1[%get3A_103, %get3A_104] : memref<64x128xf32, #tpu.memory_space<vmem>>, vector<1x128xf32>
    %add3A_106 = arith.addf %get3A_21, %get3A_105 : vector<1x128xf32>
    %broadcast_in_dim3A_107 = vector.shape_cast %add3A_106 : vector<1x128xf32> to vector<1x128xf32>
    %broadcast_in_dim3A_108 = vector.broadcast %broadcast_in_dim3A_107 : vector<1x128xf32> to vector<8x128xf32>
    %swap3A_109 = arith.constant 1320 : index
    %swap3A_110 = arith.constant 0 : index
    %swap3A_111 = vector.load %arg5[%swap3A_109, %swap3A_110] : memref<2112x128xf32, #tpu.memory_space<vmem>>, vector<8x128xf32>
    tpu.vector_store %arg5[%swap3A_109, %swap3A_110], %broadcast_in_dim3A_108 {strides = array<i32>} : memref<2112x128xf32, #tpu.memory_space<vmem>>, vector<8x128xf32>,
    %add3A_112 = vector.broadcast %get3A_105 : vector<1x128xf32> to vector<256x128xf32>
    %add3A_113 = arith.addf %add3A, %add3A_112 : vector<256x128xf32>
    %swap3A_114 = arith.constant 1328 : index
    %swap3A_115 = arith.constant 0 : index
    %swap3A_116 = vector.load %arg5[%swap3A_114, %swap3A_115] : memref<2112x128xf32, #tpu.memory_space<vmem>>, vector<256x128xf32>
    tpu.vector_store %arg5[%swap3A_114, %swap3A_115], %add3A_113 {strides = array<i32>} : memref<2112x128xf32, #tpu.memory_space<vmem>>, vector<256x128xf32>,
    %add3A_117 = arith.constant 6 : i32
    %add3A_118 = arith.addi %mul3A_22, %add3A_117 : i32
    %get3A_119 = arith.index_cast %add3A_118 : i32 to index
    %get3A_120 = arith.constant 0 : index
    %get3A_121 = vector.load %arg1[%get3A_119, %get3A_120] : memref<64x128xf32, #tpu.memory_space<vmem>>, vector<1x128xf32>
    %add3A_122 = arith.addf %get3A_21, %get3A_121 : vector<1x128xf32>
    %broadcast_in_dim3A_123 = vector.shape_cast %add3A_122 : vector<1x128xf32> to vector<1x128xf32>
    %broadcast_in_dim3A_124 = vector.broadcast %broadcast_in_dim3A_123 : vector<1x128xf32> to vector<8x128xf32>
    %swap3A_125 = arith.constant 1584 : index
    %swap3A_126 = arith.constant 0 : index
    %swap3A_127 = vector.load %arg5[%swap3A_125, %swap3A_126] : memref<2112x128xf32, #tpu.memory_space<vmem>>, vector<8x128xf32>
    tpu.vector_store %arg5[%swap3A_125, %swap3A_126], %broadcast_in_dim3A_124 {strides = array<i32>} : memref<2112x128xf32, #tpu.memory_space<vmem>>, vector<8x128xf32>,
    %add3A_128 = vector.broadcast %get3A_121 : vector<1x128xf32> to vector<256x128xf32>
    %add3A_129 = arith.addf %add3A, %add3A_128 : vector<256x128xf32>
    %swap3A_130 = arith.constant 1592 : index
    %swap3A_131 = arith.constant 0 : index
    %swap3A_132 = vector.load %arg5[%swap3A_130, %swap3A_131] : memref<2112x128xf32, #tpu.memory_space<vmem>>, vector<256x128xf32>
    tpu.vector_store %arg5[%swap3A_130, %swap3A_131], %add3A_129 {strides = array<i32>} : memref<2112x128xf32, #tpu.memory_space<vmem>>, vector<256x128xf32>,
    %add3A_133 = arith.constant 7 : i32
    %add3A_134 = arith.addi %mul3A_22, %add3A_133 : i32
    %get3A_135 = arith.index_cast %add3A_134 : i32 to index
    %get3A_136 = arith.constant 0 : index
    %get3A_137 = vector.load %arg1[%get3A_135, %get3A_136] : memref<64x128xf32, #tpu.memory_space<vmem>>, vector<1x128xf32>
    %add3A_138 = arith.addf %get3A_21, %get3A_137 : vector<1x128xf32>
    %broadcast_in_dim3A_139 = vector.shape_cast %add3A_138 : vector<1x128xf32> to vector<1x128xf32>
    %broadcast_in_dim3A_140 = vector.broadcast %broadcast_in_dim3A_139 : vector<1x128xf32> to vector<8x128xf32>
    %swap3A_141 = arith.constant 1848 : index
    %swap3A_142 = arith.constant 0 : index
    %swap3A_143 = vector.load %arg5[%swap3A_141, %swap3A_142] : memref<2112x128xf32, #tpu.memory_space<vmem>>, vector<8x128xf32>
    tpu.vector_store %arg5[%swap3A_141, %swap3A_142], %broadcast_in_dim3A_140 {strides = array<i32>} : memref<2112x128xf32, #tpu.memory_space<vmem>>, vector<8x128xf32>,
    %add3A_144 = vector.broadcast %get3A_137 : vector<1x128xf32> to vector<256x128xf32>
    %add3A_145 = arith.addf %add3A, %add3A_144 : vector<256x128xf32>
    %swap3A_146 = arith.constant 1856 : index
    %swap3A_147 = arith.constant 0 : index
    %swap3A_148 = vector.load %arg5[%swap3A_146, %swap3A_147] : memref<2112x128xf32, #tpu.memory_space<vmem>>, vector<256x128xf32>
    tpu.vector_store %arg5[%swap3A_146, %swap3A_147], %add3A_145 {strides = array<i32>} : memref<2112x128xf32, #tpu.memory_space<vmem>>, vector<256x128xf32>,
    return
  }
  func.func @transform_0(%arg0: i32) -> (i32, i32) {
    %c0_i32 = arith.constant 0 : i32
    %c0_i32_0 = arith.constant 0 : i32
    %c0_i32_1 = arith.constant 0 : i32
    return %c0_i32, %c0_i32_0 : i32, i32
  }
  func.func @transform_1(%arg0: i32) -> (i32, i32) {
    %c0_i32 = arith.constant 0 : i32
    %c0_i32_0 = arith.constant 0 : i32
    %c0_i32_1 = arith.constant 0 : i32
    return %c0_i32, %c0_i32_0 : i32, i32
  }
  func.func @transform_2(%arg0: i32) -> (i32, i32) {
    %c0_i32 = arith.constant 0 : i32
    %c0_i32_0 = arith.constant 0 : i32
    %c0_i32_1 = arith.constant 0 : i32
    return %c0_i32, %c0_i32_0 : i32, i32
  }
  func.func @transform_3(%arg0: i32) -> (i32, i32) {
    %c0_i32 = arith.constant 0 : i32
    %c0_i32_0 = arith.constant 0 : i32
    %c0_i32_1 = arith.constant 0 : i32
    return %c0_i32, %c0_i32_0 : i32, i32
  }
  func.func @transform_4(%arg0: i32) -> (i32, i32) {
    %c0_i32 = arith.constant 0 : i32
    %c0_i32_0 = arith.constant 0 : i32
    return %arg0, %c0_i32 : i32, i32
  }
}

</mosaic_0001>

<sc_bundles>
// kernel: kernel.4.cloned.1.call-start
scs
__scs_entry_jumppad:
0x0: {  	(pc) =	sbr.rel $0x88, $3  }
0x1: {  	(tag) =	ssettag $0x0;
	lr =	simm.s32 $0x1  }
0x2: {  	[smem:$0x3F9C] =	sst lr;
	_ =	strace $0xD0000000  }
0x3: {  	_ = 	snop  }
0x4: {  	_ = 	snop  }
0x5: {  	_ = 	snop  }
0x6: {  	_ = 	snop  }
0x7: {  	_ = 	snop  }
__scs_overlays_trampoline_lowered:
0x8: {  	[smem:$0x3FAB] =	sst s0  }
0x9: {  	[smem:$0x3FAC] =	sst s1  }
0xa: {  	[smem:$0x3FAD] =	sst s2  }
0xb: {  	[smem:$0x3FAE] =	sst s3  }
0xc: {  	[smem:$0x3FAF] =	sst s4  }
0xd: {  	[smem:$0x3FB0] =	sst s5  }
0xe: {  	[smem:$0x3FB1] =	sst s6  }
0xf: {  	[smem:$0x3FB2] =	sst s7  }
0x10: {  	[smem:$0x3FB3] =	sst s8  }
0x11: {  	[smem:$0x3FB4] =	sst s9;
	s0 =	simm.s32 @!p0 $0x0  }
0x12: {  	s1 =	sld [smem:$0x3F9A];
	s0 =	simm.s32 @p0 $0x1  }
0x13: {  	[smem:$0x3FB5] =	sst s0;
	s0 =	simm.s32 @!p1 $0x0  }
0x14: {  	s2 =	sld [smem:$0x3F99];
	s0 =	simm.s32 @p1 $0x1  }
0x15: {  	[smem:$0x3FB6] =	sst s0;
	s0 =	simm.s32 @!p2 $0x0  }
0x16: {  	s3 =	sld [smem:$0x3FDB];
	s0 =	simm.s32 @p2 $0x1  }
0x17: {  	s4 =	simm.s32 $0x1BF5;
	[smem:$0x3FB8] =	sst s0  }
0x18: {  	s0 =	sld [smem:$0x3F9B];
	_ =	swait.ge [sflag:s4], $0x0  }
0x19: {  	s7 =	sld [smem:$0x3F9C]  }
0x1a: {  	s8 =	sadd.s32 $0xFFFFE003, lr  }
0x1b: {  	s9 =	sadd.s32 $0xFFFFFEF7, lr;
	s5 =	simm.s32 $0xFFFFFFFF;
	p2 =	slt.u32 s8, $0xFFFFF086  }
0x1c: {  	p1 =	slt.u32 s9, $0xF7A;
	s5 =	simm.s32 @!p2 $0x0  }
0x1d: {  	s5 =	simm.s32 @p1 $0x1;
	p0 =	seq.s32 s7, s2  }
0x1e: {  	s7 =	smul.u32 @!p0 $0xF7A, s2;
	p2 =	seq.s32 @!p0 s5, $0x0  }
0x1f: {  	s9 =	smul.u32 $0xF7A, s1;
	s8 =	simm.s32 @!p0 $0x1BF5;
	p2 =	por !p2, p0  }
0x20: {  	[sflag:s8] =	ssyncset.s32 @!p0 $0xFFFFF086;
	s6 =	sadd.s32 @!p0 s3, s7;
	s7 =	simm.s32 @!p0 $0x108  }
0x21: {  	s3 =	sadd.s32 s3, s9;
	s6 =	sadd.s32 @!p0 $0x88, s6;
	s7 =	simm.s32 @p2 $0x1082  }
0x22: {  	[simem:s7], [sflag:s8] =	dma.local @!p0 [hbm:s6], $0xF7A  }
0x23: {  	s9 =	sor.u32 $0xD0000000, s2;
	s6 =	simm.s32 $0x108;
	_ =	swait.ge @!p0 [sflag:s8], $0x0  }
0x24: {  	s3 =	sadd.s32 $0x88, s3;
	s6 =	simm.s32 @!p1 $0x1082;
	[sflag:s4] =	ssyncset.s32 $0xFFFFF086  }
0x25: {  	[simem:s6], [sflag:s4] =	dma.local [hbm:s3], $0xF7A  }
0x26: {  	[smem:$0x3F9C] =	sst s1;
	(tag) =	ssettag s2;
	_ =	strace s9  }
0x27: {  	s1 =	sld [smem:$0x3FAC]  }
0x28: {  	s2 =	sld [smem:$0x3FAD]  }
0x29: {  	s4 =	sld [smem:$0x3FAF]  }
0x2a: {  	p0 =	seq.s32 s5, $0x0;
	s5 =	sld [smem:$0x3FB0]  }
0x2b: {  	s6 =	sld [smem:$0x3FB1]  }
0x2c: {  	s7 =	sld [smem:$0x3FB2]  }
0x2d: {  	s3 =	simm.s32 $0x108;
	s8 =	sld [smem:$0x3FB3]  }
0x2e: {  	s3 =	simm.s32 @!p0 $0x1082;
	s9 =	sld [smem:$0x3FB4]  }
0x2f: {  	lr =	sadd.s32 s0, s3;
	s0 =	sld [smem:$0x3FAB]  }
0x30: {  	s3 =	sld [smem:$0x3FAE]  }
0x31: {  	[smem:$0x3FB7] =	sst s10  }
0x32: {  	s10 =	sld [smem:$0x3FB5];
	_ =	sdelay $0x3  }
0x33: {  	p0 =	seq.s32 s10, $0x1;
	s10 =	sld [smem:$0x3FB7];
	_ =	sdelay $0x3  }
0x34: {  	[smem:$0x3FB7] =	sst s10  }
0x35: {  	s10 =	sld [smem:$0x3FB6];
	_ =	sdelay $0x3  }
0x36: {  	p1 =	seq.s32 s10, $0x1;
	s10 =	sld [smem:$0x3FB7];
	_ =	sdelay $0x3  }
0x37: {  	[smem:$0x3FB7] =	sst s10  }
0x38: {  	s10 =	sld [smem:$0x3FB8]  }
0x39: {  	_ = 	snop;
	(pc) =	sbr.ind lr, $3  }
0x3a: {  	_ = 	snop  }
0x3b: {  	_ = 	snop  }
0x3c: {  	p2 =	seq.s32 s10, $0x1;
	s10 =	sld [smem:$0x3FB7]  }
0x3d: {  	_ =	shalt  }
0x3e: {  	_ =	shalt  }
0x3f: {  	_ =	shalt  }
0x40: {  	_ =	shalt  }
0x41: {  	_ =	shalt  }
0x42: {  	_ =	shalt  }
0x43: {  	_ =	shalt  }
0x44: {  	_ =	shalt  }
0x45: {  	_ =	shalt  }
0x46: {  	_ =	shalt  }
0x47: {  	_ =	shalt  }
0x48: {  	_ =	shalt  }
0x49: {  	_ =	shalt  }
0x4a: {  	_ =	shalt  }
0x4b: {  	_ =	shalt  }
0x4c: {  	_ =	shalt  }
0x4d: {  	_ =	shalt  }
0x4e: {  	_ =	shalt  }
0x4f: {  	_ =	shalt  }
0x50: {  	_ =	shalt  }
0x51: {  	_ =	shalt  }
0x52: {  	_ =	shalt  }
0x53: {  	_ =	shalt  }
0x54: {  	_ =	shalt  }
0x55: {  	_ =	shalt  }
0x56: {  	_ =	shalt  }
0x57: {  	_ =	shalt  }
0x58: {  	_ =	shalt  }
0x59: {  	_ =	shalt  }
0x5a: {  	_ =	shalt  }
0x5b: {  	_ =	shalt  }
0x5c: {  	_ =	shalt  }
0x5d: {  	_ =	shalt  }
0x5e: {  	_ =	shalt  }
0x5f: {  	_ =	shalt  }
0x60: {  	_ =	shalt  }
0x61: {  	_ =	shalt  }
0x62: {  	_ =	shalt  }
0x63: {  	_ =	shalt  }
0x64: {  	_ =	shalt  }
0x65: {  	_ =	shalt  }
0x66: {  	_ =	shalt  }
0x67: {  	_ =	shalt  }
0x68: {  	_ =	shalt  }
0x69: {  	_ =	shalt  }
0x6a: {  	_ =	shalt  }
0x6b: {  	_ =	shalt  }
0x6c: {  	_ =	shalt  }
0x6d: {  	_ =	shalt  }
0x6e: {  	_ =	shalt  }
0x6f: {  	_ =	shalt  }
0x70: {  	_ =	shalt  }
0x71: {  	_ =	shalt  }
0x72: {  	_ =	shalt  }
0x73: {  	_ =	shalt  }
0x74: {  	_ =	shalt  }
0x75: {  	_ =	shalt  }
0x76: {  	_ =	shalt  }
0x77: {  	_ =	shalt  }
0x78: {  	_ =	shalt  }
0x79: {  	_ =	shalt  }
0x7a: {  	_ =	shalt  }
0x7b: {  	_ =	shalt  }
0x7c: {  	_ =	shalt  }
0x7d: {  	_ =	shalt  }
0x7e: {  	_ =	shalt  }
0x7f: {  	_ =	shalt  }
0x80: {  	_ =	shalt  }
0x81: {  	_ =	shalt  }
0x82: {  	_ =	shalt  }
0x83: {  	_ =	shalt  }
0x84: {  	_ =	shalt  }
0x85: {  	_ =	shalt  }
0x86: {  	_ =	shalt  }
0x87: {  	_ =	shalt  }
.Lfunc_end0:
.L_simem_size_0:
called_computation_lowered:
.L_overlay_start_0:
0x88: {  	s2 =	sld [smem:$0x3FD9]  }
0x89: {  	s3 =	sld [smem:$0x3FFE];
	_ =	sdelay $0x1  }
0x8a: {  	s1 =	srdreg.scid  }
0x8b: {  	s0 =	sand.u32 $0x1, s1  }
0x8c: {  	s17 =	sshll.u32 s0, $0xA;
	s2 =	sadd.s32 s3, s2  }
0x8d: {  	s2 =	sadd.s32 s2, s17  }
0x8e: {  	[smem:$0x3FC3] =	sst s2  }
0x8f: {  	_ = 	snop  }
0x90: {  	s2 =	sld [smem:$0x3FD0];
	(tm) =	ssettm $0x1  }
0x91: {  	s18 =	sld [smem:$0x3FFB];
	_ =	sdelay $0x3  }
0x92: {  	_ =	strace s18  }
0x93: {  	s3 =	sld [smem:$0x3FFC];
	_ =	sdelay $0x3  }
0x94: {  	_ =	strace s3  }
0x95: {  	s3 =	sld [smem:$0x3FFD];
	_ =	sdelay $0x3  }
0x96: {  	_ =	strace s3  }
0x97: {  	_ =	strace $0x8FFFFFFF  }
0x98: {  	s19 =	sld [smem:$0x3FDB];
	_ =	sdelay $0x1  }
0x99: {  	s4 =	simm.s32 $_scs_section_size  }
0x9a: {  	s5 =	simm.s32 $_size__tile_overlayer_lowered;
	s6 =	simm.s32 $_tile_overlayer_lowered  }
0x9b: {  	s22 =	simm.s32 $0x1BFF;
	s21 =	sshll.u32 s6, $0x1;
	s3 =	sadd.s32 s4, s19  }
0x9c: {  	s7 =	simm.s32 $0x0;
	s20 =	sshll.u32 s5, $0x1;
	s5 =	sadd.s32 s21, s3  }
0x9d: {  	[timem:s7], [sflag:s22] =	dma.local [hbm:s5], s20  }
0x9e: {  	_ =	swait.ge [sflag:s22], s20  }
0x9f: {  	s4 =	ssub.s32 $0x0, s20;
	[sflag:s22] =	ssyncset.done $0x0  }
0xa0: {  	[sflag:s22] =	ssyncadd.s32 s4;
	_ =	sdelay $0x1  }
0xa1: {  	s23 =	simm.s32 $0x1B8B  }
0xa2: {  	_ =	swait.ge [sflag:s23], $0x1  }
0xa3: {  	[sflag:s23] =	ssyncset.done $0x0  }
0xa4: {  	s25 =	simm.s32 $0x1B8E;
	s24 =	sld [smem:$0x3FFE];
	[sflag:s23] =	ssyncadd.s32 $0xFFFFFFFF  }
0xa5: {  	s26 =	simm.s32 $execute0_lowered;
	[smem:$0x3FD2] =	sst s25  }
0xa6: {  	s5 =	sshll.u32 s26, $0x1;
	_ =	strace $0x80000046;
	[dreg:$0x1] =	wrdreg $0xFFFFFFFF  }
0xa7: {  	s28 =	simm.s32 $_size_execute0_lowered;
	s3 =	sadd.s32 s3, s5;
	[dreg:$0x0] =	wrdreg $0x0  }
0xa8: {  	s5 =	sshll.u32 s28, $0x1;
	[dreg:$0x2] =	wrdreg s3  }
0xa9: {  	[dreg:$0x3] =	wrdreg s5  }
0xaa: {  	[dreg:$0x4] =	wrdreg $0xC0  }
0xab: {  	_ =	task [dreg:s7], $0x5FFFF  }
0xac: {  	[dreg:$0x1] =	wrdreg $0xFFFFFFFF  }
0xad: {  	[dreg:$0x0] =	wrdreg $0x60  }
0xae: {  	[dreg:$0x2] =	wrdreg s24  }
0xaf: {  	[dreg:$0x3] =	wrdreg s2  }
0xb0: {  	[dreg:$0x4] =	wrdreg $0x9  }
0xb1: {  	_ =	task.clear_ibuf [dreg:s7], $0x5FFFF;
	_ =	strace $0x90000046  }
0xb2: {  	s29 =	simm.s32 $0x9;
	_ =	strace $0x80000048  }
0xb3: {  	_ =	swait.ge [sflag:s29], $0x1  }
0xb4: {  	[sflag:s29] =	ssyncadd.s32 $0xFFFFFFFF  }
0xb5: {  	_ =	strace $0x90000048  }
0xb6: {  	_ =	sfence  }
0xb7: {  	s30 =	sld [smem:$0x0];
	_ =	sdelay $0x2  }
0xb8: {  	s31 =	sshll.u32 s1, $0xD;
	s1 =	sshrl.u32 s1, $0x2  }
0xb9: {  	s3 =	sand.u32 $0x4000, s31;
	s1 =	sadd.s32 s1, s30  }
0xba: {  	s0 =	sor.u32 s3, s0;
	s1 =	sshll.u32 s1, $0x11  }
0xbb: {  	s0 =	sor.u32 s1, s0  }
0xbc: {  	s0 =	sadd.s32 $0x8F2B, s0  }
0xbd: {  	[sflag:s0] =	ssyncadd.remote.s32 $0x1  }
0xbe: {  	_ =	sfence.sel $0xFFFF  }
0xbf: {  	[dreg:$0x0] =	wrdreg $0xFFFFFFFF;
	(pc) =	sbr.abs _section_cstart, $3  }
0xc0: {  	[dreg:$0x1] =	wrdreg $0xFFFFFFFF  }
0xc1: {  	_ =	task.clear_ibuf [dreg:s7], $0x2FFFF;
	_ =	strace $0x9FFFFFFF  }
0xc2: {  	(tm) =	ssettm $0x7FFFFFFF  }
0xc3: {  	_ =	shalt  }
tec
execute0_lowered:
.L_overlay_start_1:
0x0: {  	(tag) =	ssettag $0x1  }
0x1: {  	s0 =	srdreg.scid;
	s1 =	rddreg [dreg:$0x0]  }
0x2: {  	s8 =	stileid.u32;
	s4 =	rddreg [dreg:$0x1]  }
0x3: {  	s2 =	simm.s32 $0x0;
	s10 =	simm.s32 $0x40;
	s12 =	simm.s32 $0x4400  }
0x4: {  	s14 =	simm.s32 $0x6400;
	s16 =	simm.s32 $0x8400;
	s18 =	simm.s32 $0xA400  }
0x5: {  	s19 =	simm.s32 $0x1;
	s21 =	simm.s32 $0xC400;
	s22 =	simm.s32 $0x2  }
0x6: {  	s28 =	simm.s32 $0x10400;
	s29 =	simm.s32 $0x4;
	s30 =	simm.s32 $0x4380  }
0x7: {  	s31 =	simm.s32 $0x12400;
	s9 =	simm.s32 $0xA;
	s11 =	simm.s32 $0xB  }
0x8: {  	s13 =	simm.s32 $0xC;
	s17 =	simm.s32 $0x0;
	s0 =	sand.u32 $0x1, s0  }
0x9: {  	s3 =	sshll.u32 s8, $0xF;
	[smem:$0x7FF] =	sst s2;
	s25 =	sshll.u32 s8, $0x13  }
0xa: {  	s5 =	sshll.u32 s0, $0xE;
	_ =	strace $0x80000047;
	s7 =	ssub.s32 $0x2, s0  }
0xb: {  	s26 =	sadd.s32 s25, s4;
	s0 =	sshll.u32 s0, $0x12;
	s5 =	sor.u32 s5, s3  }
0xc: {  	s25 =	simm.s32 $0x3;
	s23 =	sshrl.u32 s7, $0x1;
	s3 =	sshrl.u32 s5, $0x3  }
0xd: {  	s8 =	sadd.s32 s0, s26;
	s5 =	sshll.u32 s5, $0x4;
	s6 =	sadd.s32 s3, s1  }
0xe: {  	s3 =	sadd.s32 $0x10E00, s1;
	s5 =	sadd.s32 s5, s4;
	s6 =	sadd.s32 $0xE00, s6  }
.Ltmp0:
0xf: {  	s24 =	sadd.s32 $0x3F400, s5;
	[dreg:$0x3] =	wrdreg s6;
	(pc) =	sbr.rel .LBB2_1-.Ltmp0, $4  }
0x10: {  	s1 =	ssub.s32 s7, s23;
	s5 =	sadd.s32 $0x3FC00, s5;
	[dreg:$0x4] =	wrdreg s24  }
0x11: {  	s0 =	simm.s32 $0x6;
	s1 =	smax.u32 s1, $0x1;
	[dreg:$0x5] =	wrdreg s5  }
0x12: {  	s4 =	simm.s32 $0x7;
	s7 =	simm.s32 $0x9;
	[dreg:$0x6] =	wrdreg s1  }
0x13: {  	s24 =	simm.s32 $0xE400;
	s1 =	simm.s32 $0x5;
	s6 =	simm.s32 $0x8  }
.LBB2_7:
0x14: {  	_ =	swait.ge [sflag:s6], $0x2000  }
0x15: {  	[sflag:s6] =	ssyncset.done $0x0  }
0x16: {  	s5 =	rddreg [dreg:$0x5];
	[sflag:s6] =	ssyncadd.s32 $0xFFFFE000  }
0x17: {  	[hbm4b:s5+s2] =	stream.linear.scatter [tilespmem:s31], [sflag:$0x10], $0x2000, $0x38;
	[tilespmem:$0x14400] =	vst v63  }
0x18: {  	_ =	swait.ge [sflag:s7], $0x2000  }
0x19: {  	[sflag:s7] =	ssyncset.done $0x0  }
0x1a: {  	[sflag:s7] =	ssyncadd.s32 $0xFFFFE000  }
0x1b: {  	_ =	swait.ge [sflag:s9], $0x2000  }
0x1c: {  	[sflag:s9] =	ssyncset.done $0x0  }
0x1d: {  	[sflag:s9] =	ssyncadd.s32 $0xFFFFE000  }
0x1e: {  	_ =	swait.ge [sflag:s11], $0x2000  }
0x1f: {  	[sflag:s11] =	ssyncset.done $0x0  }
0x20: {  	[sflag:s11] =	ssyncadd.s32 $0xFFFFE000  }
0x21: {  	_ =	swait.ge [sflag:s13], $0x2000  }
0x22: {  	[sflag:s13] =	ssyncset.done $0x0  }
0x23: {  	s17 =	simm.s32 $0xD;
	[sflag:s13] =	ssyncadd.s32 $0xFFFFE000  }
0x24: {  	_ =	swait.ge [sflag:s17], $0x2000  }
0x25: {  	[sflag:s17] =	ssyncset.done $0x0  }
0x26: {  	s20 =	simm.s32 $0xE;
	[sflag:s17] =	ssyncadd.s32 $0xFFFFE000  }
0x27: {  	_ =	swait.ge [sflag:s20], $0x2000  }
0x28: {  	[sflag:s20] =	ssyncset.done $0x0  }
0x29: {  	s23 =	simm.s32 $0xF;
	[sflag:s20] =	ssyncadd.s32 $0xFFFFE000  }
0x2a: {  	_ =	swait.ge [sflag:s23], $0x2000  }
0x2b: {  	[sflag:s23] =	ssyncset.done $0x0  }
0x2c: {  	s15 =	simm.s32 $0x10;
	[sflag:s23] =	ssyncadd.s32 $0xFFFFE000  }
0x2d: {  	_ =	swait.ge [sflag:s15], $0x2000  }
0x2e: {  	s17 =	rddreg [dreg:$0x7]  }
0x2f: {  	s26 =	rddreg [dreg:$0x6];
	s17 =	sadd.s32 $0x1, s17  }
0x30: {  	p0 =	sne.s32 s17, s26  }
.Ltmp1:
0x31: {  	_ = 	snop;
	(pc) =	sbr.rel @!p0 .LBB2_8-.Ltmp1, $3  }
0x32: {  	_ =	sdelay $0x1  }
0x33: {  	[sflag:s15] =	ssyncset.done $0x0  }
0x34: {  	[sflag:s15] =	ssyncadd.s32 $0xFFFFE000  }
.LBB2_1:
0x35: {  	[dreg:$0x7] =	wrdreg s17  }
0x36: {  	s5 =	rddreg [dreg:$0x3];
	s15 =	simm.s32 $0x11  }
0x37: {  	[tilespmem:s2], [sflag:$0x11] =	stream.linear.gather [hbm4b:s5+s2], $0x4000, $0x38;
	[tilespmem:$0x14400] =	vst v63  }
0x38: {  	_ =	swait.ge [sflag:s15], $0x4000  }
0x39: {  	[sflag:s15] =	ssyncset.done $0x0  }
0x3a: {  	[sflag:s15] =	ssyncadd.s32 $0xFFFFC000  }
0x3b: {  	v0 =	vld [tilespmem:$0x0]  }
0x3c: {  	v2 =	vld [tilespmem:$0x10]  }
0x3d: {  	v3 =	vld [tilespmem:$0x20]  }
0x3e: {  	v5 =	vld [tilespmem:$0x30];
	_ =	sdelay $0x2  }
0x3f: {  	v1 =	vadd.s32 $0xFFFFFF00, v0  }
0x40: {  	vm10 =	vlt.s32 v0, $0x100;
	v6 =	vadd.s32 $0xFFFFFF00, v2;
	v0 =	vadd.s32 $0x8, v0  }
0x41: {  	v7 =	vadd.s32 $0xFFFFFF00, v3;
	v9 =	vadd.s32 $0xFFFFFF00, v5;
	vm0 =	vgt.s32 v1, $0x0  }
0x42: {  	vm13 =	vlt.s32 v2, $0x100;
	vm1 =	vgt.s32 v6, $0x0;
	v1 =	vnsel vm0, $0x0, v1  }
0x43: {  	v2 =	vadd.s32 $0x8, v2;
	v6 =	vnsel vm1, $0x0, v6;
	v4 =	vmul.u32 $0xFF01, v1  }
0x44: {  	vm11 =	vgt.s32 v7, $0x0;
	vm12 =	vgt.s32 v9, $0x0;
	v8 =	vmul.u32 $0xFF01, v6  }
0x45: {  	v7 =	vnsel vm11, $0x0, v7;
	v9 =	vnsel vm12, $0x0, v9;
	v4 =	vshrl.u32 v4, $0x18  }
0x46: {  	v10 =	vmul.u32 $0xFF01, v9;
	v8 =	vshrl.u32 v8, $0x18;
	v4 =	vmul.u32 $0x7, v4  }
0x47: {  	vm14 =	vlt.s32 v3, $0x100;
	v53 =	vmul.u32 $0xFF01, v7;
	v8 =	vmul.u32 $0x7, v8  }
0x48: {  	vm15 =	vlt.s32 v5, $0x100;
	v56 =	vshrl.u32 v10, $0x18;
	v1 =	vadd.s32 v4, v1  }
0x49: {  	v4 =	vshrl.u32 v53, $0x18;
	v55 =	vadd.s32 v8, v6;
	v6 =	vmul.u32 $0x7, v56  }
0x4a: {  	v59 =	vadd.s32 $0x8, v5;
	v1 =	vadd.s32 $0x10F, v1;
	v54 =	vmul.u32 $0x7, v4  }
0x4b: {  	v4 =	vadd.s32 $0x10F, v55;
	v0 =	vsel vm10, v0, v1;
	v58 =	vadd.s32 v6, v9  }
0x4c: {  	v57 =	vsel vm13, v2, v4;
	v1 =	vadd.s32 v54, v7;
	[tilespmem:$0x4000] =	vst v0;
	v2 =	vadd.s32 $0x10F, v58  }
0x4d: {  	v3 =	vadd.s32 $0x8, v3;
	[tilespmem:$0x4010] =	vst v57;
	v1 =	vadd.s32 $0x10F, v1;
	v0 =	vsel vm15, v59, v2  }
0x4e: {  	v1 =	vsel vm14, v3, v1;
	[tilespmem:$0x4030] =	vst v0  }
0x4f: {  	s17 =	simm.s32 $0x4000;
	[tilespmem:$0x4020] =	vst v1  }
0x50: {  	[tilespmem:s12], [sflag:$0x1] =	stream.indirect.gather [hbm4b:s3+s10], $0x80, s17, s10, $0xb8;
	[tilespmem:$0x14400] =	vst v63  }
0x51: {  	v60 =	vld [tilespmem:$0x40]  }
0x52: {  	v62 =	vld [tilespmem:$0x50]  }
0x53: {  	v63 =	vld [tilespmem:$0x60]  }
0x54: {  	v12 =	vld [tilespmem:$0x70];
	_ =	sdelay $0x2  }
0x55: {  	v61 =	vadd.s32 $0xFFFFFF00, v60  }
0x56: {  	vm5 =	vlt.s32 v60, $0x100;
	v13 =	vadd.s32 $0xFFFFFF00, v62;
	v0 =	vadd.s32 $0x8, v60  }
0x57: {  	v14 =	vadd.s32 $0xFFFFFF00, v63;
	v16 =	vadd.s32 $0xFFFFFF00, v12;
	vm4 =	vgt.s32 v61, $0x0  }
0x58: {  	vm9 =	vlt.s32 v62, $0x100;
	vm6 =	vgt.s32 v13, $0x0;
	v1 =	vnsel vm4, $0x0, v61  }
0x59: {  	v2 =	vadd.s32 $0x8, v62;
	v6 =	vnsel vm6, $0x0, v13;
	v11 =	vmul.u32 $0xFF01, v1  }
0x5a: {  	vm7 =	vgt.s32 v14, $0x0;
	vm8 =	vgt.s32 v16, $0x0;
	v15 =	vmul.u32 $0xFF01, v6  }
0x5b: {  	v7 =	vnsel vm7, $0x0, v14;
	v9 =	vnsel vm8, $0x0, v16;
	v4 =	vshrl.u32 v11, $0x18  }
0x5c: {  	v18 =	vmul.u32 $0xFF01, v9;
	v8 =	vshrl.u32 v15, $0x18;
	v4 =	vmul.u32 $0x7, v4  }
0x5d: {  	vm10 =	vlt.s32 v63, $0x100;
	v17 =	vmul.u32 $0xFF01, v7;
	v8 =	vmul.u32 $0x7, v8  }
0x5e: {  	vm11 =	vlt.s32 v12, $0x100;
	v21 =	vshrl.u32 v18, $0x18;
	v1 =	vadd.s32 v4, v1  }
0x5f: {  	v4 =	vshrl.u32 v17, $0x18;
	v20 =	vadd.s32 v8, v6;
	v6 =	vmul.u32 $0x7, v21  }
0x60: {  	v24 =	vadd.s32 $0x8, v12;
	v1 =	vadd.s32 $0x10F, v1;
	v19 =	vmul.u32 $0x7, v4  }
0x61: {  	v4 =	vadd.s32 $0x10F, v20;
	v0 =	vsel vm5, v0, v1;
	v23 =	vadd.s32 v6, v9  }
0x62: {  	v22 =	vsel vm9, v2, v4;
	v1 =	vadd.s32 v19, v7;
	[tilespmem:$0x4080] =	vst v0;
	v2 =	vadd.s32 $0x10F, v23  }
0x63: {  	v3 =	vadd.s32 $0x8, v63;
	[tilespmem:$0x4090] =	vst v22;
	v1 =	vadd.s32 $0x10F, v1;
	v0 =	vsel vm11, v24, v2  }
0x64: {  	v1 =	vsel vm10, v3, v1;
	[tilespmem:$0x40B0] =	vst v0  }
0x65: {  	s20 =	simm.s32 $0x4080;
	[tilespmem:$0x40A0] =	vst v1  }
0x66: {  	[tilespmem:s14], [sflag:$0x2] =	stream.indirect.gather [hbm4b:s3+s10], $0x80, s20, s10, $0xb8;
	[tilespmem:$0x14400] =	vst v63  }
0x67: {  	v25 =	vld [tilespmem:$0x80]  }
0x68: {  	v27 =	vld [tilespmem:$0x90]  }
0x69: {  	v28 =	vld [tilespmem:$0xA0]  }
0x6a: {  	v30 =	vld [tilespmem:$0xB0];
	_ =	sdelay $0x2  }
0x6b: {  	v26 =	vadd.s32 $0xFFFFFF00, v25  }
0x6c: {  	vm13 =	vlt.s32 v25, $0x100;
	v31 =	vadd.s32 $0xFFFFFF00, v27;
	v0 =	vadd.s32 $0x8, v25  }
0x6d: {  	v32 =	vadd.s32 $0xFFFFFF00, v28;
	v34 =	vadd.s32 $0xFFFFFF00, v30;
	vm12 =	vgt.s32 v26, $0x0  }
0x6e: {  	vm5 =	vlt.s32 v27, $0x100;
	vm14 =	vgt.s32 v31, $0x0;
	v1 =	vnsel vm12, $0x0, v26  }
0x6f: {  	v2 =	vadd.s32 $0x8, v27;
	v6 =	vnsel vm14, $0x0, v31;
	v29 =	vmul.u32 $0xFF01, v1  }
0x70: {  	vm15 =	vgt.s32 v32, $0x0;
	vm4 =	vgt.s32 v34, $0x0;
	v33 =	vmul.u32 $0xFF01, v6  }
0x71: {  	v7 =	vnsel vm15, $0x0, v32;
	v9 =	vnsel vm4, $0x0, v34;
	v4 =	vshrl.u32 v29, $0x18  }
0x72: {  	v36 =	vmul.u32 $0xFF01, v9;
	v8 =	vshrl.u32 v33, $0x18;
	v4 =	vmul.u32 $0x7, v4  }
0x73: {  	vm6 =	vlt.s32 v28, $0x100;
	v35 =	vmul.u32 $0xFF01, v7;
	v8 =	vmul.u32 $0x7, v8  }
0x74: {  	vm7 =	vlt.s32 v30, $0x100;
	v39 =	vshrl.u32 v36, $0x18;
	v1 =	vadd.s32 v4, v1  }
0x75: {  	v4 =	vshrl.u32 v35, $0x18;
	v38 =	vadd.s32 v8, v6;
	v6 =	vmul.u32 $0x7, v39  }
0x76: {  	v42 =	vadd.s32 $0x8, v30;
	v1 =	vadd.s32 $0x10F, v1;
	v37 =	vmul.u32 $0x7, v4  }
0x77: {  	v4 =	vadd.s32 $0x10F, v38;
	v0 =	vsel vm13, v0, v1;
	v41 =	vadd.s32 v6, v9  }
0x78: {  	v40 =	vsel vm5, v2, v4;
	v1 =	vadd.s32 v37, v7;
	[tilespmem:$0x4100] =	vst v0;
	v2 =	vadd.s32 $0x10F, v41  }
0x79: {  	v3 =	vadd.s32 $0x8, v28;
	[tilespmem:$0x4110] =	vst v40;
	v1 =	vadd.s32 $0x10F, v1;
	v0 =	vsel vm7, v42, v2  }
0x7a: {  	v1 =	vsel vm6, v3, v1;
	[tilespmem:$0x4130] =	vst v0  }
0x7b: {  	s23 =	simm.s32 $0x4100;
	[tilespmem:$0x4120] =	vst v1  }
0x7c: {  	[tilespmem:s16], [sflag:$0x3] =	stream.indirect.gather [hbm4b:s3+s10], $0x80, s23, s10, $0xb8;
	[tilespmem:$0x14400] =	vst v63  }
0x7d: {  	v43 =	vld [tilespmem:$0xC0]  }
0x7e: {  	v44 =	vld [tilespmem:$0xD0]  }
0x7f: {  	v46 =	vld [tilespmem:$0xE0]  }
0x80: {  	v48 =	vld [tilespmem:$0xF0];
	_ =	sdelay $0x2  }
0x81: {  	v45 =	vadd.s32 $0xFFFFFF00, v43  }
0x82: {  	v49 =	vadd.s32 $0xFFFFFF00, v44;
	v50 =	vadd.s32 $0xFFFFFF00, v46;
	vm10 =	vlt.s32 v43, $0x100  }
0x83: {  	v0 =	vadd.s32 $0x8, v43;
	v53 =	vadd.s32 $0xFFFFFF00, v48;
	vm8 =	vgt.s32 v45, $0x0  }
0x84: {  	vm13 =	vlt.s32 v44, $0x100;
	vm11 =	vgt.s32 v50, $0x0;
	v2 =	vnsel vm8, $0x0, v45  }
0x85: {  	vm9 =	vgt.s32 v49, $0x0;
	v7 =	vnsel vm11, $0x0, v50;
	v47 =	vmul.u32 $0xFF01, v2  }
0x86: {  	v1 =	vadd.s32 $0x8, v44;
	v6 =	vnsel vm9, $0x0, v49;
	v52 =	vmul.u32 $0xFF01, v7  }
0x87: {  	vm12 =	vgt.s32 v53, $0x0;
	v51 =	vmul.u32 $0xFF01, v6;
	v4 =	vshrl.u32 v47, $0x18  }
0x88: {  	v56 =	vnsel vm12, $0x0, v53;
	v55 =	vshrl.u32 v52, $0x18;
	v4 =	vmul.u32 $0x7, v4  }
0x89: {  	v10 =	vmul.u32 $0xFF01, v56;
	v54 =	vshrl.u32 v51, $0x18;
	v8 =	vmul.u32 $0x7, v55  }
0x8a: {  	vm14 =	vlt.s32 v46, $0x100;
	v2 =	vadd.s32 v4, v2;
	v4 =	vmul.u32 $0x7, v54  }
0x8b: {  	v3 =	vadd.s32 $0x8, v46;
	v59 =	vshrl.u32 v10, $0x18;
	v58 =	vadd.s32 v8, v7  }
0x8c: {  	v2 =	vadd.s32 $0x10F, v2;
	v57 =	vadd.s32 v4, v6;
	v6 =	vmul.u32 $0x7, v59  }
0x8d: {  	vm15 =	vlt.s32 v48, $0x100;
	v0 =	vsel vm10, v0, v2;
	v4 =	vadd.s32 $0x10F, v58  }
0x8e: {  	v2 =	vadd.s32 $0x10F, v57;
	[tilespmem:$0x4180] =	vst v0;
	v60 =	vsel vm14, v3, v4;
	v61 =	vadd.s32 v6, v56  }
0x8f: {  	v62 =	vadd.s32 $0x8, v48;
	v1 =	vsel vm13, v1, v2;
	[tilespmem:$0x41A0] =	vst v60;
	v2 =	vadd.s32 $0x10F, v61  }
0x90: {  	s26 =	simm.s32 $0x4180;
	[tilespmem:$0x4190] =	vst v1;
	v63 =	vsel vm15, v62, v2  }
0x91: {  	s5 =	simm.s32 $0x2C0;
	s15 =	simm.s32 $0x180;
	s17 =	simm.s32 $0x0;
	[tilespmem:$0x41B0] =	vst v63  }
0x92: {  	[tilespmem:s18], [sflag:$0x4] =	stream.indirect.gather [hbm4b:s3+s10], $0x80, s26, s10, $0xb8;
	[tilespmem:$0x14400] =	vst v63  }
.LBB2_2:
0x93: {  	_ =	swait.ge [sflag:s19], $0x2000  }
0x94: {  	p0 =	seq.s32 s17, $0x0;
	[sflag:s19] =	ssyncset.done $0x0  }
0x95: {  	s20 =	sadd.s32 s17, s8;
	s23 =	simm.s32 @!p0 $0xD;
	[sflag:s19] =	ssyncadd.s32 $0xFFFFE000  }
0x96: {  	[hbm4b:s20+s2] =	stream.linear.scatter [tilespmem:s12], [sflag:$0x9], $0x2000, $0x38;
	[tilespmem:$0x14400] =	vst v63  }
0x97: {  	_ =	swait.ge @!p0 [sflag:s23], $0x2000  }
0x98: {  	[sflag:s23] =	ssyncset.done @!p0 $0x0  }
0x99: {  	[sflag:s23] =	ssyncadd.s32 @!p0 $0xFFFFE000  }
0x9a: {  	v0 =	vld [tilespmem:s15+$0xFFFFFF80];
	_ =	sdelay $0x4  }
0x9b: {  	v1 =	vadd.s32 $0xFFFFFF00, v0  }
0x9c: {  	vm0 =	vgt.s32 v1, $0x0  }
0x9d: {  	v1 =	vnsel vm0, $0x0, v1  }
0x9e: {  	v2 =	vmul.u32 $0xFF01, v1;
	_ =	sdelay $0x1  }
0x9f: {  	v2 =	vshrl.u32 v2, $0x18  }
0xa0: {  	v2 =	vmul.u32 $0x7, v2;
	_ =	sdelay $0x1  }
0xa1: {  	v1 =	vadd.s32 v2, v1  }
0xa2: {  	vm9 =	vlt.s32 v0, $0x100;
	v0 =	vadd.s32 $0x8, v0;
	v1 =	vadd.s32 $0x10F, v1  }
0xa3: {  	v0 =	vsel vm9, v0, v1  }
0xa4: {  	[tilespmem:$0x4200] =	vst v0  }
0xa5: {  	v0 =	vld [tilespmem:s15+$0xFFFFFF90];
	_ =	sdelay $0x4  }
0xa6: {  	v31 =	vadd.s32 $0xFFFFFF00, v0  }
0xa7: {  	vm10 =	vgt.s32 v31, $0x0  }
0xa8: {  	v1 =	vnsel vm10, $0x0, v31  }
0xa9: {  	v32 =	vmul.u32 $0xFF01, v1;
	_ =	sdelay $0x1  }
0xaa: {  	v2 =	vshrl.u32 v32, $0x18  }
0xab: {  	v2 =	vmul.u32 $0x7, v2;
	_ =	sdelay $0x1  }
0xac: {  	v1 =	vadd.s32 v2, v1  }
0xad: {  	vm11 =	vlt.s32 v0, $0x100;
	v0 =	vadd.s32 $0x8, v0;
	v1 =	vadd.s32 $0x10F, v1  }
0xae: {  	v0 =	vsel vm11, v0, v1  }
0xaf: {  	[tilespmem:$0x4210] =	vst v0  }
0xb0: {  	v0 =	vld [tilespmem:s15+$0xFFFFFFA0];
	_ =	sdelay $0x4  }
0xb1: {  	v33 =	vadd.s32 $0xFFFFFF00, v0  }
0xb2: {  	vm12 =	vgt.s32 v33, $0x0  }
0xb3: {  	v1 =	vnsel vm12, $0x0, v33  }
0xb4: {  	v34 =	vmul.u32 $0xFF01, v1;
	_ =	sdelay $0x1  }
0xb5: {  	v2 =	vshrl.u32 v34, $0x18  }
0xb6: {  	v2 =	vmul.u32 $0x7, v2;
	_ =	sdelay $0x1  }
0xb7: {  	v1 =	vadd.s32 v2, v1  }
0xb8: {  	vm13 =	vlt.s32 v0, $0x100;
	v0 =	vadd.s32 $0x8, v0;
	v1 =	vadd.s32 $0x10F, v1  }
0xb9: {  	v0 =	vsel vm13, v0, v1  }
0xba: {  	[tilespmem:$0x4220] =	vst v0  }
0xbb: {  	v0 =	vld [tilespmem:s15+$0xFFFFFFB0];
	_ =	sdelay $0x4  }
0xbc: {  	v35 =	vadd.s32 $0xFFFFFF00, v0  }
0xbd: {  	vm14 =	vgt.s32 v35, $0x0  }
0xbe: {  	v1 =	vnsel vm14, $0x0, v35  }
0xbf: {  	v36 =	vmul.u32 $0xFF01, v1;
	_ =	sdelay $0x1  }
0xc0: {  	v2 =	vshrl.u32 v36, $0x18  }
0xc1: {  	v2 =	vmul.u32 $0x7, v2;
	_ =	sdelay $0x1  }
0xc2: {  	v1 =	vadd.s32 v2, v1  }
0xc3: {  	vm15 =	vlt.s32 v0, $0x100;
	v0 =	vadd.s32 $0x8, v0;
	v1 =	vadd.s32 $0x10F, v1  }
0xc4: {  	v0 =	vsel vm15, v0, v1  }
0xc5: {  	s26 =	simm.s32 $0x4200;
	[tilespmem:$0x4230] =	vst v0  }
0xc6: {  	[tilespmem:s21], [sflag:$0x5] =	stream.indirect.gather [hbm4b:s3+s10], $0x80, s26, s10, $0xb8;
	[tilespmem:$0x14400] =	vst v63  }
0xc7: {  	_ =	swait.ge [sflag:s22], $0x2000  }
0xc8: {  	[sflag:s22] =	ssyncset.done $0x0  }
0xc9: {  	s23 =	simm.s32 @!p0 $0xE;
	s26 =	sadd.s32 $0x400, s20;
	[sflag:s22] =	ssyncadd.s32 $0xFFFFE000  }
0xca: {  	[hbm4b:s26+s2] =	stream.linear.scatter [tilespmem:s14], [sflag:$0xA], $0x2000, $0x38;
	[tilespmem:$0x14400] =	vst v63  }
0xcb: {  	_ =	swait.ge @!p0 [sflag:s23], $0x2000  }
0xcc: {  	[sflag:s23] =	ssyncset.done @!p0 $0x0  }
0xcd: {  	[sflag:s23] =	ssyncadd.s32 @!p0 $0xFFFFE000  }
0xce: {  	v37 =	vld [tilespmem:s15+$0xFFFFFFC0];
	_ =	sdelay $0x4  }
0xcf: {  	v38 =	vadd.s32 $0xFFFFFF00, v37  }
0xd0: {  	vm4 =	vgt.s32 v38, $0x0  }
0xd1: {  	v1 =	vnsel vm4, $0x0, v38  }
0xd2: {  	v39 =	vmul.u32 $0xFF01, v1;
	_ =	sdelay $0x1  }
0xd3: {  	v2 =	vshrl.u32 v39, $0x18  }
0xd4: {  	v2 =	vmul.u32 $0x7, v2;
	_ =	sdelay $0x1  }
0xd5: {  	v1 =	vadd.s32 v2, v1  }
0xd6: {  	vm5 =	vlt.s32 v37, $0x100;
	v0 =	vadd.s32 $0x8, v37;
	v1 =	vadd.s32 $0x10F, v1  }
0xd7: {  	s23 =	sadd.s32 $0xFFFFFE80, s5;
	v0 =	vsel vm5, v0, v1  }
0xd8: {  	s26 =	sor.u32 $0x50, s23;
	[tilespmem:$0x4280] =	vst v0  }
0xd9: {  	v0 =	vld [tilespmem:s26+$0x0];
	_ =	sdelay $0x4  }
0xda: {  	v40 =	vadd.s32 $0xFFFFFF00, v0  }
0xdb: {  	vm6 =	vgt.s32 v40, $0x0  }
0xdc: {  	v1 =	vnsel vm6, $0x0, v40  }
0xdd: {  	v41 =	vmul.u32 $0xFF01, v1;
	_ =	sdelay $0x1  }
0xde: {  	v2 =	vshrl.u32 v41, $0x18  }
0xdf: {  	v2 =	vmul.u32 $0x7, v2;
	_ =	sdelay $0x1  }
0xe0: {  	v1 =	vadd.s32 v2, v1  }
0xe1: {  	vm7 =	vlt.s32 v0, $0x100;
	v0 =	vadd.s32 $0x8, v0;
	v1 =	vadd.s32 $0x10F, v1  }
0xe2: {  	v0 =	vsel vm7, v0, v1  }
0xe3: {  	s26 =	sor.u32 $0x60, s23;
	[tilespmem:$0x4290] =	vst v0  }
0xe4: {  	v0 =	vld [tilespmem:s26+$0x0];
	_ =	sdelay $0x4  }
0xe5: {  	v42 =	vadd.s32 $0xFFFFFF00, v0  }
0xe6: {  	vm8 =	vgt.s32 v42, $0x0  }
0xe7: {  	v1 =	vnsel vm8, $0x0, v42  }
0xe8: {  	v43 =	vmul.u32 $0xFF01, v1;
	_ =	sdelay $0x1  }
0xe9: {  	v2 =	vshrl.u32 v43, $0x18  }
0xea: {  	v2 =	vmul.u32 $0x7, v2;
	_ =	sdelay $0x1  }
0xeb: {  	v1 =	vadd.s32 v2, v1  }
0xec: {  	vm9 =	vlt.s32 v0, $0x100;
	v0 =	vadd.s32 $0x8, v0;
	v1 =	vadd.s32 $0x10F, v1  }
0xed: {  	v0 =	vsel vm9, v0, v1  }
0xee: {  	s23 =	sor.u32 $0x70, s23;
	[tilespmem:$0x42A0] =	vst v0  }
0xef: {  	v0 =	vld [tilespmem:s23+$0x0];
	_ =	sdelay $0x4  }
0xf0: {  	v44 =	vadd.s32 $0xFFFFFF00, v0  }
0xf1: {  	vm10 =	vgt.s32 v44, $0x0  }
0xf2: {  	v1 =	vnsel vm10, $0x0, v44  }
0xf3: {  	v45 =	vmul.u32 $0xFF01, v1;
	_ =	sdelay $0x1  }
0xf4: {  	v2 =	vshrl.u32 v45, $0x18  }
0xf5: {  	v2 =	vmul.u32 $0x7, v2;
	_ =	sdelay $0x1  }
0xf6: {  	v1 =	vadd.s32 v2, v1  }
0xf7: {  	vm11 =	vlt.s32 v0, $0x100;
	v0 =	vadd.s32 $0x8, v0;
	v1 =	vadd.s32 $0x10F, v1  }
0xf8: {  	v0 =	vsel vm11, v0, v1  }
0xf9: {  	s26 =	simm.s32 $0x4280;
	[tilespmem:$0x42B0] =	vst v0  }
0xfa: {  	[tilespmem:s24], [sflag:$0x6] =	stream.indirect.gather [hbm4b:s3+s10], $0x80, s26, s10, $0xb8;
	[tilespmem:$0x14400] =	vst v63  }
0xfb: {  	_ =	swait.ge [sflag:s25], $0x2000  }
0xfc: {  	[sflag:s25] =	ssyncset.done $0x0  }
0xfd: {  	s23 =	simm.s32 @!p0 $0xF;
	s26 =	sadd.s32 $0x800, s20;
	[sflag:s25] =	ssyncadd.s32 $0xFFFFE000  }
0xfe: {  	[hbm4b:s26+s2] =	stream.linear.scatter [tilespmem:s16], [sflag:$0xB], $0x2000, $0x38;
	[tilespmem:$0x14400] =	vst v63  }
0xff: {  	_ =	swait.ge @!p0 [sflag:s23], $0x2000  }
0x100: {  	[sflag:s23] =	ssyncset.done @!p0 $0x0  }
0x101: {  	[sflag:s23] =	ssyncadd.s32 @!p0 $0xFFFFE000  }
0x102: {  	v46 =	vld [tilespmem:s15+$0x0];
	_ =	sdelay $0x4  }
0x103: {  	v47 =	vadd.s32 $0xFFFFFF00, v46  }
0x104: {  	vm12 =	vgt.s32 v47, $0x0  }
0x105: {  	v1 =	vnsel vm12, $0x0, v47  }
0x106: {  	v48 =	vmul.u32 $0xFF01, v1;
	_ =	sdelay $0x1  }
0x107: {  	v2 =	vshrl.u32 v48, $0x18  }
0x108: {  	v2 =	vmul.u32 $0x7, v2;
	_ =	sdelay $0x1  }
0x109: {  	v1 =	vadd.s32 v2, v1  }
0x10a: {  	vm13 =	vlt.s32 v46, $0x100;
	v0 =	vadd.s32 $0x8, v46;
	v1 =	vadd.s32 $0x10F, v1  }
0x10b: {  	v0 =	vsel vm13, v0, v1  }
0x10c: {  	[tilespmem:$0x4300] =	vst v0  }
0x10d: {  	v0 =	vld [tilespmem:s15+$0x10];
	_ =	sdelay $0x4  }
0x10e: {  	v49 =	vadd.s32 $0xFFFFFF00, v0  }
0x10f: {  	vm14 =	vgt.s32 v49, $0x0  }
0x110: {  	v1 =	vnsel vm14, $0x0, v49  }
0x111: {  	v50 =	vmul.u32 $0xFF01, v1;
	_ =	sdelay $0x1  }
0x112: {  	v2 =	vshrl.u32 v50, $0x18  }
0x113: {  	v2 =	vmul.u32 $0x7, v2;
	_ =	sdelay $0x1  }
0x114: {  	v1 =	vadd.s32 v2, v1  }
0x115: {  	vm15 =	vlt.s32 v0, $0x100;
	v0 =	vadd.s32 $0x8, v0;
	v1 =	vadd.s32 $0x10F, v1  }
0x116: {  	v0 =	vsel vm15, v0, v1  }
0x117: {  	[tilespmem:$0x4310] =	vst v0  }
0x118: {  	v0 =	vld [tilespmem:s15+$0x20];
	_ =	sdelay $0x4  }
0x119: {  	v51 =	vadd.s32 $0xFFFFFF00, v0  }
0x11a: {  	vm4 =	vgt.s32 v51, $0x0  }
0x11b: {  	v1 =	vnsel vm4, $0x0, v51  }
0x11c: {  	v52 =	vmul.u32 $0xFF01, v1;
	_ =	sdelay $0x1  }
0x11d: {  	v2 =	vshrl.u32 v52, $0x18  }
0x11e: {  	v2 =	vmul.u32 $0x7, v2;
	_ =	sdelay $0x1  }
0x11f: {  	v1 =	vadd.s32 v2, v1  }
0x120: {  	vm5 =	vlt.s32 v0, $0x100;
	v0 =	vadd.s32 $0x8, v0;
	v1 =	vadd.s32 $0x10F, v1  }
0x121: {  	v0 =	vsel vm5, v0, v1  }
0x122: {  	[tilespmem:$0x4320] =	vst v0  }
0x123: {  	v0 =	vld [tilespmem:s15+$0x30];
	_ =	sdelay $0x4  }
0x124: {  	v53 =	vadd.s32 $0xFFFFFF00, v0  }
0x125: {  	vm6 =	vgt.s32 v53, $0x0  }
0x126: {  	v1 =	vnsel vm6, $0x0, v53  }
0x127: {  	v54 =	vmul.u32 $0xFF01, v1;
	_ =	sdelay $0x1  }
0x128: {  	v2 =	vshrl.u32 v54, $0x18  }
0x129: {  	v2 =	vmul.u32 $0x7, v2;
	_ =	sdelay $0x1  }
0x12a: {  	v1 =	vadd.s32 v2, v1  }
0x12b: {  	vm7 =	vlt.s32 v0, $0x100;
	v0 =	vadd.s32 $0x8, v0;
	v1 =	vadd.s32 $0x10F, v1  }
0x12c: {  	v0 =	vsel vm7, v0, v1  }
0x12d: {  	s26 =	simm.s32 $0x4300;
	[tilespmem:$0x4330] =	vst v0  }
0x12e: {  	[tilespmem:s28], [sflag:$0x7] =	stream.indirect.gather [hbm4b:s3+s10], $0x80, s26, s10, $0xb8;
	[tilespmem:$0x14400] =	vst v63  }
0x12f: {  	_ =	swait.ge [sflag:s29], $0x2000  }
0x130: {  	[sflag:s29] =	ssyncset.done $0x0  }
0x131: {  	s23 =	simm.s32 @!p0 $0x10;
	s26 =	sadd.s32 $0xC00, s20;
	[sflag:s29] =	ssyncadd.s32 $0xFFFFE000  }
0x132: {  	[hbm4b:s26+s2] =	stream.linear.scatter [tilespmem:s18], [sflag:$0xC], $0x2000, $0x38;
	[tilespmem:$0x14400] =	vst v63  }
0x133: {  	_ =	swait.ge @!p0 [sflag:s23], $0x2000  }
0x134: {  	[sflag:s23] =	ssyncset.done @!p0 $0x0  }
0x135: {  	[sflag:s23] =	ssyncadd.s32 @!p0 $0xFFFFE000  }
0x136: {  	v55 =	vld [tilespmem:s15+$0x40];
	_ =	sdelay $0x4  }
0x137: {  	v56 =	vadd.s32 $0xFFFFFF00, v55  }
0x138: {  	vm8 =	vgt.s32 v56, $0x0  }
0x139: {  	v1 =	vnsel vm8, $0x0, v56  }
0x13a: {  	v57 =	vmul.u32 $0xFF01, v1;
	_ =	sdelay $0x1  }
0x13b: {  	v2 =	vshrl.u32 v57, $0x18  }
0x13c: {  	v2 =	vmul.u32 $0x7, v2;
	_ =	sdelay $0x1  }
0x13d: {  	v1 =	vadd.s32 v2, v1  }
0x13e: {  	vm9 =	vlt.s32 v55, $0x100;
	v0 =	vadd.s32 $0x8, v55;
	v1 =	vadd.s32 $0x10F, v1  }
0x13f: {  	s23 =	sadd.s32 $0xFFFFFF00, s5;
	v0 =	vsel vm9, v0, v1  }
0x140: {  	s26 =	sor.u32 $0x50, s23;
	[tilespmem:$0x4380] =	vst v0  }
0x141: {  	v0 =	vld [tilespmem:s26+$0x0];
	_ =	sdelay $0x4  }
0x142: {  	v58 =	vadd.s32 $0xFFFFFF00, v0  }
0x143: {  	vm10 =	vgt.s32 v58, $0x0  }
0x144: {  	v1 =	vnsel vm10, $0x0, v58  }
0x145: {  	v59 =	vmul.u32 $0xFF01, v1;
	_ =	sdelay $0x1  }
0x146: {  	v2 =	vshrl.u32 v59, $0x18  }
0x147: {  	v2 =	vmul.u32 $0x7, v2;
	_ =	sdelay $0x1  }
0x148: {  	v1 =	vadd.s32 v2, v1  }
0x149: {  	vm11 =	vlt.s32 v0, $0x100;
	v0 =	vadd.s32 $0x8, v0;
	v1 =	vadd.s32 $0x10F, v1  }
0x14a: {  	v0 =	vsel vm11, v0, v1  }
0x14b: {  	s26 =	sor.u32 $0x60, s23;
	[tilespmem:$0x4390] =	vst v0  }
0x14c: {  	v0 =	vld [tilespmem:s26+$0x0];
	_ =	sdelay $0x4  }
0x14d: {  	v60 =	vadd.s32 $0xFFFFFF00, v0  }
0x14e: {  	vm12 =	vgt.s32 v60, $0x0  }
0x14f: {  	v1 =	vnsel vm12, $0x0, v60  }
0x150: {  	v61 =	vmul.u32 $0xFF01, v1;
	_ =	sdelay $0x1  }
0x151: {  	v2 =	vshrl.u32 v61, $0x18  }
0x152: {  	v2 =	vmul.u32 $0x7, v2;
	_ =	sdelay $0x1  }
0x153: {  	v1 =	vadd.s32 v2, v1  }
0x154: {  	vm13 =	vlt.s32 v0, $0x100;
	v0 =	vadd.s32 $0x8, v0;
	v1 =	vadd.s32 $0x10F, v1  }
0x155: {  	v0 =	vsel vm13, v0, v1  }
0x156: {  	s23 =	sor.u32 $0x70, s23;
	[tilespmem:$0x43A0] =	vst v0  }
0x157: {  	v0 =	vld [tilespmem:s23+$0x0];
	_ =	sdelay $0x4  }
0x158: {  	v62 =	vadd.s32 $0xFFFFFF00, v0  }
0x159: {  	vm14 =	vgt.s32 v62, $0x0  }
0x15a: {  	v1 =	vnsel vm14, $0x0, v62  }
0x15b: {  	v63 =	vmul.u32 $0xFF01, v1;
	_ =	sdelay $0x1  }
0x15c: {  	v2 =	vshrl.u32 v63, $0x18  }
0x15d: {  	v2 =	vmul.u32 $0x7, v2;
	_ =	sdelay $0x1  }
0x15e: {  	v1 =	vadd.s32 v2, v1  }
0x15f: {  	vm15 =	vlt.s32 v0, $0x100;
	v0 =	vadd.s32 $0x8, v0;
	v1 =	vadd.s32 $0x10F, v1  }
0x160: {  	v0 =	vsel vm15, v0, v1  }
0x161: {  	p0 =	seq.s32 s17, $0x3E000;
	[tilespmem:$0x43B0] =	vst v0  }
0x162: {  	[tilespmem:s31], [sflag:$0x8] =	stream.indirect.gather [hbm4b:s3+s10], $0x80, s30, s10, $0xb8;
	[tilespmem:$0x14400] =	vst v63  }
.Ltmp2:
0x163: {  	_ = 	snop;
	(pc) =	sbr.rel @!p0 .LBB2_3-.Ltmp2, $4  }
0x164: {  	_ =	swait.ge [sflag:s1], $0x2000  }
0x165: {  	[sflag:s1] =	ssyncset.done $0x0  }
0x166: {  	s26 =	sadd.s32 $0x1000, s20;
	[sflag:s1] =	ssyncadd.s32 $0xFFFFE000  }
0x167: {  	[hbm4b:s26+s2] =	stream.linear.scatter [tilespmem:s21], [sflag:$0xD], $0x2000, $0x38;
	[tilespmem:$0x14400] =	vst v63  }
.Ltmp3:
0x168: {  	(pc) =	sbr.rel .LBB2_5-.Ltmp3, $4  }
0x169: {  	_ =	swait.ge [sflag:s0], $0x2000  }
0x16a: {  	[sflag:s0] =	ssyncset.done $0x0  }
0x16b: {  	s23 =	rddreg [dreg:$0x4];
	[sflag:s0] =	ssyncadd.s32 $0xFFFFE000  }
0x16c: {  	[hbm4b:s23+s2] =	stream.linear.scatter [tilespmem:s24], [sflag:$0xE], $0x2000, $0x38;
	[tilespmem:$0x14400] =	vst v63  }
.LBB2_3:
0x16d: {  	_ =	swait.ge [sflag:s7], $0x2000  }
0x16e: {  	[sflag:s7] =	ssyncset.done $0x0  }
0x16f: {  	[sflag:s7] =	ssyncadd.s32 $0xFFFFE000  }
0x170: {  	v0 =	vld [tilespmem:s15+$0x80];
	_ =	sdelay $0x4  }
0x171: {  	v1 =	vadd.s32 $0xFFFFFF00, v0  }
0x172: {  	vm0 =	vgt.s32 v1, $0x0  }
0x173: {  	v1 =	vnsel vm0, $0x0, v1  }
0x174: {  	v2 =	vmul.u32 $0xFF01, v1;
	_ =	sdelay $0x1  }
0x175: {  	v2 =	vshrl.u32 v2, $0x18  }
0x176: {  	v2 =	vmul.u32 $0x7, v2;
	_ =	sdelay $0x1  }
0x177: {  	v1 =	vadd.s32 v2, v1  }
0x178: {  	vm13 =	vlt.s32 v0, $0x100;
	v0 =	vadd.s32 $0x8, v0;
	v1 =	vadd.s32 $0x10F, v1  }
0x179: {  	v0 =	vsel vm13, v0, v1  }
0x17a: {  	[tilespmem:$0x4000] =	vst v0  }
0x17b: {  	v0 =	vld [tilespmem:s15+$0x90];
	_ =	sdelay $0x4  }
0x17c: {  	v49 =	vadd.s32 $0xFFFFFF00, v0  }
0x17d: {  	vm14 =	vgt.s32 v49, $0x0  }
0x17e: {  	v1 =	vnsel vm14, $0x0, v49  }
0x17f: {  	v50 =	vmul.u32 $0xFF01, v1;
	_ =	sdelay $0x1  }
0x180: {  	v2 =	vshrl.u32 v50, $0x18  }
0x181: {  	v2 =	vmul.u32 $0x7, v2;
	_ =	sdelay $0x1  }
0x182: {  	v1 =	vadd.s32 v2, v1  }
0x183: {  	vm15 =	vlt.s32 v0, $0x100;
	v0 =	vadd.s32 $0x8, v0;
	v1 =	vadd.s32 $0x10F, v1  }
0x184: {  	v0 =	vsel vm15, v0, v1  }
0x185: {  	[tilespmem:$0x4010] =	vst v0  }
0x186: {  	v0 =	vld [tilespmem:s15+$0xA0];
	_ =	sdelay $0x4  }
0x187: {  	v51 =	vadd.s32 $0xFFFFFF00, v0  }
0x188: {  	vm4 =	vgt.s32 v51, $0x0  }
0x189: {  	v1 =	vnsel vm4, $0x0, v51  }
0x18a: {  	v52 =	vmul.u32 $0xFF01, v1;
	_ =	sdelay $0x1  }
0x18b: {  	v2 =	vshrl.u32 v52, $0x18  }
0x18c: {  	v2 =	vmul.u32 $0x7, v2;
	_ =	sdelay $0x1  }
0x18d: {  	v1 =	vadd.s32 v2, v1  }
0x18e: {  	vm5 =	vlt.s32 v0, $0x100;
	v0 =	vadd.s32 $0x8, v0;
	v1 =	vadd.s32 $0x10F, v1  }
0x18f: {  	v0 =	vsel vm5, v0, v1  }
0x190: {  	[tilespmem:$0x4020] =	vst v0  }
0x191: {  	v0 =	vld [tilespmem:s15+$0xB0];
	_ =	sdelay $0x4  }
0x192: {  	v53 =	vadd.s32 $0xFFFFFF00, v0  }
0x193: {  	vm6 =	vgt.s32 v53, $0x0  }
0x194: {  	v1 =	vnsel vm6, $0x0, v53  }
0x195: {  	v54 =	vmul.u32 $0xFF01, v1;
	_ =	sdelay $0x1  }
0x196: {  	v2 =	vshrl.u32 v54, $0x18  }
0x197: {  	v2 =	vmul.u32 $0x7, v2;
	_ =	sdelay $0x1  }
0x198: {  	v1 =	vadd.s32 v2, v1  }
0x199: {  	vm7 =	vlt.s32 v0, $0x100;
	v0 =	vadd.s32 $0x8, v0;
	v1 =	vadd.s32 $0x10F, v1  }
0x19a: {  	v0 =	vsel vm7, v0, v1  }
0x19b: {  	s23 =	simm.s32 $0x4000;
	[tilespmem:$0x4030] =	vst v0  }
0x19c: {  	[tilespmem:s12], [sflag:$0x1] =	stream.indirect.gather [hbm4b:s3+s10], $0x80, s23, s10, $0xb8;
	[tilespmem:$0x14400] =	vst v63  }
0x19d: {  	_ =	swait.ge [sflag:s0], $0x2000  }
0x19e: {  	[sflag:s0] =	ssyncset.done $0x0  }
0x19f: {  	s26 =	sadd.s32 $0x1400, s20;
	[sflag:s0] =	ssyncadd.s32 $0xFFFFE000  }
0x1a0: {  	[hbm4b:s26+s2] =	stream.linear.scatter [tilespmem:s24], [sflag:$0xE], $0x2000, $0x38;
	[tilespmem:$0x14400] =	vst v63  }
0x1a1: {  	_ =	swait.ge [sflag:s9], $0x2000  }
0x1a2: {  	[sflag:s9] =	ssyncset.done $0x0  }
0x1a3: {  	[sflag:s9] =	ssyncadd.s32 $0xFFFFE000  }
0x1a4: {  	v55 =	vld [tilespmem:s15+$0xC0];
	_ =	sdelay $0x4  }
0x1a5: {  	v56 =	vadd.s32 $0xFFFFFF00, v55  }
0x1a6: {  	vm8 =	vgt.s32 v56, $0x0  }
0x1a7: {  	v1 =	vnsel vm8, $0x0, v56  }
0x1a8: {  	v57 =	vmul.u32 $0xFF01, v1;
	_ =	sdelay $0x1  }
0x1a9: {  	v2 =	vshrl.u32 v57, $0x18  }
0x1aa: {  	v2 =	vmul.u32 $0x7, v2;
	_ =	sdelay $0x1  }
0x1ab: {  	v1 =	vadd.s32 v2, v1  }
0x1ac: {  	vm9 =	vlt.s32 v55, $0x100;
	v0 =	vadd.s32 $0x8, v55;
	v1 =	vadd.s32 $0x10F, v1  }
0x1ad: {  	s23 =	sadd.s32 $0xFFFFFF80, s5;
	v0 =	vsel vm9, v0, v1  }
0x1ae: {  	s26 =	sor.u32 $0x50, s23;
	[tilespmem:$0x4080] =	vst v0  }
0x1af: {  	v0 =	vld [tilespmem:s26+$0x0];
	_ =	sdelay $0x4  }
0x1b0: {  	v58 =	vadd.s32 $0xFFFFFF00, v0  }
0x1b1: {  	vm10 =	vgt.s32 v58, $0x0  }
0x1b2: {  	v1 =	vnsel vm10, $0x0, v58  }
0x1b3: {  	v59 =	vmul.u32 $0xFF01, v1;
	_ =	sdelay $0x1  }
0x1b4: {  	v2 =	vshrl.u32 v59, $0x18  }
0x1b5: {  	v2 =	vmul.u32 $0x7, v2;
	_ =	sdelay $0x1  }
0x1b6: {  	v1 =	vadd.s32 v2, v1  }
0x1b7: {  	vm11 =	vlt.s32 v0, $0x100;
	v0 =	vadd.s32 $0x8, v0;
	v1 =	vadd.s32 $0x10F, v1  }
0x1b8: {  	v0 =	vsel vm11, v0, v1  }
0x1b9: {  	s26 =	sor.u32 $0x60, s23;
	[tilespmem:$0x4090] =	vst v0  }
0x1ba: {  	v0 =	vld [tilespmem:s26+$0x0];
	_ =	sdelay $0x4  }
0x1bb: {  	v60 =	vadd.s32 $0xFFFFFF00, v0  }
0x1bc: {  	vm12 =	vgt.s32 v60, $0x0  }
0x1bd: {  	v1 =	vnsel vm12, $0x0, v60  }
0x1be: {  	v61 =	vmul.u32 $0xFF01, v1;
	_ =	sdelay $0x1  }
0x1bf: {  	v2 =	vshrl.u32 v61, $0x18  }
0x1c0: {  	v2 =	vmul.u32 $0x7, v2;
	_ =	sdelay $0x1  }
0x1c1: {  	v1 =	vadd.s32 v2, v1  }
0x1c2: {  	vm13 =	vlt.s32 v0, $0x100;
	v0 =	vadd.s32 $0x8, v0;
	v1 =	vadd.s32 $0x10F, v1  }
0x1c3: {  	v0 =	vsel vm13, v0, v1  }
0x1c4: {  	s23 =	sor.u32 $0x70, s23;
	[tilespmem:$0x40A0] =	vst v0  }
0x1c5: {  	v0 =	vld [tilespmem:s23+$0x0];
	_ =	sdelay $0x4  }
0x1c6: {  	v62 =	vadd.s32 $0xFFFFFF00, v0  }
0x1c7: {  	vm14 =	vgt.s32 v62, $0x0  }
0x1c8: {  	v1 =	vnsel vm14, $0x0, v62  }
0x1c9: {  	v63 =	vmul.u32 $0xFF01, v1;
	_ =	sdelay $0x1  }
0x1ca: {  	v2 =	vshrl.u32 v63, $0x18  }
0x1cb: {  	v2 =	vmul.u32 $0x7, v2;
	_ =	sdelay $0x1  }
0x1cc: {  	v1 =	vadd.s32 v2, v1  }
0x1cd: {  	vm15 =	vlt.s32 v0, $0x100;
	v0 =	vadd.s32 $0x8, v0;
	v1 =	vadd.s32 $0x10F, v1  }
0x1ce: {  	v0 =	vsel vm15, v0, v1  }
0x1cf: {  	s26 =	simm.s32 $0x4080;
	[tilespmem:$0x40B0] =	vst v0  }
0x1d0: {  	[tilespmem:s14], [sflag:$0x2] =	stream.indirect.gather [hbm4b:s3+s10], $0x80, s26, s10, $0xb8;
	[tilespmem:$0x14400] =	vst v63  }
.LBB2_5:
.Ltmp4:
0x1d1: {  	(pc) =	sbr.rel @p0 .LBB2_7-.Ltmp4, $4  }
0x1d2: {  	_ =	swait.ge [sflag:s4], $0x2000  }
0x1d3: {  	[sflag:s4] =	ssyncset.done $0x0  }
0x1d4: {  	s23 =	sadd.s32 $0x1800, s20;
	[sflag:s4] =	ssyncadd.s32 $0xFFFFE000  }
0x1d5: {  	[hbm4b:s23+s2] =	stream.linear.scatter [tilespmem:s28], [sflag:$0xF], $0x2000, $0x38;
	[tilespmem:$0x14400] =	vst v63  }
0x1d6: {  	_ =	swait.ge [sflag:s11], $0x2000  }
0x1d7: {  	[sflag:s11] =	ssyncset.done $0x0  }
0x1d8: {  	[sflag:s11] =	ssyncadd.s32 $0xFFFFE000  }
0x1d9: {  	v0 =	vld [tilespmem:s15+$0x100];
	_ =	sdelay $0x4  }
0x1da: {  	v1 =	vadd.s32 $0xFFFFFF00, v0  }
0x1db: {  	vm0 =	vgt.s32 v1, $0x0  }
0x1dc: {  	v1 =	vnsel vm0, $0x0, v1  }
0x1dd: {  	v2 =	vmul.u32 $0xFF01, v1;
	_ =	sdelay $0x1  }
0x1de: {  	v2 =	vshrl.u32 v2, $0x18  }
0x1df: {  	v2 =	vmul.u32 $0x7, v2;
	_ =	sdelay $0x1  }
0x1e0: {  	v1 =	vadd.s32 v2, v1  }
0x1e1: {  	vm13 =	vlt.s32 v0, $0x100;
	v0 =	vadd.s32 $0x8, v0;
	v1 =	vadd.s32 $0x10F, v1  }
0x1e2: {  	v0 =	vsel vm13, v0, v1  }
0x1e3: {  	[tilespmem:$0x4100] =	vst v0  }
0x1e4: {  	v0 =	vld [tilespmem:s15+$0x110];
	_ =	sdelay $0x4  }
0x1e5: {  	v49 =	vadd.s32 $0xFFFFFF00, v0  }
0x1e6: {  	vm14 =	vgt.s32 v49, $0x0  }
0x1e7: {  	v1 =	vnsel vm14, $0x0, v49  }
0x1e8: {  	v50 =	vmul.u32 $0xFF01, v1;
	_ =	sdelay $0x1  }
0x1e9: {  	v2 =	vshrl.u32 v50, $0x18  }
0x1ea: {  	v2 =	vmul.u32 $0x7, v2;
	_ =	sdelay $0x1  }
0x1eb: {  	v1 =	vadd.s32 v2, v1  }
0x1ec: {  	vm15 =	vlt.s32 v0, $0x100;
	v0 =	vadd.s32 $0x8, v0;
	v1 =	vadd.s32 $0x10F, v1  }
0x1ed: {  	v0 =	vsel vm15, v0, v1  }
0x1ee: {  	[tilespmem:$0x4110] =	vst v0  }
0x1ef: {  	v0 =	vld [tilespmem:s15+$0x120];
	_ =	sdelay $0x4  }
0x1f0: {  	v51 =	vadd.s32 $0xFFFFFF00, v0  }
0x1f1: {  	vm4 =	vgt.s32 v51, $0x0  }
0x1f2: {  	v1 =	vnsel vm4, $0x0, v51  }
0x1f3: {  	v52 =	vmul.u32 $0xFF01, v1;
	_ =	sdelay $0x1  }
0x1f4: {  	v2 =	vshrl.u32 v52, $0x18  }
0x1f5: {  	v2 =	vmul.u32 $0x7, v2;
	_ =	sdelay $0x1  }
0x1f6: {  	v1 =	vadd.s32 v2, v1  }
0x1f7: {  	vm5 =	vlt.s32 v0, $0x100;
	v0 =	vadd.s32 $0x8, v0;
	v1 =	vadd.s32 $0x10F, v1  }
0x1f8: {  	v0 =	vsel vm5, v0, v1  }
0x1f9: {  	[tilespmem:$0x4120] =	vst v0  }
0x1fa: {  	v0 =	vld [tilespmem:s15+$0x130];
	_ =	sdelay $0x4  }
0x1fb: {  	v53 =	vadd.s32 $0xFFFFFF00, v0  }
0x1fc: {  	vm6 =	vgt.s32 v53, $0x0  }
0x1fd: {  	v1 =	vnsel vm6, $0x0, v53  }
0x1fe: {  	v54 =	vmul.u32 $0xFF01, v1;
	_ =	sdelay $0x1  }
0x1ff: {  	v2 =	vshrl.u32 v54, $0x18  }
0x200: {  	v2 =	vmul.u32 $0x7, v2;
	_ =	sdelay $0x1  }
0x201: {  	v1 =	vadd.s32 v2, v1  }
0x202: {  	vm7 =	vlt.s32 v0, $0x100;
	v0 =	vadd.s32 $0x8, v0;
	v1 =	vadd.s32 $0x10F, v1  }
0x203: {  	v0 =	vsel vm7, v0, v1  }
0x204: {  	s23 =	simm.s32 $0x4100;
	[tilespmem:$0x4130] =	vst v0  }
0x205: {  	[tilespmem:s16], [sflag:$0x3] =	stream.indirect.gather [hbm4b:s3+s10], $0x80, s23, s10, $0xb8;
	[tilespmem:$0x14400] =	vst v63  }
0x206: {  	_ =	swait.ge [sflag:s6], $0x2000  }
0x207: {  	[sflag:s6] =	ssyncset.done $0x0  }
0x208: {  	s20 =	sadd.s32 $0x1C00, s20;
	[sflag:s6] =	ssyncadd.s32 $0xFFFFE000  }
0x209: {  	[hbm4b:s20+s2] =	stream.linear.scatter [tilespmem:s31], [sflag:$0x10], $0x2000, $0x38;
	[tilespmem:$0x14400] =	vst v63  }
0x20a: {  	_ =	swait.ge [sflag:s13], $0x2000  }
0x20b: {  	[sflag:s13] =	ssyncset.done $0x0  }
0x20c: {  	[sflag:s13] =	ssyncadd.s32 $0xFFFFE000  }
0x20d: {  	v55 =	vld [tilespmem:s15+$0x140];
	_ =	sdelay $0x4  }
0x20e: {  	v56 =	vadd.s32 $0xFFFFFF00, v55  }
0x20f: {  	vm8 =	vgt.s32 v56, $0x0  }
0x210: {  	v1 =	vnsel vm8, $0x0, v56  }
0x211: {  	v57 =	vmul.u32 $0xFF01, v1;
	_ =	sdelay $0x1  }
0x212: {  	v2 =	vshrl.u32 v57, $0x18  }
0x213: {  	v2 =	vmul.u32 $0x7, v2;
	_ =	sdelay $0x1  }
0x214: {  	v1 =	vadd.s32 v2, v1  }
0x215: {  	vm9 =	vlt.s32 v55, $0x100;
	v0 =	vadd.s32 $0x8, v55;
	v1 =	vadd.s32 $0x10F, v1  }
0x216: {  	v0 =	vsel vm9, v0, v1  }
0x217: {  	s23 =	sor.u32 $0x50, s5;
	[tilespmem:$0x4180] =	vst v0  }
0x218: {  	v0 =	vld [tilespmem:s23+$0x0];
	_ =	sdelay $0x4  }
0x219: {  	v58 =	vadd.s32 $0xFFFFFF00, v0  }
0x21a: {  	vm10 =	vgt.s32 v58, $0x0  }
0x21b: {  	v1 =	vnsel vm10, $0x0, v58  }
0x21c: {  	v59 =	vmul.u32 $0xFF01, v1;
	_ =	sdelay $0x1  }
0x21d: {  	v2 =	vshrl.u32 v59, $0x18  }
0x21e: {  	v2 =	vmul.u32 $0x7, v2;
	_ =	sdelay $0x1  }
0x21f: {  	v1 =	vadd.s32 v2, v1  }
0x220: {  	vm11 =	vlt.s32 v0, $0x100;
	v0 =	vadd.s32 $0x8, v0;
	v1 =	vadd.s32 $0x10F, v1  }
0x221: {  	v0 =	vsel vm11, v0, v1  }
0x222: {  	s26 =	sor.u32 $0x60, s5;
	[tilespmem:$0x4190] =	vst v0  }
0x223: {  	v0 =	vld [tilespmem:s26+$0x0];
	_ =	sdelay $0x4  }
0x224: {  	v60 =	vadd.s32 $0xFFFFFF00, v0  }
0x225: {  	vm12 =	vgt.s32 v60, $0x0  }
0x226: {  	v1 =	vnsel vm12, $0x0, v60  }
0x227: {  	v61 =	vmul.u32 $0xFF01, v1;
	_ =	sdelay $0x1  }
0x228: {  	v2 =	vshrl.u32 v61, $0x18  }
0x229: {  	v2 =	vmul.u32 $0x7, v2;
	_ =	sdelay $0x1  }
0x22a: {  	v1 =	vadd.s32 v2, v1  }
0x22b: {  	vm13 =	vlt.s32 v0, $0x100;
	v0 =	vadd.s32 $0x8, v0;
	v1 =	vadd.s32 $0x10F, v1  }
0x22c: {  	v0 =	vsel vm13, v0, v1  }
0x22d: {  	s23 =	sor.u32 $0x70, s5;
	[tilespmem:$0x41A0] =	vst v0  }
0x22e: {  	v0 =	vld [tilespmem:s23+$0x0];
	_ =	sdelay $0x4  }
0x22f: {  	v62 =	vadd.s32 $0xFFFFFF00, v0  }
0x230: {  	vm14 =	vgt.s32 v62, $0x0  }
0x231: {  	v1 =	vnsel vm14, $0x0, v62  }
0x232: {  	v63 =	vmul.u32 $0xFF01, v1;
	_ =	sdelay $0x1  }
0x233: {  	v2 =	vshrl.u32 v63, $0x18  }
0x234: {  	v2 =	vmul.u32 $0x7, v2;
	_ =	sdelay $0x1  }
.Ltmp5:
0x235: {  	v1 =	vadd.s32 v2, v1;
	(pc) =	sbr.rel .LBB2_2-.Ltmp5, $4  }
0x236: {  	vm15 =	vlt.s32 v0, $0x100;
	v0 =	vadd.s32 $0x8, v0;
	v1 =	vadd.s32 $0x10F, v1  }
0x237: {  	s17 =	sadd.s32 $0x2000, s17;
	v0 =	vsel vm15, v0, v1  }
0x238: {  	s15 =	sadd.s32 $0x200, s15;
	s5 =	sadd.s32 $0x200, s5;
	s26 =	simm.s32 $0x4180;
	[tilespmem:$0x41B0] =	vst v0  }
0x239: {  	[tilespmem:s18], [sflag:$0x4] =	stream.indirect.gather [hbm4b:s3+s10], $0x80, s26, s10, $0xb8;
	[tilespmem:$0x14400] =	vst v63  }
.LBB2_8:
0x23a: {  	_ =	sfence.sel $0x180000  }
0x23b: {  	[bflag:$0x0] =	sbarrier.arrive $0xFFFF  }
0x23c: {  	_ =	strace $0x90000047  }
0x23d: {  	s0 =	stileid.u32;
	[bflag:$0x2] =	sbarrier.arrive $0xFFFF  }
0x23e: {  	p0 =	sne.s32 s0, $0x0;
	s0 =	rddreg [dreg:$0x2]  }
0x23f: {  	s0 =	sadd.s32 @!p0 $0x100000, s0  }
0x240: {  	[sflag:s0] =	ssyncadd.tile.s32 @!p0 $0x1;
	_ =	shalt  }
.Lfunc_end2:
_tile_overlayer_lowered:
.L_overlay_start_2:
0x241: {  	(tag) =	ssettag $0x2  }
0x242: {  	s0 =	rddreg [dreg:$0x0];
	s2 =	stileid.u32  }
0x243: {  	s1 =	rddreg [dreg:$0x1];
	p0 =	sne.s32 s2, $0x0  }
0x244: {  	s3 =	rddreg [dreg:$0x2];
	[bflag:$0x3] =	sbarrier.arrive $0xFFFF;
	s2 =	simm.s32 @!p0 $0x1C11  }
0x245: {  	[timem:s3], [sflag:s2] =	dma.local @!p0 [hbm:s0], s1  }
0x246: {  	s0 =	simm.s32 @!p0 $0x11  }
0x247: {  	_ =	swait.ge @!p0 [sflag:s0], s1  }
0x248: {  	s1 =	ssub.s32 @!p0 $0x0, s1;
	[sflag:s0] =	ssyncset.done @!p0 $0x0  }
0x249: {  	[sflag:s0] =	ssyncadd.s32 @!p0 s1  }
0x24a: {  	[bflag:$0x3] =	sbarrier.arrive $0xFFFF  }
0x24b: {  	_ =	shalt  }

</sc_bundles>
